<compile_context>
chip_gen: v7x
topology: tpu7x:2x2x1
jax: 0.10.2.dev20260603
libtpu: 0.0.44.dev20260713+nightly
codegen_flags: <defaults>
</compile_context>

<pallas_src>
import functools

import jax
import jax.numpy as jnp
from jax import lax
from jax.experimental import pallas as pl
from jax.experimental.pallas import tpu as pltpu
from jax.experimental.pallas import tpu_sc as plsc

B_, Q_, T_ = 4, 100, 10
HP_ = 112
HT_ = 256
K_ = 12544
NS_ = 37632
NIMP_ = 9408
NRAND_ = 3136
M_ = 40
PHW_ = HP_ * HP_
THW_ = HT_ * HT_
W_EOS_ = 0.1

OFF_V = 0
OFF_PRED = 37632
OFF_CB = 50176
OFF_TGT = 62720
ARENA_ = 128256

S_CHUNK = 6272
N_CHUNKS = NS_ // S_CHUNK
VPC = S_CHUNK // 16


def _bilin(arena, img_off, img_w, img_h, x, y):
    xi = (x + 1.0).astype(jnp.int32) - 1
    yi = (y + 1.0).astype(jnp.int32) - 1
    wx1 = x - xi.astype(jnp.float32)
    wy1 = y - yi.astype(jnp.float32)
    wx0 = 1.0 - wx1
    wy0 = 1.0 - wy1
    img = arena.at[pl.ds(img_off, img_w * img_h)]
    acc = jnp.zeros((16,), jnp.float32)
    for dy, wy in ((0, wy0), (1, wy1)):
        for dx, wx in ((0, wx0), (1, wx1)):
            cx = xi + dx
            cy = yi + dy
            valid = (cx >= 0) & (cx < img_w) & (cy >= 0) & (cy < img_h)
            lin = (jnp.clip(cy, 0, img_h - 1) * img_w
                   + jnp.clip(cx, 0, img_w - 1))
            val = plsc.load_gather(img, [lin])
            acc = acc + jnp.where(valid, (wy * wx) * val, 0.0)
    return acc


def _coords(arena, lane, j):
    ix = (j * 16 + lane) * 2
    cb = arena.at[pl.ds(OFF_CB, 2 * S_CHUNK)]
    sx = plsc.load_gather(cb, [ix])
    sy = plsc.load_gather(cb, [ix + 1])
    return sx, sy


def _stage_a(arena, lane, m, sc_hbm):
    def chunk(c, _):
        pltpu.sync_copy(
            sc_hbm.at[pl.ds(m * 2 * NS_ + c * 2 * S_CHUNK, 2 * S_CHUNK)],
            arena.at[pl.ds(OFF_CB, 2 * S_CHUNK)])

        def body(j, _):
            sx, sy = _coords(arena, lane, j)
            v = _bilin(arena, OFF_PRED, HP_, HP_,
                       sx * float(HP_) - 0.5, sy * float(HP_) - 0.5)
            arena[pl.ds(OFF_V + c * S_CHUNK + j * 16, 16)] = v
            return 0

        lax.fori_loop(0, VPC, body, 0)
        return 0

    lax.fori_loop(0, N_CHUNKS, chunk, 0)


def _hist_pass(arena, lane, shift, nbits, prefix, prefix_shift, k_rem):
    def clr(i, _):
        arena[pl.ds(OFF_TGT + i * 16, 16)] = jnp.zeros((16,), jnp.float32)
        return 0

    lax.fori_loop(0, 256, clr, 0)
    nb_mask = (1 << nbits) - 1
    hist = arena.at[pl.ds(OFF_TGT, 4096)]

    def body(j, _):
        v = arena[pl.ds(OFF_V + j * 16, 16)]
        u = plsc.bitcast(jnp.abs(v), jnp.int32)
        ok = lax.shift_right_logical(u, prefix_shift) == prefix
        bin_ = jnp.bitwise_and(lax.shift_right_logical(u, shift), nb_mask)
        plsc.addupdate_scatter(hist, [bin_ * 16 + lane],
                               jnp.ones((16,), jnp.float32), mask=ok)
        return 0

    lax.fori_loop(0, NS_ // 16, body, 0)

    def scan(b, carry):
        cum, bsel, kin = carry
        cnt = jnp.sum(arena[pl.ds(OFF_TGT + b * 16, 16)]).astype(jnp.int32)
        hit = (cum < k_rem) & (cum + cnt >= k_rem)
        bsel = jnp.where(hit, b, bsel)
        kin = jnp.where(hit, k_rem - cum, kin)
        return (cum + cnt, bsel, kin)

    _, bsel, kin = lax.fori_loop(0, 1 << nbits, scan,
                                 (jnp.int32(0), jnp.int32(0), jnp.int32(0)))
    return bsel, kin


def _select_threshold(arena, lane):
    k_rem = jnp.int32(NIMP_)
    prefix = jnp.int32(0)
    pshift = 31
    for shift, nbits in ((23, 8), (15, 8), (7, 8), (0, 7)):
        bsel, k_rem = _hist_pass(arena, lane, shift, nbits, prefix, pshift,
                                 k_rem)
        prefix = prefix * (1 << nbits) + bsel
        pshift = shift
    return prefix, k_rem


def _stage_d2(arena, lane, m, rc_hbm, pp_hbm, tp_hbm):
    pltpu.sync_copy(rc_hbm.at[pl.ds(m * 2 * NRAND_, 2 * NRAND_)],
                    arena.at[pl.ds(OFF_CB, 2 * NRAND_)])
    off_pr = OFF_CB + 2 * NRAND_
    off_tr = off_pr + NRAND_

    def body(j, _):
        ix = (j * 16 + lane) * 2
        cb = arena.at[pl.ds(OFF_CB, 2 * NRAND_)]
        rx = plsc.load_gather(cb, [ix])
        ry = plsc.load_gather(cb, [ix + 1])
        vp = _bilin(arena, OFF_PRED, HP_, HP_,
                    rx * float(HP_) - 0.5, ry * float(HP_) - 0.5)
        vt = _bilin(arena, OFF_TGT, HT_, HT_,
                    rx * float(HT_) - 0.5, ry * float(HT_) - 0.5)
        arena[pl.ds(off_pr + j * 16, 16)] = vp
        arena[pl.ds(off_tr + j * 16, 16)] = vt
        return 0

    lax.fori_loop(0, NRAND_ // 16, body, 0)
    pltpu.sync_copy(arena.at[pl.ds(off_pr, NRAND_)],
                    pp_hbm.at[pl.ds(m * K_ + NIMP_, NRAND_)])
    pltpu.sync_copy(arena.at[pl.ds(off_tr, NRAND_)],
                    tp_hbm.at[pl.ds(m * K_ + NIMP_, NRAND_)])


def _stage_d1(arena, lane, m, sc_hbm, pp_hbm, tp_hbm, thr, rbudget):
    def chunk(c, carry):
        pltpu.sync_copy(
            sc_hbm.at[pl.ds(m * 2 * NS_ + c * 2 * S_CHUNK, 2 * S_CHUNK)],
            arena.at[pl.ds(OFF_CB, 2 * S_CHUNK)])

        def body(j, carry2):
            off, ties = carry2
            sidx = c * S_CHUNK + j * 16
            v = arena[pl.ds(OFF_V + sidx, 16)]
            u = plsc.bitcast(jnp.abs(v), jnp.int32)
            lt = u < thr
            eq = u == thr
            eqi = eq.astype(jnp.int32)
            exc = plsc.cumsum(eqi) - eqi
            keep = lt | (eq & ((exc + ties) < rbudget))
            sx, sy = _coords(arena, lane, j)
            vt = _bilin(arena, OFF_TGT, HT_, HT_,
                        sx * float(HT_) - 0.5, sy * float(HT_) - 0.5)
            plsc.store_compressed(arena.at[pl.ds(OFF_V + off, 16)], v,
                                  mask=keep)
            plsc.store_compressed(arena.at[pl.ds(OFF_PRED + off, 16)], vt,
                                  mask=keep)
            return (off + jnp.sum(keep.astype(jnp.int32)),
                    ties + jnp.sum(eqi))

        return lax.fori_loop(0, VPC, body, carry)

    lax.fori_loop(0, N_CHUNKS, chunk, (jnp.int32(0), jnp.int32(0)))
    pltpu.sync_copy(arena.at[pl.ds(OFF_V, NIMP_)],
                    pp_hbm.at[pl.ds(m * K_, NIMP_)])
    pltpu.sync_copy(arena.at[pl.ds(OFF_PRED, NIMP_)],
                    tp_hbm.at[pl.ds(m * K_, NIMP_)])


def _sc_body(pred_hbm, tgt_hbm, ids_hbm, sc_hbm, rc_hbm, pp_hbm, tp_hbm,
             arena, ids_v):
    wid = lax.axis_index("s") * 2 + lax.axis_index("c")
    pltpu.sync_copy(ids_hbm, ids_v)
    lane = lax.iota(jnp.int32, 16)

    def row(t, _):
        m = wid + 32 * t

        @pl.when(m < M_)
        def _():
            rid = jnp.max(plsc.load_gather(ids_v, [jnp.full((16,), m, jnp.int32)]))
            pltpu.sync_copy(pred_hbm.at[pl.ds(rid * PHW_, PHW_)],
                            arena.at[pl.ds(OFF_PRED, PHW_)])
            _stage_a(arena, lane, m, sc_hbm)
            thr, rbudget = _select_threshold(arena, lane)
            pltpu.sync_copy(tgt_hbm.at[pl.ds(m * THW_, THW_)],
                            arena.at[pl.ds(OFF_TGT, THW_)])
            _stage_d2(arena, lane, m, rc_hbm, pp_hbm, tp_hbm)
            _stage_d1(arena, lane, m, sc_hbm, pp_hbm, tp_hbm, thr, rbudget)

        return 0

    lax.fori_loop(0, 2, row, 0)


_sc_kernel = functools.partial(
    pl.kernel,
    out_type=(jax.ShapeDtypeStruct((M_ * K_,), jnp.float32),
              jax.ShapeDtypeStruct((M_ * K_,), jnp.float32)),
    mesh=plsc.VectorSubcoreMesh(core_axis_name="c", subcore_axis_name="s", num_cores=2, num_subcores=16),
    scratch_types=[pltpu.VMEM((ARENA_,), jnp.float32),
                   pltpu.VMEM((48,), jnp.int32)],
    compiler_params=pltpu.CompilerParams(needs_layout_passes=False),
)(_sc_body)


def _tc_body(pp_ref, tp_ref, cls_ref, fidx_ref, out_ref):
    pp = pp_ref[...]
    tp = tp_ref[...]
    bce = (jnp.maximum(pp, 0.0) - pp * tp
           + jnp.log1p(jnp.exp(-jnp.abs(pp))))
    mask_loss = jnp.sum(bce) / (K_ * M_)
    prob = jax.nn.sigmoid(pp)
    num = 2.0 * jnp.sum(prob * tp, axis=-1, keepdims=True)
    den = (jnp.sum(prob, axis=-1, keepdims=True)
           + jnp.sum(tp, axis=-1, keepdims=True))
    dice_loss = jnp.sum(1.0 - (num + 1.0) / (den + 1.0)) / M_

    logits = cls_ref[...]
    mx = jnp.max(logits, axis=-1, keepdims=True)
    lse = mx + jnp.log(jnp.sum(jnp.exp(logits - mx), axis=-1, keepdims=True))
    logp = logits - lse
    fidx = fidx_ref[...]
    jj = lax.broadcasted_iota(jnp.int32, (B_ * Q_, 1), 0)
    is0 = jnp.any(jj == fidx, axis=1, keepdims=True)
    picked = jnp.where(is0, logp[:, 0:1], logp[:, 1:2])
    wts = jnp.where(is0, 1.0, W_EOS_)
    class_loss = -jnp.sum(wts * picked) / jnp.sum(wts)

    li = lax.broadcasted_iota(jnp.int32, (1, 128), 1)
    out_ref[...] = jnp.where(
        li == 0, class_loss,
        jnp.where(li == 1, mask_loss,
                  jnp.where(li == 2, dice_loss, 0.0)))


def kernel(predicted_class, predicted_mask, target_mask, query_idx,
           sample_coord, random_coord):
    pred_flat = predicted_mask.reshape(B_ * Q_ * PHW_)
    tgt_flat = target_mask.reshape(M_ * THW_)
    qi = query_idx.astype(jnp.int32)
    bidx = jnp.repeat(jnp.arange(B_, dtype=jnp.int32), T_)
    row_ids = bidx * Q_ + qi
    ids_pad = jnp.concatenate([row_ids, jnp.zeros((8,), jnp.int32)])
    sc_flat = sample_coord.reshape(M_ * 2 * NS_)
    rc_flat = random_coord.reshape(M_ * 2 * NRAND_)

    pp, tp = _sc_kernel(pred_flat, tgt_flat, ids_pad, sc_flat, rc_flat)
    pp = pp.reshape(M_, K_)
    tp = tp.reshape(M_, K_)

    out = pl.pallas_call(
        _tc_body,
        out_shape=jax.ShapeDtypeStruct((1, 128), jnp.float32),
    )(pp, tp, predicted_class.reshape(B_ * Q_, 2), row_ids.reshape(1, M_))
    return out[0, :3]

# --- scband reference (transcript-rebuilt; emitter-appended) ---
"""Pipeline reference for scband-criterion-37134287242000 (READ-ONLY COPY).

The authoritative reference and input builder live on the scoring server;
editing this copy changes nothing except your own understanding.
"""

import jax, jax.numpy as jnp
import numpy as np

B, Q, T = 4, 100, 10
H = W = 112
HT = WT = 256
K = 12544
OVER = 3.0
IMP = 0.75
W_EOS = 0.1
N_SAMPLE = int(OVER * K)
N_IMP = int(IMP * K)
N_RAND = K - N_IMP
M = B * T


def grid_sample_1c(img, coords):
    # img: [N, Hh, Ww]; coords: [N, P, 2] in [-1, 1], (x, y) order,
    # bilinear, align_corners=False, zero padding (matches F.grid_sample defaults)
    N, Hh, Ww = img.shape
    x = ((coords[..., 0] + 1.0) * Ww - 1.0) / 2.0
    y = ((coords[..., 1] + 1.0) * Hh - 1.0) / 2.0
    x0 = jnp.floor(x)
    y0 = jnp.floor(y)
    wx1 = x - x0
    wy1 = y - y0
    wx0 = 1.0 - wx1
    wy0 = 1.0 - wy1
    x0i = x0.astype(jnp.int32)
    y0i = y0.astype(jnp.int32)
    x1i = x0i + 1
    y1i = y0i + 1
    flat = img.reshape(N, Hh * Ww)

    def gather(ix, iy):
        valid = (ix >= 0) & (ix < Ww) & (iy >= 0) & (iy < Hh)
        lin = jnp.clip(iy, 0, Hh - 1) * Ww + jnp.clip(ix, 0, Ww - 1)
        v = jnp.take_along_axis(flat, lin, axis=1)
        return jnp.where(valid, v, 0.0)

    out = (wy0 * wx0 * gather(x0i, y0i) + wy0 * wx1 * gather(x1i, y0i)
           + wy1 * wx0 * gather(x0i, y1i) + wy1 * wx1 * gather(x1i, y1i))
    return out


def setup_inputs(seed: int = 0) -> dict:
    key = jax.random.key(seed)
    k1, k2, k3, k4, k5, k6 = jax.random.split(key, 6)
    return {
        'predicted_class': jax.random.normal(k1, (B, Q, 2), dtype=jnp.float32),
        'predicted_mask': jax.random.normal(k2, (B, Q, H, W), dtype=jnp.float32),
        'target_mask': jax.random.uniform(k3, (M, HT, WT), dtype=jnp.float32),
        'query_idx': jax.random.randint(k4, (M,), 0, Q),
        'sample_coord': jax.random.uniform(k5, (M, N_SAMPLE, 2), dtype=jnp.float32),
        'random_coord': jax.random.uniform(k6, (M, N_RAND, 2), dtype=jnp.float32),
    }


def reference(predicted_class, predicted_mask, target_mask, query_idx, sample_coord, random_coord):
    batch_idx = jnp.repeat(jnp.arange(B), T)
    # gather matched predicted masks: [M, H, W]
    pred_m = predicted_mask[batch_idx, query_idx]

    # --- get_coords (importance point sampling), under no_grad in torch ---
    sc = sample_coord * 2.0 - 1.0
    sample_point = grid_sample_1c(pred_m, sc)  # [M, N_SAMPLE]
    score = -jnp.abs(sample_point)             # uncertainty
    _, idx = jax.lax.top_k(score, N_IMP)
    important = jnp.take_along_axis(sc, idx[..., None], axis=1)  # [M, N_IMP, 2]
    rc = random_coord * 2.0 - 1.0
    coords = jnp.concatenate([important, rc], axis=1)  # [M, K, 2]
    coords = jax.lax.stop_gradient(coords)

    target_point = jax.lax.stop_gradient(grid_sample_1c(target_mask, coords))
    predict_point = grid_sample_1c(pred_m, coords)

    # --- mask_sigmoid_ce_loss (BCE-with-logits, soft targets) ---
    bce = (jnp.maximum(predict_point, 0.0) - predict_point * target_point
           + jnp.log1p(jnp.exp(-jnp.abs(predict_point))))
    mask_loss = bce.mean(-1).sum() / M

    # --- dice_loss ---
    prob = jax.nn.sigmoid(predict_point)
    numerator = 2.0 * (prob * target_point).sum(-1)
    denominator = prob.sum(-1) + target_point.sum(-1)
    dice_loss = (1.0 - (numerator + 1.0) / (denominator + 1.0)).sum() / M

    # --- class loss (weighted cross entropy, eos weight 0.1) ---
    flat_idx = batch_idx * Q + query_idx
    target_class = jnp.ones(B * Q, dtype=jnp.int32).at[flat_idx].set(0)
    logits = predicted_class.reshape(B * Q, 2)
    logp = jax.nn.log_softmax(logits, axis=-1)
    picked = jnp.take_along_axis(logp, target_class[:, None], axis=1)[:, 0]
    wts = jnp.where(target_class == 0, 1.0, W_EOS)
    class_loss = (-(wts * picked)).sum() / wts.sum()

    return jnp.stack([class_loss, mask_loss, dice_loss])

if __name__ == "__main__":
    import jax
    _d = setup_inputs()
    print(jax.jit(kernel)(*tuple(_d.values())))

</pallas_src>

<mosaic_0001>
#map = affine_map<(d0, d1) -> (0)>
module attributes {stable_mosaic.version = 14 : i64} {
  func.func @_sc_body(%arg0: i32, %arg1: i32, %arg2: memref<5017600xf32, #tpu.memory_space<hbm>>, %arg3: memref<2621440xf32, #tpu.memory_space<hbm>>, %arg4: memref<48xi32, #tpu.memory_space<hbm>>, %arg5: memref<3010560xf32, #tpu.memory_space<hbm>>, %arg6: memref<250880xf32, #tpu.memory_space<hbm>>, %arg7: memref<501760xf32, #tpu.memory_space<hbm>>, %arg8: memref<501760xf32, #tpu.memory_space<hbm>>, %arg9: memref<128256xf32, #tpu.memory_space<vmem>>, %arg10: memref<48xi32, #tpu.memory_space<vmem>>) attributes {dimension_semantics = [#tpu.dimension_semantics<core_parallel>, #tpu.dimension_semantics<subcore_parallel>], iteration_bounds = array<i64: 2, 16>, scalar_prefetch = 0 : i64, scratch_operands = 2 : i64, tpu.core_type = #tpu.core_type<sc_vector_subcore>, window_params = [{transform_indices = #map}, {transform_indices = #map}, {transform_indices = #map}, {transform_indices = #map}, {transform_indices = #map}, {transform_indices = #map}, {transform_indices = #map}]} {
    %mul3A = arith.constant 2 : i32
    %mul3A_0 = arith.muli %arg1, %mul3A : i32
    %add3A = arith.addi %mul3A_0, %arg0 : i32
    "tpu.region"() ({
      %run_scoped3A = tpu.sem_alloc : memref<!tpu.dma_semaphore, #tpu.memory_space<semaphore_mem>>
      tpu.enqueue_dma source(%arg4 : memref<48xi32, #tpu.memory_space<hbm>>) target(%arg10 : memref<48xi32, #tpu.memory_space<vmem>>) target_semaphore(%run_scoped3A : memref<!tpu.dma_semaphore, #tpu.memory_space<semaphore_mem>>)
      tpu.wait_dma2 semaphore(%run_scoped3A : memref<!tpu.dma_semaphore, #tpu.memory_space<semaphore_mem>>) src(%arg4 : memref<48xi32, #tpu.memory_space<hbm>>) dst(%arg10 : memref<48xi32, #tpu.memory_space<vmem>>)
      tpu.yield
    }) : () -> ()
    %iota3A = tpu.iota {dimensions = array<i32: 0>} : vector<16xi32>
    %scan3A = arith.constant 0 : i32
    %scan3A_1 = arith.constant 0 : i32
    %scan3A_2 = arith.constant 2 : i32
    %scan3A_3 = arith.addi %scan3A_1, %scan3A_2 : i32
    %scan3A_4 = arith.constant 1 : i32
    %scan3A_5 = scf.for %scan3A_7 = %scan3A_1 to %scan3A_3 step %scan3A_4 iter_args(%scan3A_8 = %scan3A) -> (i32)  : i32 {
      %mul3A_9 = arith.constant 32 : i32
      %mul3A_10 = arith.muli %mul3A_9, %scan3A_7 : i32
      %add3A_11 = arith.addi %add3A, %mul3A_10 : i32
      %lt3A = arith.constant 40 : i32
      %lt3A_12 = arith.cmpi slt, %add3A_11, %lt3A : i32
      %convert_element_type3A = arith.extui %lt3A_12 : i1 to i32
      %cond3A = arith.constant 0 : i32
      %cond3A_13 = arith.cmpi ne, %convert_element_type3A, %cond3A : i32
      scf.if %cond3A_13 {
        %broadcast_in_dim3A = vector.broadcast %add3A_11 : i32 to vector<16xi32>
        %gather3A = tpu.vector_load_idx %arg10[%broadcast_in_dim3A] : memref<48xi32, #tpu.memory_space<vmem>>[vector<16xi32>], vector<16xi32>,
        %reduce_max3A = arith.constant true
        %reduce_max3A_15 = vector.broadcast %reduce_max3A : i1 to vector<16xi1>
        %reduce_max3A_16 = arith.constant -2147483648 : i32
        %reduce_max3A_17 = vector.broadcast %reduce_max3A_16 : i32 to vector<16xi32>
        %reduce_max3A_18 = arith.xori %gather3A, %reduce_max3A_17 : vector<16xi32>
        %reduce_max3A_19 = tpu.scan <max>, %reduce_max3A_18 masked %reduce_max3A_15 : vector<16xi32>, vector<16xi1> -> vector<16xi32>
        %reduce_max3A_20 = arith.xori %reduce_max3A_19, %reduce_max3A_17 : vector<16xi32>
        %reduce_max3A_21 = vector.extract %reduce_max3A_20[15] : i32 from vector<16xi32>
        %mul3A_22 = arith.constant 12544 : i32
        %mul3A_23 = arith.muli %reduce_max3A_21, %mul3A_22 : i32
        "tpu.region"() ({
          %run_scoped3A = tpu.sem_alloc : memref<!tpu.dma_semaphore, #tpu.memory_space<semaphore_mem>>
          %dma_start3A = arith.constant 37632 : i32
          %dma_start3A_171 = tpu.memref_slice %arg9[%dma_start3A] : memref<128256xf32, #tpu.memory_space<vmem>> -> memref<12544xf32, #tpu.memory_space<vmem>>
          %dma_start3A_172 = tpu.memref_slice %arg2[%mul3A_23] : memref<5017600xf32, #tpu.memory_space<hbm>> -> memref<12544xf32, #tpu.memory_space<hbm>>
          %dma_start3A_173 = arith.constant 37632 : i32
          %dma_start3A_174 = tpu.memref_slice %arg9[%dma_start3A_173] : memref<128256xf32, #tpu.memory_space<vmem>> -> memref<12544xf32, #tpu.memory_space<vmem>>
          %dma_start3A_175 = tpu.memref_slice %arg2[%mul3A_23] : memref<5017600xf32, #tpu.memory_space<hbm>> -> memref<12544xf32, #tpu.memory_space<hbm>>
          tpu.enqueue_dma source(%dma_start3A_175 : memref<12544xf32, #tpu.memory_space<hbm>>) target(%dma_start3A_174 : memref<12544xf32, #tpu.memory_space<vmem>>) target_semaphore(%run_scoped3A : memref<!tpu.dma_semaphore, #tpu.memory_space<semaphore_mem>>)
          %dma_wait3A = arith.constant 37632 : i32
          %dma_wait3A_176 = tpu.memref_slice %arg9[%dma_wait3A] : memref<128256xf32, #tpu.memory_space<vmem>> -> memref<12544xf32, #tpu.memory_space<vmem>>
          %dma_wait3A_177 = tpu.memref_slice %arg2[%mul3A_23] : memref<5017600xf32, #tpu.memory_space<hbm>> -> memref<12544xf32, #tpu.memory_space<hbm>>
          %dma_wait3A_178 = arith.constant 37632 : i32
          %dma_wait3A_179 = tpu.memref_slice %arg9[%dma_wait3A_178] : memref<128256xf32, #tpu.memory_space<vmem>> -> memref<12544xf32, #tpu.memory_space<vmem>>
          %dma_wait3A_180 = tpu.memref_slice %arg2[%mul3A_23] : memref<5017600xf32, #tpu.memory_space<hbm>> -> memref<12544xf32, #tpu.memory_space<hbm>>
          tpu.wait_dma2 semaphore(%run_scoped3A : memref<!tpu.dma_semaphore, #tpu.memory_space<semaphore_mem>>) src(%dma_wait3A_180 : memref<12544xf32, #tpu.memory_space<hbm>>) dst(%dma_wait3A_179 : memref<12544xf32, #tpu.memory_space<vmem>>)
          tpu.yield
        }) : () -> ()
        %scan3A_24 = arith.constant 0 : i32
        %scan3A_25 = arith.constant 0 : i32
        %scan3A_26 = arith.constant 6 : i32
        %scan3A_27 = arith.addi %scan3A_25, %scan3A_26 : i32
        %scan3A_28 = arith.constant 1 : i32
        %scan3A_29 = scf.for %scan3A_171 = %scan3A_25 to %scan3A_27 step %scan3A_28 iter_args(%scan3A_172 = %scan3A_24) -> (i32)  : i32 {
          %mul3A_173 = arith.constant 2 : i32
          %mul3A_174 = arith.muli %add3A_11, %mul3A_173 : i32
          %mul3A_175 = arith.constant 37632 : i32
          %mul3A_176 = arith.muli %mul3A_174, %mul3A_175 : i32
          %mul3A_177 = arith.constant 2 : i32
          %mul3A_178 = arith.muli %scan3A_171, %mul3A_177 : i32
          %mul3A_179 = arith.constant 6272 : i32
          %mul3A_180 = arith.muli %mul3A_178, %mul3A_179 : i32
          %add3A_181 = arith.addi %mul3A_176, %mul3A_180 : i32
          "tpu.region"() ({
            %run_scoped3A = tpu.sem_alloc : memref<!tpu.dma_semaphore, #tpu.memory_space<semaphore_mem>>
            %dma_start3A = arith.constant 50176 : i32
            %dma_start3A_190 = tpu.memref_slice %arg9[%dma_start3A] : memref<128256xf32, #tpu.memory_space<vmem>> -> memref<12544xf32, #tpu.memory_space<vmem>>
            %dma_start3A_191 = tpu.memref_slice %arg5[%add3A_181] : memref<3010560xf32, #tpu.memory_space<hbm>> -> memref<12544xf32, #tpu.memory_space<hbm>>
            %dma_start3A_192 = arith.constant 50176 : i32
            %dma_start3A_193 = tpu.memref_slice %arg9[%dma_start3A_192] : memref<128256xf32, #tpu.memory_space<vmem>> -> memref<12544xf32, #tpu.memory_space<vmem>>
            %dma_start3A_194 = tpu.memref_slice %arg5[%add3A_181] : memref<3010560xf32, #tpu.memory_space<hbm>> -> memref<12544xf32, #tpu.memory_space<hbm>>
            tpu.enqueue_dma source(%dma_start3A_194 : memref<12544xf32, #tpu.memory_space<hbm>>) target(%dma_start3A_193 : memref<12544xf32, #tpu.memory_space<vmem>>) target_semaphore(%run_scoped3A : memref<!tpu.dma_semaphore, #tpu.memory_space<semaphore_mem>>)
            %dma_wait3A = arith.constant 50176 : i32
            %dma_wait3A_195 = tpu.memref_slice %arg9[%dma_wait3A] : memref<128256xf32, #tpu.memory_space<vmem>> -> memref<12544xf32, #tpu.memory_space<vmem>>
            %dma_wait3A_196 = tpu.memref_slice %arg5[%add3A_181] : memref<3010560xf32, #tpu.memory_space<hbm>> -> memref<12544xf32, #tpu.memory_space<hbm>>
            %dma_wait3A_197 = arith.constant 50176 : i32
            %dma_wait3A_198 = tpu.memref_slice %arg9[%dma_wait3A_197] : memref<128256xf32, #tpu.memory_space<vmem>> -> memref<12544xf32, #tpu.memory_space<vmem>>
            %dma_wait3A_199 = tpu.memref_slice %arg5[%add3A_181] : memref<3010560xf32, #tpu.memory_space<hbm>> -> memref<12544xf32, #tpu.memory_space<hbm>>
            tpu.wait_dma2 semaphore(%run_scoped3A : memref<!tpu.dma_semaphore, #tpu.memory_space<semaphore_mem>>) src(%dma_wait3A_199 : memref<12544xf32, #tpu.memory_space<hbm>>) dst(%dma_wait3A_198 : memref<12544xf32, #tpu.memory_space<vmem>>)
            tpu.yield
          }) : () -> ()
          %scan3A_182 = arith.constant 0 : i32
          %scan3A_183 = arith.constant 0 : i32
          %scan3A_184 = arith.constant 392 : i32
          %scan3A_185 = arith.addi %scan3A_183, %scan3A_184 : i32
          %scan3A_186 = arith.constant 1 : i32
          %scan3A_187 = scf.for %scan3A_190 = %scan3A_183 to %scan3A_185 step %scan3A_186 iter_args(%scan3A_191 = %scan3A_182) -> (i32)  : i32 {
            %mul3A_192 = arith.constant 16 : i32
            %mul3A_193 = arith.muli %scan3A_190, %mul3A_192 : i32
            %add3A_194 = vector.broadcast %mul3A_193 : i32 to vector<16xi32>
            %add3A_195 = arith.addi %add3A_194, %iota3A : vector<16xi32>
            %mul3A_196 = arith.constant 2 : i32
            %mul3A_197 = vector.broadcast %mul3A_196 : i32 to vector<16xi32>
            %mul3A_198 = arith.muli %add3A_195, %mul3A_197 : vector<16xi32>
            %gather3A_199 = arith.constant 50176 : i32
            %gather3A_200 = tpu.memref_slice %arg9[%gather3A_199] : memref<128256xf32, #tpu.memory_space<vmem>> -> memref<12544xf32, #tpu.memory_space<vmem>>
            %gather3A_201 = tpu.vector_load_idx %gather3A_200[%mul3A_198] : memref<12544xf32, #tpu.memory_space<vmem>>[vector<16xi32>], vector<16xf32>,
            %add3A_202 = arith.constant 1 : i32
            %add3A_203 = vector.broadcast %add3A_202 : i32 to vector<16xi32>
            %add3A_204 = arith.addi %mul3A_198, %add3A_203 : vector<16xi32>
            %gather3A_205 = arith.constant 50176 : i32
            %gather3A_206 = tpu.memref_slice %arg9[%gather3A_205] : memref<128256xf32, #tpu.memory_space<vmem>> -> memref<12544xf32, #tpu.memory_space<vmem>>
            %gather3A_207 = tpu.vector_load_idx %gather3A_206[%add3A_204] : memref<12544xf32, #tpu.memory_space<vmem>>[vector<16xi32>], vector<16xf32>,
            %mul3A_208 = arith.constant 1.120000e+02 : f32
            %mul3A_209 = vector.broadcast %mul3A_208 : f32 to vector<16xf32>
            %mul3A_210 = arith.mulf %gather3A_201, %mul3A_209 : vector<16xf32>
            %sub3A = arith.constant 5.000000e-01 : f32
            %sub3A_211 = vector.broadcast %sub3A : f32 to vector<16xf32>
            %sub3A_212 = arith.subf %mul3A_210, %sub3A_211 : vector<16xf32>
            %mul3A_213 = arith.constant 1.120000e+02 : f32
            %mul3A_214 = vector.broadcast %mul3A_213 : f32 to vector<16xf32>
            %mul3A_215 = arith.mulf %gather3A_207, %mul3A_214 : vector<16xf32>
            %sub3A_216 = arith.constant 5.000000e-01 : f32
            %sub3A_217 = vector.broadcast %sub3A_216 : f32 to vector<16xf32>
            %sub3A_218 = arith.subf %mul3A_215, %sub3A_217 : vector<16xf32>
            %add3A_219 = arith.constant 1.000000e+00 : f32
            %add3A_220 = vector.broadcast %add3A_219 : f32 to vector<16xf32>
            %add3A_221 = arith.addf %sub3A_212, %add3A_220 : vector<16xf32>
            %convert_element_type3A_222 = arith.fptosi %add3A_221 : vector<16xf32> to vector<16xi32>
            %sub3A_223 = arith.constant 1 : i32
            %sub3A_224 = vector.broadcast %sub3A_223 : i32 to vector<16xi32>
            %sub3A_225 = arith.subi %convert_element_type3A_222, %sub3A_224 : vector<16xi32>
            %add3A_226 = arith.constant 1.000000e+00 : f32
            %add3A_227 = vector.broadcast %add3A_226 : f32 to vector<16xf32>
            %add3A_228 = arith.addf %sub3A_218, %add3A_227 : vector<16xf32>
            %convert_element_type3A_229 = arith.fptosi %add3A_228 : vector<16xf32> to vector<16xi32>
            %sub3A_230 = arith.constant 1 : i32
            %sub3A_231 = vector.broadcast %sub3A_230 : i32 to vector<16xi32>
            %sub3A_232 = arith.subi %convert_element_type3A_229, %sub3A_231 : vector<16xi32>
            %convert_element_type3A_233 = arith.sitofp %sub3A_225 : vector<16xi32> to vector<16xf32>
            %sub3A_234 = arith.subf %sub3A_212, %convert_element_type3A_233 : vector<16xf32>
            %convert_element_type3A_235 = arith.sitofp %sub3A_232 : vector<16xi32> to vector<16xf32>
            %sub3A_236 = arith.subf %sub3A_218, %convert_element_type3A_235 : vector<16xf32>
            %sub3A_237 = arith.constant 1.000000e+00 : f32
            %sub3A_238 = vector.broadcast %sub3A_237 : f32 to vector<16xf32>
            %sub3A_239 = arith.subf %sub3A_238, %sub3A_234 : vector<16xf32>
            %sub3A_240 = arith.constant 1.000000e+00 : f32
            %sub3A_241 = vector.broadcast %sub3A_240 : f32 to vector<16xf32>
            %sub3A_242 = arith.subf %sub3A_241, %sub3A_236 : vector<16xf32>
            %broadcast_in_dim3A_243 = arith.constant 0.000000e+00 : f32
            %broadcast_in_dim3A_244 = vector.broadcast %broadcast_in_dim3A_243 : f32 to vector<16xf32>
            %add3A_245 = arith.constant 0 : i32
            %add3A_246 = vector.broadcast %add3A_245 : i32 to vector<16xi32>
            %add3A_247 = arith.addi %sub3A_225, %add3A_246 : vector<16xi32>
            %add3A_248 = arith.constant 0 : i32
            %add3A_249 = vector.broadcast %add3A_248 : i32 to vector<16xi32>
            %add3A_250 = arith.addi %sub3A_232, %add3A_249 : vector<16xi32>
            %ge3A = arith.constant 0 : i32
            %ge3A_251 = vector.broadcast %ge3A : i32 to vector<16xi32>
            %ge3A_252 = arith.cmpi sge, %add3A_247, %ge3A_251 : vector<16xi32>
            %lt3A_253 = arith.constant 112 : i32
            %lt3A_254 = vector.broadcast %lt3A_253 : i32 to vector<16xi32>
            %lt3A_255 = arith.cmpi slt, %add3A_247, %lt3A_254 : vector<16xi32>
            %and3A = arith.andi %ge3A_252, %lt3A_255 : vector<16xi1>
            %ge3A_256 = arith.constant 0 : i32
            %ge3A_257 = vector.broadcast %ge3A_256 : i32 to vector<16xi32>
            %ge3A_258 = arith.cmpi sge, %add3A_250, %ge3A_257 : vector<16xi32>
            %and3A_259 = arith.andi %and3A, %ge3A_258 : vector<16xi1>
            %lt3A_260 = arith.constant 112 : i32
            %lt3A_261 = vector.broadcast %lt3A_260 : i32 to vector<16xi32>
            %lt3A_262 = arith.cmpi slt, %add3A_250, %lt3A_261 : vector<16xi32>
            %and3A_263 = arith.andi %and3A_259, %lt3A_262 : vector<16xi1>
            %jit3A = arith.constant 0 : i32
            %jit3A_264 = arith.constant 111 : i32
            %max3A = vector.broadcast %jit3A : i32 to vector<16xi32>
            %max3A_265 = arith.maxsi %max3A, %add3A_250 : vector<16xi32>
            %min3A = vector.broadcast %jit3A_264 : i32 to vector<16xi32>
            %min3A_266 = arith.minsi %min3A, %max3A_265 : vector<16xi32>
            %mul3A_267 = arith.constant 112 : i32
            %mul3A_268 = vector.broadcast %mul3A_267 : i32 to vector<16xi32>
            %mul3A_269 = arith.muli %min3A_266, %mul3A_268 : vector<16xi32>
            %jit3A_270 = arith.constant 0 : i32
            %jit3A_271 = arith.constant 111 : i32
            %max3A_272 = vector.broadcast %jit3A_270 : i32 to vector<16xi32>
            %max3A_273 = arith.maxsi %max3A_272, %add3A_247 : vector<16xi32>
            %min3A_274 = vector.broadcast %jit3A_271 : i32 to vector<16xi32>
            %min3A_275 = arith.minsi %min3A_274, %max3A_273 : vector<16xi32>
            %add3A_276 = arith.addi %mul3A_269, %min3A_275 : vector<16xi32>
            %gather3A_277 = arith.constant 37632 : i32
            %gather3A_278 = tpu.memref_slice %arg9[%gather3A_277] : memref<128256xf32, #tpu.memory_space<vmem>> -> memref<12544xf32, #tpu.memory_space<vmem>>
            %gather3A_279 = tpu.vector_load_idx %gather3A_278[%add3A_276] : memref<12544xf32, #tpu.memory_space<vmem>>[vector<16xi32>], vector<16xf32>,
            %mul3A_280 = arith.mulf %sub3A_242, %sub3A_239 : vector<16xf32>
            %mul3A_281 = arith.mulf %mul3A_280, %gather3A_279 : vector<16xf32>
            %jit3A_282 = arith.constant 0.000000e+00 : f32
            %broadcast_in_dim3A_283 = vector.broadcast %jit3A_282 : f32 to vector<16xf32>
            %select_n3A = arith.select %and3A_263, %mul3A_281, %broadcast_in_dim3A_283 : vector<16xi1>, vector<16xf32>
            %add3A_284 = arith.addf %broadcast_in_dim3A_244, %select_n3A : vector<16xf32>
            %add3A_285 = arith.constant 1 : i32
            %add3A_286 = vector.broadcast %add3A_285 : i32 to vector<16xi32>
            %add3A_287 = arith.addi %sub3A_225, %add3A_286 : vector<16xi32>
            %add3A_288 = arith.constant 0 : i32
            %add3A_289 = vector.broadcast %add3A_288 : i32 to vector<16xi32>
            %add3A_290 = arith.addi %sub3A_232, %add3A_289 : vector<16xi32>
            %ge3A_291 = arith.constant 0 : i32
            %ge3A_292 = vector.broadcast %ge3A_291 : i32 to vector<16xi32>
            %ge3A_293 = arith.cmpi sge, %add3A_287, %ge3A_292 : vector<16xi32>
            %lt3A_294 = arith.constant 112 : i32
            %lt3A_295 = vector.broadcast %lt3A_294 : i32 to vector<16xi32>
            %lt3A_296 = arith.cmpi slt, %add3A_287, %lt3A_295 : vector<16xi32>
            %and3A_297 = arith.andi %ge3A_293, %lt3A_296 : vector<16xi1>
            %ge3A_298 = arith.constant 0 : i32
            %ge3A_299 = vector.broadcast %ge3A_298 : i32 to vector<16xi32>
            %ge3A_300 = arith.cmpi sge, %add3A_290, %ge3A_299 : vector<16xi32>
            %and3A_301 = arith.andi %and3A_297, %ge3A_300 : vector<16xi1>
            %lt3A_302 = arith.constant 112 : i32
            %lt3A_303 = vector.broadcast %lt3A_302 : i32 to vector<16xi32>
            %lt3A_304 = arith.cmpi slt, %add3A_290, %lt3A_303 : vector<16xi32>
            %and3A_305 = arith.andi %and3A_301, %lt3A_304 : vector<16xi1>
            %jit3A_306 = arith.constant 0 : i32
            %jit3A_307 = arith.constant 111 : i32
            %max3A_308 = vector.broadcast %jit3A_306 : i32 to vector<16xi32>
            %max3A_309 = arith.maxsi %max3A_308, %add3A_290 : vector<16xi32>
            %min3A_310 = vector.broadcast %jit3A_307 : i32 to vector<16xi32>
            %min3A_311 = arith.minsi %min3A_310, %max3A_309 : vector<16xi32>
            %mul3A_312 = arith.constant 112 : i32
            %mul3A_313 = vector.broadcast %mul3A_312 : i32 to vector<16xi32>
            %mul3A_314 = arith.muli %min3A_311, %mul3A_313 : vector<16xi32>
            %jit3A_315 = arith.constant 0 : i32
            %jit3A_316 = arith.constant 111 : i32
            %max3A_317 = vector.broadcast %jit3A_315 : i32 to vector<16xi32>
            %max3A_318 = arith.maxsi %max3A_317, %add3A_287 : vector<16xi32>
            %min3A_319 = vector.broadcast %jit3A_316 : i32 to vector<16xi32>
            %min3A_320 = arith.minsi %min3A_319, %max3A_318 : vector<16xi32>
            %add3A_321 = arith.addi %mul3A_314, %min3A_320 : vector<16xi32>
            %gather3A_322 = arith.constant 37632 : i32
            %gather3A_323 = tpu.memref_slice %arg9[%gather3A_322] : memref<128256xf32, #tpu.memory_space<vmem>> -> memref<12544xf32, #tpu.memory_space<vmem>>
            %gather3A_324 = tpu.vector_load_idx %gather3A_323[%add3A_321] : memref<12544xf32, #tpu.memory_space<vmem>>[vector<16xi32>], vector<16xf32>,
            %mul3A_325 = arith.mulf %sub3A_242, %sub3A_234 : vector<16xf32>
            %mul3A_326 = arith.mulf %mul3A_325, %gather3A_324 : vector<16xf32>
            %jit3A_327 = arith.constant 0.000000e+00 : f32
            %broadcast_in_dim3A_328 = vector.broadcast %jit3A_327 : f32 to vector<16xf32>
            %select_n3A_329 = arith.select %and3A_305, %mul3A_326, %broadcast_in_dim3A_328 : vector<16xi1>, vector<16xf32>
            %add3A_330 = arith.addf %add3A_284, %select_n3A_329 : vector<16xf32>
            %add3A_331 = arith.constant 0 : i32
            %add3A_332 = vector.broadcast %add3A_331 : i32 to vector<16xi32>
            %add3A_333 = arith.addi %sub3A_225, %add3A_332 : vector<16xi32>
            %add3A_334 = arith.constant 1 : i32
            %add3A_335 = vector.broadcast %add3A_334 : i32 to vector<16xi32>
            %add3A_336 = arith.addi %sub3A_232, %add3A_335 : vector<16xi32>
            %ge3A_337 = arith.constant 0 : i32
            %ge3A_338 = vector.broadcast %ge3A_337 : i32 to vector<16xi32>
            %ge3A_339 = arith.cmpi sge, %add3A_333, %ge3A_338 : vector<16xi32>
            %lt3A_340 = arith.constant 112 : i32
            %lt3A_341 = vector.broadcast %lt3A_340 : i32 to vector<16xi32>
            %lt3A_342 = arith.cmpi slt, %add3A_333, %lt3A_341 : vector<16xi32>
            %and3A_343 = arith.andi %ge3A_339, %lt3A_342 : vector<16xi1>
            %ge3A_344 = arith.constant 0 : i32
            %ge3A_345 = vector.broadcast %ge3A_344 : i32 to vector<16xi32>
            %ge3A_346 = arith.cmpi sge, %add3A_336, %ge3A_345 : vector<16xi32>
            %and3A_347 = arith.andi %and3A_343, %ge3A_346 : vector<16xi1>
            %lt3A_348 = arith.constant 112 : i32
            %lt3A_349 = vector.broadcast %lt3A_348 : i32 to vector<16xi32>
            %lt3A_350 = arith.cmpi slt, %add3A_336, %lt3A_349 : vector<16xi32>
            %and3A_351 = arith.andi %and3A_347, %lt3A_350 : vector<16xi1>
            %jit3A_352 = arith.constant 0 : i32
            %jit3A_353 = arith.constant 111 : i32
            %max3A_354 = vector.broadcast %jit3A_352 : i32 to vector<16xi32>
            %max3A_355 = arith.maxsi %max3A_354, %add3A_336 : vector<16xi32>
            %min3A_356 = vector.broadcast %jit3A_353 : i32 to vector<16xi32>
            %min3A_357 = arith.minsi %min3A_356, %max3A_355 : vector<16xi32>
            %mul3A_358 = arith.constant 112 : i32
            %mul3A_359 = vector.broadcast %mul3A_358 : i32 to vector<16xi32>
            %mul3A_360 = arith.muli %min3A_357, %mul3A_359 : vector<16xi32>
            %jit3A_361 = arith.constant 0 : i32
            %jit3A_362 = arith.constant 111 : i32
            %max3A_363 = vector.broadcast %jit3A_361 : i32 to vector<16xi32>
            %max3A_364 = arith.maxsi %max3A_363, %add3A_333 : vector<16xi32>
            %min3A_365 = vector.broadcast %jit3A_362 : i32 to vector<16xi32>
            %min3A_366 = arith.minsi %min3A_365, %max3A_364 : vector<16xi32>
            %add3A_367 = arith.addi %mul3A_360, %min3A_366 : vector<16xi32>
            %gather3A_368 = arith.constant 37632 : i32
            %gather3A_369 = tpu.memref_slice %arg9[%gather3A_368] : memref<128256xf32, #tpu.memory_space<vmem>> -> memref<12544xf32, #tpu.memory_space<vmem>>
            %gather3A_370 = tpu.vector_load_idx %gather3A_369[%add3A_367] : memref<12544xf32, #tpu.memory_space<vmem>>[vector<16xi32>], vector<16xf32>,
            %mul3A_371 = arith.mulf %sub3A_236, %sub3A_239 : vector<16xf32>
            %mul3A_372 = arith.mulf %mul3A_371, %gather3A_370 : vector<16xf32>
            %jit3A_373 = arith.constant 0.000000e+00 : f32
            %broadcast_in_dim3A_374 = vector.broadcast %jit3A_373 : f32 to vector<16xf32>
            %select_n3A_375 = arith.select %and3A_351, %mul3A_372, %broadcast_in_dim3A_374 : vector<16xi1>, vector<16xf32>
            %add3A_376 = arith.addf %add3A_330, %select_n3A_375 : vector<16xf32>
            %add3A_377 = arith.constant 1 : i32
            %add3A_378 = vector.broadcast %add3A_377 : i32 to vector<16xi32>
            %add3A_379 = arith.addi %sub3A_225, %add3A_378 : vector<16xi32>
            %add3A_380 = arith.constant 1 : i32
            %add3A_381 = vector.broadcast %add3A_380 : i32 to vector<16xi32>
            %add3A_382 = arith.addi %sub3A_232, %add3A_381 : vector<16xi32>
            %ge3A_383 = arith.constant 0 : i32
            %ge3A_384 = vector.broadcast %ge3A_383 : i32 to vector<16xi32>
            %ge3A_385 = arith.cmpi sge, %add3A_379, %ge3A_384 : vector<16xi32>
            %lt3A_386 = arith.constant 112 : i32
            %lt3A_387 = vector.broadcast %lt3A_386 : i32 to vector<16xi32>
            %lt3A_388 = arith.cmpi slt, %add3A_379, %lt3A_387 : vector<16xi32>
            %and3A_389 = arith.andi %ge3A_385, %lt3A_388 : vector<16xi1>
            %ge3A_390 = arith.constant 0 : i32
            %ge3A_391 = vector.broadcast %ge3A_390 : i32 to vector<16xi32>
            %ge3A_392 = arith.cmpi sge, %add3A_382, %ge3A_391 : vector<16xi32>
            %and3A_393 = arith.andi %and3A_389, %ge3A_392 : vector<16xi1>
            %lt3A_394 = arith.constant 112 : i32
            %lt3A_395 = vector.broadcast %lt3A_394 : i32 to vector<16xi32>
            %lt3A_396 = arith.cmpi slt, %add3A_382, %lt3A_395 : vector<16xi32>
            %and3A_397 = arith.andi %and3A_393, %lt3A_396 : vector<16xi1>
            %jit3A_398 = arith.constant 0 : i32
            %jit3A_399 = arith.constant 111 : i32
            %max3A_400 = vector.broadcast %jit3A_398 : i32 to vector<16xi32>
            %max3A_401 = arith.maxsi %max3A_400, %add3A_382 : vector<16xi32>
            %min3A_402 = vector.broadcast %jit3A_399 : i32 to vector<16xi32>
            %min3A_403 = arith.minsi %min3A_402, %max3A_401 : vector<16xi32>
            %mul3A_404 = arith.constant 112 : i32
            %mul3A_405 = vector.broadcast %mul3A_404 : i32 to vector<16xi32>
            %mul3A_406 = arith.muli %min3A_403, %mul3A_405 : vector<16xi32>
            %jit3A_407 = arith.constant 0 : i32
            %jit3A_408 = arith.constant 111 : i32
            %max3A_409 = vector.broadcast %jit3A_407 : i32 to vector<16xi32>
            %max3A_410 = arith.maxsi %max3A_409, %add3A_379 : vector<16xi32>
            %min3A_411 = vector.broadcast %jit3A_408 : i32 to vector<16xi32>
            %min3A_412 = arith.minsi %min3A_411, %max3A_410 : vector<16xi32>
            %add3A_413 = arith.addi %mul3A_406, %min3A_412 : vector<16xi32>
            %gather3A_414 = arith.constant 37632 : i32
            %gather3A_415 = tpu.memref_slice %arg9[%gather3A_414] : memref<128256xf32, #tpu.memory_space<vmem>> -> memref<12544xf32, #tpu.memory_space<vmem>>
            %gather3A_416 = tpu.vector_load_idx %gather3A_415[%add3A_413] : memref<12544xf32, #tpu.memory_space<vmem>>[vector<16xi32>], vector<16xf32>,
            %mul3A_417 = arith.mulf %sub3A_236, %sub3A_234 : vector<16xf32>
            %mul3A_418 = arith.mulf %mul3A_417, %gather3A_416 : vector<16xf32>
            %jit3A_419 = arith.constant 0.000000e+00 : f32
            %broadcast_in_dim3A_420 = vector.broadcast %jit3A_419 : f32 to vector<16xf32>
            %select_n3A_421 = arith.select %and3A_397, %mul3A_418, %broadcast_in_dim3A_420 : vector<16xi1>, vector<16xf32>
            %add3A_422 = arith.addf %add3A_376, %select_n3A_421 : vector<16xf32>
            %mul3A_423 = arith.constant 6272 : i32
            %mul3A_424 = arith.muli %scan3A_171, %mul3A_423 : i32
            %add3A_425 = arith.constant 0 : i32
            %add3A_426 = arith.addi %add3A_425, %mul3A_424 : i32
            %mul3A_427 = arith.constant 16 : i32
            %mul3A_428 = arith.muli %scan3A_190, %mul3A_427 : i32
            %add3A_429 = arith.addi %add3A_426, %mul3A_428 : i32
            %swap3A = arith.index_cast %add3A_429 : i32 to index
            %swap3A_430 = tpu.vector_load %arg9[%swap3A] {strides = array<i32>} : memref<128256xf32, #tpu.memory_space<vmem>>, vector<16xf32>,
            tpu.vector_store %arg9[%swap3A], %add3A_422 {strides = array<i32>} : memref<128256xf32, #tpu.memory_space<vmem>>, vector<16xf32>,
            %scan3A_431 = arith.constant 0 : i32
            scf.yield %scan3A_431 : i32
          }
          %scan3A_188 = arith.constant 392 : i32
          %scan3A_189 = arith.constant 0 : i32
          scf.yield %scan3A_189 : i32
        }
        %scan3A_30 = arith.constant 6 : i32
        %scan3A_31 = arith.constant 0 : i32
        %scan3A_32 = arith.constant 0 : i32
        %scan3A_33 = arith.constant 256 : i32
        %scan3A_34 = arith.addi %scan3A_32, %scan3A_33 : i32
        %scan3A_35 = arith.constant 1 : i32
        %scan3A_36 = scf.for %scan3A_171 = %scan3A_32 to %scan3A_34 step %scan3A_35 iter_args(%scan3A_172 = %scan3A_31) -> (i32)  : i32 {
          %broadcast_in_dim3A_173 = arith.constant 0.000000e+00 : f32
          %broadcast_in_dim3A_174 = vector.broadcast %broadcast_in_dim3A_173 : f32 to vector<16xf32>
          %mul3A_175 = arith.constant 16 : i32
          %mul3A_176 = arith.muli %scan3A_171, %mul3A_175 : i32
          %add3A_177 = arith.constant 62720 : i32
          %add3A_178 = arith.addi %add3A_177, %mul3A_176 : i32
          %swap3A = arith.index_cast %add3A_178 : i32 to index
          %swap3A_179 = tpu.vector_load %arg9[%swap3A] {strides = array<i32>} : memref<128256xf32, #tpu.memory_space<vmem>>, vector<16xf32>,
          tpu.vector_store %arg9[%swap3A], %broadcast_in_dim3A_174 {strides = array<i32>} : memref<128256xf32, #tpu.memory_space<vmem>>, vector<16xf32>,
          %scan3A_180 = arith.constant 0 : i32
          scf.yield %scan3A_180 : i32
        }
        %scan3A_37 = arith.constant 256 : i32
        %scan3A_38 = arith.constant 0 : i32
        %scan3A_39 = arith.constant 0 : i32
        %scan3A_40 = arith.constant 0 : i32
        %scan3A_41 = arith.constant 2352 : i32
        %scan3A_42 = arith.addi %scan3A_40, %scan3A_41 : i32
        %scan3A_43 = arith.constant 1 : i32
        %scan3A_44 = scf.for %scan3A_171 = %scan3A_40 to %scan3A_42 step %scan3A_43 iter_args(%scan3A_172 = %scan3A_39) -> (i32)  : i32 {
          %mul3A_173 = arith.constant 16 : i32
          %mul3A_174 = arith.muli %scan3A_171, %mul3A_173 : i32
          %add3A_175 = arith.constant 0 : i32
          %add3A_176 = arith.addi %add3A_175, %mul3A_174 : i32
          %get3A = arith.index_cast %add3A_176 : i32 to index
          %get3A_177 = tpu.vector_load %arg9[%get3A] {strides = array<i32>} : memref<128256xf32, #tpu.memory_space<vmem>>, vector<16xf32>,
          %abs3A = math.absf %get3A_177 : vector<16xf32>
          %bitcast3A = vector.bitcast %abs3A : vector<16xf32> to vector<16xi32>
          %shift_right_logical3A = arith.constant 31 : i32
          %shift_right_logical3A_178 = vector.broadcast %shift_right_logical3A : i32 to vector<16xi32>
          %shift_right_logical3A_179 = arith.shrui %bitcast3A, %shift_right_logical3A_178 : vector<16xi32>
          %eq3A = vector.broadcast %scan3A_38 : i32 to vector<16xi32>
          %eq3A_180 = arith.cmpi eq, %shift_right_logical3A_179, %eq3A : vector<16xi32>
          %shift_right_logical3A_181 = arith.constant 23 : i32
          %shift_right_logical3A_182 = vector.broadcast %shift_right_logical3A_181 : i32 to vector<16xi32>
          %shift_right_logical3A_183 = arith.shrui %bitcast3A, %shift_right_logical3A_182 : vector<16xi32>
          %and3A = arith.constant 255 : i32
          %and3A_184 = vector.broadcast %and3A : i32 to vector<16xi32>
          %and3A_185 = arith.andi %shift_right_logical3A_183, %and3A_184 : vector<16xi32>
          %mul3A_186 = arith.constant 16 : i32
          %mul3A_187 = vector.broadcast %mul3A_186 : i32 to vector<16xi32>
          %mul3A_188 = arith.muli %and3A_185, %mul3A_187 : vector<16xi32>
          %add3A_189 = arith.addi %mul3A_188, %iota3A : vector<16xi32>
          %broadcast_in_dim3A_190 = arith.constant 1.000000e+00 : f32
          %broadcast_in_dim3A_191 = vector.broadcast %broadcast_in_dim3A_190 : f32 to vector<16xf32>
          %scatter3A = arith.constant 62720 : i32
          %scatter3A_192 = tpu.memref_slice %arg9[%scatter3A] : memref<128256xf32, #tpu.memory_space<vmem>> -> memref<4096xf32, #tpu.memory_space<vmem>>
          tpu.vector_store_idx %scatter3A_192[%add3A_189], %broadcast_in_dim3A_191 masked %eq3A_180 {add = true} : memref<4096xf32, #tpu.memory_space<vmem>>[vector<16xi32>], vector<16xf32>, vector<16xi1>
          %scan3A_193 = arith.constant 0 : i32
          scf.yield %scan3A_193 : i32
        }
        %scan3A_45 = arith.constant 2352 : i32
        %scan3A_46 = arith.constant 9408 : i32
        %scan3A_47 = arith.constant 0 : i32
        %scan3A_48 = arith.constant 0 : i32
        %scan3A_49 = arith.constant 0 : i32
        %scan3A_50 = arith.constant 0 : i32
        %scan3A_51 = arith.constant 256 : i32
        %scan3A_52 = arith.addi %scan3A_50, %scan3A_51 : i32
        %scan3A_53 = arith.constant 1 : i32
        %scan3A_54:3 = scf.for %scan3A_171 = %scan3A_50 to %scan3A_52 step %scan3A_53 iter_args(%scan3A_172 = %scan3A_47, %scan3A_173 = %scan3A_48, %scan3A_174 = %scan3A_49) -> (i32, i32, i32)  : i32 {
          %mul3A_175 = arith.constant 16 : i32
          %mul3A_176 = arith.muli %scan3A_171, %mul3A_175 : i32
          %add3A_177 = arith.constant 62720 : i32
          %add3A_178 = arith.addi %add3A_177, %mul3A_176 : i32
          %get3A = arith.index_cast %add3A_178 : i32 to index
          %get3A_179 = tpu.vector_load %arg9[%get3A] {strides = array<i32>} : memref<128256xf32, #tpu.memory_space<vmem>>, vector<16xf32>,
          %reduce_sum3A = arith.constant true
          %reduce_sum3A_180 = vector.broadcast %reduce_sum3A : i1 to vector<16xi1>
          %reduce_sum3A_181 = tpu.scan <sum>, %get3A_179 masked %reduce_sum3A_180 : vector<16xf32>, vector<16xi1> -> vector<16xf32>
          %reduce_sum3A_182 = vector.extract %reduce_sum3A_181[15] : f32 from vector<16xf32>
          %convert_element_type3A_183 = arith.fptosi %reduce_sum3A_182 : f32 to i32
          %lt3A_184 = arith.cmpi slt, %scan3A_172, %scan3A_46 : i32
          %add3A_185 = arith.addi %scan3A_172, %convert_element_type3A_183 : i32
          %ge3A = arith.cmpi sge, %add3A_185, %scan3A_46 : i32
          %and3A = arith.andi %lt3A_184, %ge3A : i1
          %select_n3A = arith.select %and3A, %scan3A_171, %scan3A_173 : i32
          %sub3A = arith.subi %scan3A_46, %scan3A_172 : i32
          %select_n3A_186 = arith.select %and3A, %sub3A, %scan3A_174 : i32
          %add3A_187 = arith.addi %scan3A_172, %convert_element_type3A_183 : i32
          scf.yield %add3A_187, %select_n3A, %select_n3A_186 : i32, i32, i32
        }
        %scan3A_55 = arith.constant 256 : i32
        %mul3A_56 = arith.constant 0 : i32
        %mul3A_57 = arith.constant 256 : i32
        %mul3A_58 = arith.muli %mul3A_56, %mul3A_57 : i32
        %add3A_59 = arith.addi %mul3A_58, %scan3A_54#1 : i32
        %scan3A_60 = arith.constant 0 : i32
        %scan3A_61 = arith.constant 0 : i32
        %scan3A_62 = arith.constant 256 : i32
        %scan3A_63 = arith.addi %scan3A_61, %scan3A_62 : i32
        %scan3A_64 = arith.constant 1 : i32
        %scan3A_65 = scf.for %scan3A_171 = %scan3A_61 to %scan3A_63 step %scan3A_64 iter_args(%scan3A_172 = %scan3A_60) -> (i32)  : i32 {
          %broadcast_in_dim3A_173 = arith.constant 0.000000e+00 : f32
          %broadcast_in_dim3A_174 = vector.broadcast %broadcast_in_dim3A_173 : f32 to vector<16xf32>
          %mul3A_175 = arith.constant 16 : i32
          %mul3A_176 = arith.muli %scan3A_171, %mul3A_175 : i32
          %add3A_177 = arith.constant 62720 : i32
          %add3A_178 = arith.addi %add3A_177, %mul3A_176 : i32
          %swap3A = arith.index_cast %add3A_178 : i32 to index
          %swap3A_179 = tpu.vector_load %arg9[%swap3A] {strides = array<i32>} : memref<128256xf32, #tpu.memory_space<vmem>>, vector<16xf32>,
          tpu.vector_store %arg9[%swap3A], %broadcast_in_dim3A_174 {strides = array<i32>} : memref<128256xf32, #tpu.memory_space<vmem>>, vector<16xf32>,
          %scan3A_180 = arith.constant 0 : i32
          scf.yield %scan3A_180 : i32
        }
        %scan3A_66 = arith.constant 256 : i32
        %scan3A_67 = arith.constant 0 : i32
        %scan3A_68 = arith.constant 0 : i32
        %scan3A_69 = arith.constant 2352 : i32
        %scan3A_70 = arith.addi %scan3A_68, %scan3A_69 : i32
        %scan3A_71 = arith.constant 1 : i32
        %scan3A_72 = scf.for %scan3A_171 = %scan3A_68 to %scan3A_70 step %scan3A_71 iter_args(%scan3A_172 = %scan3A_67) -> (i32)  : i32 {
          %mul3A_173 = arith.constant 16 : i32
          %mul3A_174 = arith.muli %scan3A_171, %mul3A_173 : i32
          %add3A_175 = arith.constant 0 : i32
          %add3A_176 = arith.addi %add3A_175, %mul3A_174 : i32
          %get3A = arith.index_cast %add3A_176 : i32 to index
          %get3A_177 = tpu.vector_load %arg9[%get3A] {strides = array<i32>} : memref<128256xf32, #tpu.memory_space<vmem>>, vector<16xf32>,
          %abs3A = math.absf %get3A_177 : vector<16xf32>
          %bitcast3A = vector.bitcast %abs3A : vector<16xf32> to vector<16xi32>
          %shift_right_logical3A = arith.constant 23 : i32
          %shift_right_logical3A_178 = vector.broadcast %shift_right_logical3A : i32 to vector<16xi32>
          %shift_right_logical3A_179 = arith.shrui %bitcast3A, %shift_right_logical3A_178 : vector<16xi32>
          %eq3A = vector.broadcast %add3A_59 : i32 to vector<16xi32>
          %eq3A_180 = arith.cmpi eq, %shift_right_logical3A_179, %eq3A : vector<16xi32>
          %shift_right_logical3A_181 = arith.constant 15 : i32
          %shift_right_logical3A_182 = vector.broadcast %shift_right_logical3A_181 : i32 to vector<16xi32>
          %shift_right_logical3A_183 = arith.shrui %bitcast3A, %shift_right_logical3A_182 : vector<16xi32>
          %and3A = arith.constant 255 : i32
          %and3A_184 = vector.broadcast %and3A : i32 to vector<16xi32>
          %and3A_185 = arith.andi %shift_right_logical3A_183, %and3A_184 : vector<16xi32>
          %mul3A_186 = arith.constant 16 : i32
          %mul3A_187 = vector.broadcast %mul3A_186 : i32 to vector<16xi32>
          %mul3A_188 = arith.muli %and3A_185, %mul3A_187 : vector<16xi32>
          %add3A_189 = arith.addi %mul3A_188, %iota3A : vector<16xi32>
          %broadcast_in_dim3A_190 = arith.constant 1.000000e+00 : f32
          %broadcast_in_dim3A_191 = vector.broadcast %broadcast_in_dim3A_190 : f32 to vector<16xf32>
          %scatter3A = arith.constant 62720 : i32
          %scatter3A_192 = tpu.memref_slice %arg9[%scatter3A] : memref<128256xf32, #tpu.memory_space<vmem>> -> memref<4096xf32, #tpu.memory_space<vmem>>
          tpu.vector_store_idx %scatter3A_192[%add3A_189], %broadcast_in_dim3A_191 masked %eq3A_180 {add = true} : memref<4096xf32, #tpu.memory_space<vmem>>[vector<16xi32>], vector<16xf32>, vector<16xi1>
          %scan3A_193 = arith.constant 0 : i32
          scf.yield %scan3A_193 : i32
        }
        %scan3A_73 = arith.constant 2352 : i32
        %scan3A_74 = arith.constant 0 : i32
        %scan3A_75 = arith.constant 0 : i32
        %scan3A_76 = arith.constant 0 : i32
        %scan3A_77 = arith.constant 0 : i32
        %scan3A_78 = arith.constant 256 : i32
        %scan3A_79 = arith.addi %scan3A_77, %scan3A_78 : i32
        %scan3A_80 = arith.constant 1 : i32
        %scan3A_81:3 = scf.for %scan3A_171 = %scan3A_77 to %scan3A_79 step %scan3A_80 iter_args(%scan3A_172 = %scan3A_74, %scan3A_173 = %scan3A_75, %scan3A_174 = %scan3A_76) -> (i32, i32, i32)  : i32 {
          %mul3A_175 = arith.constant 16 : i32
          %mul3A_176 = arith.muli %scan3A_171, %mul3A_175 : i32
          %add3A_177 = arith.constant 62720 : i32
          %add3A_178 = arith.addi %add3A_177, %mul3A_176 : i32
          %get3A = arith.index_cast %add3A_178 : i32 to index
          %get3A_179 = tpu.vector_load %arg9[%get3A] {strides = array<i32>} : memref<128256xf32, #tpu.memory_space<vmem>>, vector<16xf32>,
          %reduce_sum3A = arith.constant true
          %reduce_sum3A_180 = vector.broadcast %reduce_sum3A : i1 to vector<16xi1>
          %reduce_sum3A_181 = tpu.scan <sum>, %get3A_179 masked %reduce_sum3A_180 : vector<16xf32>, vector<16xi1> -> vector<16xf32>
          %reduce_sum3A_182 = vector.extract %reduce_sum3A_181[15] : f32 from vector<16xf32>
          %convert_element_type3A_183 = arith.fptosi %reduce_sum3A_182 : f32 to i32
          %lt3A_184 = arith.cmpi slt, %scan3A_172, %scan3A_54#2 : i32
          %add3A_185 = arith.addi %scan3A_172, %convert_element_type3A_183 : i32
          %ge3A = arith.cmpi sge, %add3A_185, %scan3A_54#2 : i32
          %and3A = arith.andi %lt3A_184, %ge3A : i1
          %select_n3A = arith.select %and3A, %scan3A_171, %scan3A_173 : i32
          %sub3A = arith.subi %scan3A_54#2, %scan3A_172 : i32
          %select_n3A_186 = arith.select %and3A, %sub3A, %scan3A_174 : i32
          %add3A_187 = arith.addi %scan3A_172, %convert_element_type3A_183 : i32
          scf.yield %add3A_187, %select_n3A, %select_n3A_186 : i32, i32, i32
        }
        %scan3A_82 = arith.constant 256 : i32
        %mul3A_83 = arith.constant 256 : i32
        %mul3A_84 = arith.muli %add3A_59, %mul3A_83 : i32
        %add3A_85 = arith.addi %mul3A_84, %scan3A_81#1 : i32
        %scan3A_86 = arith.constant 0 : i32
        %scan3A_87 = arith.constant 0 : i32
        %scan3A_88 = arith.constant 256 : i32
        %scan3A_89 = arith.addi %scan3A_87, %scan3A_88 : i32
        %scan3A_90 = arith.constant 1 : i32
        %scan3A_91 = scf.for %scan3A_171 = %scan3A_87 to %scan3A_89 step %scan3A_90 iter_args(%scan3A_172 = %scan3A_86) -> (i32)  : i32 {
          %broadcast_in_dim3A_173 = arith.constant 0.000000e+00 : f32
          %broadcast_in_dim3A_174 = vector.broadcast %broadcast_in_dim3A_173 : f32 to vector<16xf32>
          %mul3A_175 = arith.constant 16 : i32
          %mul3A_176 = arith.muli %scan3A_171, %mul3A_175 : i32
          %add3A_177 = arith.constant 62720 : i32
          %add3A_178 = arith.addi %add3A_177, %mul3A_176 : i32
          %swap3A = arith.index_cast %add3A_178 : i32 to index
          %swap3A_179 = tpu.vector_load %arg9[%swap3A] {strides = array<i32>} : memref<128256xf32, #tpu.memory_space<vmem>>, vector<16xf32>,
          tpu.vector_store %arg9[%swap3A], %broadcast_in_dim3A_174 {strides = array<i32>} : memref<128256xf32, #tpu.memory_space<vmem>>, vector<16xf32>,
          %scan3A_180 = arith.constant 0 : i32
          scf.yield %scan3A_180 : i32
        }
        %scan3A_92 = arith.constant 256 : i32
        %scan3A_93 = arith.constant 0 : i32
        %scan3A_94 = arith.constant 0 : i32
        %scan3A_95 = arith.constant 2352 : i32
        %scan3A_96 = arith.addi %scan3A_94, %scan3A_95 : i32
        %scan3A_97 = arith.constant 1 : i32
        %scan3A_98 = scf.for %scan3A_171 = %scan3A_94 to %scan3A_96 step %scan3A_97 iter_args(%scan3A_172 = %scan3A_93) -> (i32)  : i32 {
          %mul3A_173 = arith.constant 16 : i32
          %mul3A_174 = arith.muli %scan3A_171, %mul3A_173 : i32
          %add3A_175 = arith.constant 0 : i32
          %add3A_176 = arith.addi %add3A_175, %mul3A_174 : i32
          %get3A = arith.index_cast %add3A_176 : i32 to index
          %get3A_177 = tpu.vector_load %arg9[%get3A] {strides = array<i32>} : memref<128256xf32, #tpu.memory_space<vmem>>, vector<16xf32>,
          %abs3A = math.absf %get3A_177 : vector<16xf32>
          %bitcast3A = vector.bitcast %abs3A : vector<16xf32> to vector<16xi32>
          %shift_right_logical3A = arith.constant 15 : i32
          %shift_right_logical3A_178 = vector.broadcast %shift_right_logical3A : i32 to vector<16xi32>
          %shift_right_logical3A_179 = arith.shrui %bitcast3A, %shift_right_logical3A_178 : vector<16xi32>
          %eq3A = vector.broadcast %add3A_85 : i32 to vector<16xi32>
          %eq3A_180 = arith.cmpi eq, %shift_right_logical3A_179, %eq3A : vector<16xi32>
          %shift_right_logical3A_181 = arith.constant 7 : i32
          %shift_right_logical3A_182 = vector.broadcast %shift_right_logical3A_181 : i32 to vector<16xi32>
          %shift_right_logical3A_183 = arith.shrui %bitcast3A, %shift_right_logical3A_182 : vector<16xi32>
          %and3A = arith.constant 255 : i32
          %and3A_184 = vector.broadcast %and3A : i32 to vector<16xi32>
          %and3A_185 = arith.andi %shift_right_logical3A_183, %and3A_184 : vector<16xi32>
          %mul3A_186 = arith.constant 16 : i32
          %mul3A_187 = vector.broadcast %mul3A_186 : i32 to vector<16xi32>
          %mul3A_188 = arith.muli %and3A_185, %mul3A_187 : vector<16xi32>
          %add3A_189 = arith.addi %mul3A_188, %iota3A : vector<16xi32>
          %broadcast_in_dim3A_190 = arith.constant 1.000000e+00 : f32
          %broadcast_in_dim3A_191 = vector.broadcast %broadcast_in_dim3A_190 : f32 to vector<16xf32>
          %scatter3A = arith.constant 62720 : i32
          %scatter3A_192 = tpu.memref_slice %arg9[%scatter3A] : memref<128256xf32, #tpu.memory_space<vmem>> -> memref<4096xf32, #tpu.memory_space<vmem>>
          tpu.vector_store_idx %scatter3A_192[%add3A_189], %broadcast_in_dim3A_191 masked %eq3A_180 {add = true} : memref<4096xf32, #tpu.memory_space<vmem>>[vector<16xi32>], vector<16xf32>, vector<16xi1>
          %scan3A_193 = arith.constant 0 : i32
          scf.yield %scan3A_193 : i32
        }
        %scan3A_99 = arith.constant 2352 : i32
        %scan3A_100 = arith.constant 0 : i32
        %scan3A_101 = arith.constant 0 : i32
        %scan3A_102 = arith.constant 0 : i32
        %scan3A_103 = arith.constant 0 : i32
        %scan3A_104 = arith.constant 256 : i32
        %scan3A_105 = arith.addi %scan3A_103, %scan3A_104 : i32
        %scan3A_106 = arith.constant 1 : i32
        %scan3A_107:3 = scf.for %scan3A_171 = %scan3A_103 to %scan3A_105 step %scan3A_106 iter_args(%scan3A_172 = %scan3A_100, %scan3A_173 = %scan3A_101, %scan3A_174 = %scan3A_102) -> (i32, i32, i32)  : i32 {
          %mul3A_175 = arith.constant 16 : i32
          %mul3A_176 = arith.muli %scan3A_171, %mul3A_175 : i32
          %add3A_177 = arith.constant 62720 : i32
          %add3A_178 = arith.addi %add3A_177, %mul3A_176 : i32
          %get3A = arith.index_cast %add3A_178 : i32 to index
          %get3A_179 = tpu.vector_load %arg9[%get3A] {strides = array<i32>} : memref<128256xf32, #tpu.memory_space<vmem>>, vector<16xf32>,
          %reduce_sum3A = arith.constant true
          %reduce_sum3A_180 = vector.broadcast %reduce_sum3A : i1 to vector<16xi1>
          %reduce_sum3A_181 = tpu.scan <sum>, %get3A_179 masked %reduce_sum3A_180 : vector<16xf32>, vector<16xi1> -> vector<16xf32>
          %reduce_sum3A_182 = vector.extract %reduce_sum3A_181[15] : f32 from vector<16xf32>
          %convert_element_type3A_183 = arith.fptosi %reduce_sum3A_182 : f32 to i32
          %lt3A_184 = arith.cmpi slt, %scan3A_172, %scan3A_81#2 : i32
          %add3A_185 = arith.addi %scan3A_172, %convert_element_type3A_183 : i32
          %ge3A = arith.cmpi sge, %add3A_185, %scan3A_81#2 : i32
          %and3A = arith.andi %lt3A_184, %ge3A : i1
          %select_n3A = arith.select %and3A, %scan3A_171, %scan3A_173 : i32
          %sub3A = arith.subi %scan3A_81#2, %scan3A_172 : i32
          %select_n3A_186 = arith.select %and3A, %sub3A, %scan3A_174 : i32
          %add3A_187 = arith.addi %scan3A_172, %convert_element_type3A_183 : i32
          scf.yield %add3A_187, %select_n3A, %select_n3A_186 : i32, i32, i32
        }
        %scan3A_108 = arith.constant 256 : i32
        %mul3A_109 = arith.constant 256 : i32
        %mul3A_110 = arith.muli %add3A_85, %mul3A_109 : i32
        %add3A_111 = arith.addi %mul3A_110, %scan3A_107#1 : i32
        %scan3A_112 = arith.constant 0 : i32
        %scan3A_113 = arith.constant 0 : i32
        %scan3A_114 = arith.constant 256 : i32
        %scan3A_115 = arith.addi %scan3A_113, %scan3A_114 : i32
        %scan3A_116 = arith.constant 1 : i32
        %scan3A_117 = scf.for %scan3A_171 = %scan3A_113 to %scan3A_115 step %scan3A_116 iter_args(%scan3A_172 = %scan3A_112) -> (i32)  : i32 {
          %broadcast_in_dim3A_173 = arith.constant 0.000000e+00 : f32
          %broadcast_in_dim3A_174 = vector.broadcast %broadcast_in_dim3A_173 : f32 to vector<16xf32>
          %mul3A_175 = arith.constant 16 : i32
          %mul3A_176 = arith.muli %scan3A_171, %mul3A_175 : i32
          %add3A_177 = arith.constant 62720 : i32
          %add3A_178 = arith.addi %add3A_177, %mul3A_176 : i32
          %swap3A = arith.index_cast %add3A_178 : i32 to index
          %swap3A_179 = tpu.vector_load %arg9[%swap3A] {strides = array<i32>} : memref<128256xf32, #tpu.memory_space<vmem>>, vector<16xf32>,
          tpu.vector_store %arg9[%swap3A], %broadcast_in_dim3A_174 {strides = array<i32>} : memref<128256xf32, #tpu.memory_space<vmem>>, vector<16xf32>,
          %scan3A_180 = arith.constant 0 : i32
          scf.yield %scan3A_180 : i32
        }
        %scan3A_118 = arith.constant 256 : i32
        %scan3A_119 = arith.constant 0 : i32
        %scan3A_120 = arith.constant 0 : i32
        %scan3A_121 = arith.constant 2352 : i32
        %scan3A_122 = arith.addi %scan3A_120, %scan3A_121 : i32
        %scan3A_123 = arith.constant 1 : i32
        %scan3A_124 = scf.for %scan3A_171 = %scan3A_120 to %scan3A_122 step %scan3A_123 iter_args(%scan3A_172 = %scan3A_119) -> (i32)  : i32 {
          %mul3A_173 = arith.constant 16 : i32
          %mul3A_174 = arith.muli %scan3A_171, %mul3A_173 : i32
          %add3A_175 = arith.constant 0 : i32
          %add3A_176 = arith.addi %add3A_175, %mul3A_174 : i32
          %get3A = arith.index_cast %add3A_176 : i32 to index
          %get3A_177 = tpu.vector_load %arg9[%get3A] {strides = array<i32>} : memref<128256xf32, #tpu.memory_space<vmem>>, vector<16xf32>,
          %abs3A = math.absf %get3A_177 : vector<16xf32>
          %bitcast3A = vector.bitcast %abs3A : vector<16xf32> to vector<16xi32>
          %shift_right_logical3A = arith.constant 7 : i32
          %shift_right_logical3A_178 = vector.broadcast %shift_right_logical3A : i32 to vector<16xi32>
          %shift_right_logical3A_179 = arith.shrui %bitcast3A, %shift_right_logical3A_178 : vector<16xi32>
          %eq3A = vector.broadcast %add3A_111 : i32 to vector<16xi32>
          %eq3A_180 = arith.cmpi eq, %shift_right_logical3A_179, %eq3A : vector<16xi32>
          %shift_right_logical3A_181 = arith.constant 0 : i32
          %shift_right_logical3A_182 = vector.broadcast %shift_right_logical3A_181 : i32 to vector<16xi32>
          %shift_right_logical3A_183 = arith.shrui %bitcast3A, %shift_right_logical3A_182 : vector<16xi32>
          %and3A = arith.constant 127 : i32
          %and3A_184 = vector.broadcast %and3A : i32 to vector<16xi32>
          %and3A_185 = arith.andi %shift_right_logical3A_183, %and3A_184 : vector<16xi32>
          %mul3A_186 = arith.constant 16 : i32
          %mul3A_187 = vector.broadcast %mul3A_186 : i32 to vector<16xi32>
          %mul3A_188 = arith.muli %and3A_185, %mul3A_187 : vector<16xi32>
          %add3A_189 = arith.addi %mul3A_188, %iota3A : vector<16xi32>
          %broadcast_in_dim3A_190 = arith.constant 1.000000e+00 : f32
          %broadcast_in_dim3A_191 = vector.broadcast %broadcast_in_dim3A_190 : f32 to vector<16xf32>
          %scatter3A = arith.constant 62720 : i32
          %scatter3A_192 = tpu.memref_slice %arg9[%scatter3A] : memref<128256xf32, #tpu.memory_space<vmem>> -> memref<4096xf32, #tpu.memory_space<vmem>>
          tpu.vector_store_idx %scatter3A_192[%add3A_189], %broadcast_in_dim3A_191 masked %eq3A_180 {add = true} : memref<4096xf32, #tpu.memory_space<vmem>>[vector<16xi32>], vector<16xf32>, vector<16xi1>
          %scan3A_193 = arith.constant 0 : i32
          scf.yield %scan3A_193 : i32
        }
        %scan3A_125 = arith.constant 2352 : i32
        %scan3A_126 = arith.constant 0 : i32
        %scan3A_127 = arith.constant 0 : i32
        %scan3A_128 = arith.constant 0 : i32
        %scan3A_129 = arith.constant 0 : i32
        %scan3A_130 = arith.constant 128 : i32
        %scan3A_131 = arith.addi %scan3A_129, %scan3A_130 : i32
        %scan3A_132 = arith.constant 1 : i32
        %scan3A_133:3 = scf.for %scan3A_171 = %scan3A_129 to %scan3A_131 step %scan3A_132 iter_args(%scan3A_172 = %scan3A_126, %scan3A_173 = %scan3A_127, %scan3A_174 = %scan3A_128) -> (i32, i32, i32)  : i32 {
          %mul3A_175 = arith.constant 16 : i32
          %mul3A_176 = arith.muli %scan3A_171, %mul3A_175 : i32
          %add3A_177 = arith.constant 62720 : i32
          %add3A_178 = arith.addi %add3A_177, %mul3A_176 : i32
          %get3A = arith.index_cast %add3A_178 : i32 to index
          %get3A_179 = tpu.vector_load %arg9[%get3A] {strides = array<i32>} : memref<128256xf32, #tpu.memory_space<vmem>>, vector<16xf32>,
          %reduce_sum3A = arith.constant true
          %reduce_sum3A_180 = vector.broadcast %reduce_sum3A : i1 to vector<16xi1>
          %reduce_sum3A_181 = tpu.scan <sum>, %get3A_179 masked %reduce_sum3A_180 : vector<16xf32>, vector<16xi1> -> vector<16xf32>
          %reduce_sum3A_182 = vector.extract %reduce_sum3A_181[15] : f32 from vector<16xf32>
          %convert_element_type3A_183 = arith.fptosi %reduce_sum3A_182 : f32 to i32
          %lt3A_184 = arith.cmpi slt, %scan3A_172, %scan3A_107#2 : i32
          %add3A_185 = arith.addi %scan3A_172, %convert_element_type3A_183 : i32
          %ge3A = arith.cmpi sge, %add3A_185, %scan3A_107#2 : i32
          %and3A = arith.andi %lt3A_184, %ge3A : i1
          %select_n3A = arith.select %and3A, %scan3A_171, %scan3A_173 : i32
          %sub3A = arith.subi %scan3A_107#2, %scan3A_172 : i32
          %select_n3A_186 = arith.select %and3A, %sub3A, %scan3A_174 : i32
          %add3A_187 = arith.addi %scan3A_172, %convert_element_type3A_183 : i32
          scf.yield %add3A_187, %select_n3A, %select_n3A_186 : i32, i32, i32
        }
        %scan3A_134 = arith.constant 128 : i32
        %mul3A_135 = arith.constant 128 : i32
        %mul3A_136 = arith.muli %add3A_111, %mul3A_135 : i32
        %add3A_137 = arith.addi %mul3A_136, %scan3A_133#1 : i32
        %mul3A_138 = arith.constant 65536 : i32
        %mul3A_139 = arith.muli %add3A_11, %mul3A_138 : i32
        "tpu.region"() ({
          %run_scoped3A = tpu.sem_alloc : memref<!tpu.dma_semaphore, #tpu.memory_space<semaphore_mem>>
          %dma_start3A = arith.constant 62720 : i32
          %dma_start3A_171 = tpu.memref_slice %arg9[%dma_start3A] : memref<128256xf32, #tpu.memory_space<vmem>> -> memref<65536xf32, #tpu.memory_space<vmem>>
          %dma_start3A_172 = tpu.memref_slice %arg3[%mul3A_139] : memref<2621440xf32, #tpu.memory_space<hbm>> -> memref<65536xf32, #tpu.memory_space<hbm>>
          %dma_start3A_173 = arith.constant 62720 : i32
          %dma_start3A_174 = tpu.memref_slice %arg9[%dma_start3A_173] : memref<128256xf32, #tpu.memory_space<vmem>> -> memref<65536xf32, #tpu.memory_space<vmem>>
          %dma_start3A_175 = tpu.memref_slice %arg3[%mul3A_139] : memref<2621440xf32, #tpu.memory_space<hbm>> -> memref<65536xf32, #tpu.memory_space<hbm>>
          tpu.enqueue_dma source(%dma_start3A_175 : memref<65536xf32, #tpu.memory_space<hbm>>) target(%dma_start3A_174 : memref<65536xf32, #tpu.memory_space<vmem>>) target_semaphore(%run_scoped3A : memref<!tpu.dma_semaphore, #tpu.memory_space<semaphore_mem>>)
          %dma_wait3A = arith.constant 62720 : i32
          %dma_wait3A_176 = tpu.memref_slice %arg9[%dma_wait3A] : memref<128256xf32, #tpu.memory_space<vmem>> -> memref<65536xf32, #tpu.memory_space<vmem>>
          %dma_wait3A_177 = tpu.memref_slice %arg3[%mul3A_139] : memref<2621440xf32, #tpu.memory_space<hbm>> -> memref<65536xf32, #tpu.memory_space<hbm>>
          %dma_wait3A_178 = arith.constant 62720 : i32
          %dma_wait3A_179 = tpu.memref_slice %arg9[%dma_wait3A_178] : memref<128256xf32, #tpu.memory_space<vmem>> -> memref<65536xf32, #tpu.memory_space<vmem>>
          %dma_wait3A_180 = tpu.memref_slice %arg3[%mul3A_139] : memref<2621440xf32, #tpu.memory_space<hbm>> -> memref<65536xf32, #tpu.memory_space<hbm>>
          tpu.wait_dma2 semaphore(%run_scoped3A : memref<!tpu.dma_semaphore, #tpu.memory_space<semaphore_mem>>) src(%dma_wait3A_180 : memref<65536xf32, #tpu.memory_space<hbm>>) dst(%dma_wait3A_179 : memref<65536xf32, #tpu.memory_space<vmem>>)
          tpu.yield
        }) : () -> ()
        %mul3A_140 = arith.constant 2 : i32
        %mul3A_141 = arith.muli %add3A_11, %mul3A_140 : i32
        %mul3A_142 = arith.constant 3136 : i32
        %mul3A_143 = arith.muli %mul3A_141, %mul3A_142 : i32
        "tpu.region"() ({
          %run_scoped3A = tpu.sem_alloc : memref<!tpu.dma_semaphore, #tpu.memory_space<semaphore_mem>>
          %dma_start3A = arith.constant 50176 : i32
          %dma_start3A_171 = tpu.memref_slice %arg9[%dma_start3A] : memref<128256xf32, #tpu.memory_space<vmem>> -> memref<6272xf32, #tpu.memory_space<vmem>>
          %dma_start3A_172 = tpu.memref_slice %arg6[%mul3A_143] : memref<250880xf32, #tpu.memory_space<hbm>> -> memref<6272xf32, #tpu.memory_space<hbm>>
          %dma_start3A_173 = arith.constant 50176 : i32
          %dma_start3A_174 = tpu.memref_slice %arg9[%dma_start3A_173] : memref<128256xf32, #tpu.memory_space<vmem>> -> memref<6272xf32, #tpu.memory_space<vmem>>
          %dma_start3A_175 = tpu.memref_slice %arg6[%mul3A_143] : memref<250880xf32, #tpu.memory_space<hbm>> -> memref<6272xf32, #tpu.memory_space<hbm>>
          tpu.enqueue_dma source(%dma_start3A_175 : memref<6272xf32, #tpu.memory_space<hbm>>) target(%dma_start3A_174 : memref<6272xf32, #tpu.memory_space<vmem>>) target_semaphore(%run_scoped3A : memref<!tpu.dma_semaphore, #tpu.memory_space<semaphore_mem>>)
          %dma_wait3A = arith.constant 50176 : i32
          %dma_wait3A_176 = tpu.memref_slice %arg9[%dma_wait3A] : memref<128256xf32, #tpu.memory_space<vmem>> -> memref<6272xf32, #tpu.memory_space<vmem>>
          %dma_wait3A_177 = tpu.memref_slice %arg6[%mul3A_143] : memref<250880xf32, #tpu.memory_space<hbm>> -> memref<6272xf32, #tpu.memory_space<hbm>>
          %dma_wait3A_178 = arith.constant 50176 : i32
          %dma_wait3A_179 = tpu.memref_slice %arg9[%dma_wait3A_178] : memref<128256xf32, #tpu.memory_space<vmem>> -> memref<6272xf32, #tpu.memory_space<vmem>>
          %dma_wait3A_180 = tpu.memref_slice %arg6[%mul3A_143] : memref<250880xf32, #tpu.memory_space<hbm>> -> memref<6272xf32, #tpu.memory_space<hbm>>
          tpu.wait_dma2 semaphore(%run_scoped3A : memref<!tpu.dma_semaphore, #tpu.memory_space<semaphore_mem>>) src(%dma_wait3A_180 : memref<6272xf32, #tpu.memory_space<hbm>>) dst(%dma_wait3A_179 : memref<6272xf32, #tpu.memory_space<vmem>>)
          tpu.yield
        }) : () -> ()
        %scan3A_144 = arith.constant 0 : i32
        %scan3A_145 = arith.constant 0 : i32
        %scan3A_146 = arith.constant 196 : i32
        %scan3A_147 = arith.addi %scan3A_145, %scan3A_146 : i32
        %scan3A_148 = arith.constant 1 : i32
        %scan3A_149 = scf.for %scan3A_171 = %scan3A_145 to %scan3A_147 step %scan3A_148 iter_args(%scan3A_172 = %scan3A_144) -> (i32)  : i32 {
          %mul3A_173 = arith.constant 16 : i32
          %mul3A_174 = arith.muli %scan3A_171, %mul3A_173 : i32
          %add3A_175 = vector.broadcast %mul3A_174 : i32 to vector<16xi32>
          %add3A_176 = arith.addi %add3A_175, %iota3A : vector<16xi32>
          %mul3A_177 = arith.constant 2 : i32
          %mul3A_178 = vector.broadcast %mul3A_177 : i32 to vector<16xi32>
          %mul3A_179 = arith.muli %add3A_176, %mul3A_178 : vector<16xi32>
          %gather3A_180 = arith.constant 50176 : i32
          %gather3A_181 = tpu.memref_slice %arg9[%gather3A_180] : memref<128256xf32, #tpu.memory_space<vmem>> -> memref<6272xf32, #tpu.memory_space<vmem>>
          %gather3A_182 = tpu.vector_load_idx %gather3A_181[%mul3A_179] : memref<6272xf32, #tpu.memory_space<vmem>>[vector<16xi32>], vector<16xf32>,
          %add3A_183 = arith.constant 1 : i32
          %add3A_184 = vector.broadcast %add3A_183 : i32 to vector<16xi32>
          %add3A_185 = arith.addi %mul3A_179, %add3A_184 : vector<16xi32>
          %gather3A_186 = arith.constant 50176 : i32
          %gather3A_187 = tpu.memref_slice %arg9[%gather3A_186] : memref<128256xf32, #tpu.memory_space<vmem>> -> memref<6272xf32, #tpu.memory_space<vmem>>
          %gather3A_188 = tpu.vector_load_idx %gather3A_187[%add3A_185] : memref<6272xf32, #tpu.memory_space<vmem>>[vector<16xi32>], vector<16xf32>,
          %mul3A_189 = arith.constant 1.120000e+02 : f32
          %mul3A_190 = vector.broadcast %mul3A_189 : f32 to vector<16xf32>
          %mul3A_191 = arith.mulf %gather3A_182, %mul3A_190 : vector<16xf32>
          %sub3A = arith.constant 5.000000e-01 : f32
          %sub3A_192 = vector.broadcast %sub3A : f32 to vector<16xf32>
          %sub3A_193 = arith.subf %mul3A_191, %sub3A_192 : vector<16xf32>
          %mul3A_194 = arith.constant 1.120000e+02 : f32
          %mul3A_195 = vector.broadcast %mul3A_194 : f32 to vector<16xf32>
          %mul3A_196 = arith.mulf %gather3A_188, %mul3A_195 : vector<16xf32>
          %sub3A_197 = arith.constant 5.000000e-01 : f32
          %sub3A_198 = vector.broadcast %sub3A_197 : f32 to vector<16xf32>
          %sub3A_199 = arith.subf %mul3A_196, %sub3A_198 : vector<16xf32>
          %add3A_200 = arith.constant 1.000000e+00 : f32
          %add3A_201 = vector.broadcast %add3A_200 : f32 to vector<16xf32>
          %add3A_202 = arith.addf %sub3A_193, %add3A_201 : vector<16xf32>
          %convert_element_type3A_203 = arith.fptosi %add3A_202 : vector<16xf32> to vector<16xi32>
          %sub3A_204 = arith.constant 1 : i32
          %sub3A_205 = vector.broadcast %sub3A_204 : i32 to vector<16xi32>
          %sub3A_206 = arith.subi %convert_element_type3A_203, %sub3A_205 : vector<16xi32>
          %add3A_207 = arith.constant 1.000000e+00 : f32
          %add3A_208 = vector.broadcast %add3A_207 : f32 to vector<16xf32>
          %add3A_209 = arith.addf %sub3A_199, %add3A_208 : vector<16xf32>
          %convert_element_type3A_210 = arith.fptosi %add3A_209 : vector<16xf32> to vector<16xi32>
          %sub3A_211 = arith.constant 1 : i32
          %sub3A_212 = vector.broadcast %sub3A_211 : i32 to vector<16xi32>
          %sub3A_213 = arith.subi %convert_element_type3A_210, %sub3A_212 : vector<16xi32>
          %convert_element_type3A_214 = arith.sitofp %sub3A_206 : vector<16xi32> to vector<16xf32>
          %sub3A_215 = arith.subf %sub3A_193, %convert_element_type3A_214 : vector<16xf32>
          %convert_element_type3A_216 = arith.sitofp %sub3A_213 : vector<16xi32> to vector<16xf32>
          %sub3A_217 = arith.subf %sub3A_199, %convert_element_type3A_216 : vector<16xf32>
          %sub3A_218 = arith.constant 1.000000e+00 : f32
          %sub3A_219 = vector.broadcast %sub3A_218 : f32 to vector<16xf32>
          %sub3A_220 = arith.subf %sub3A_219, %sub3A_215 : vector<16xf32>
          %sub3A_221 = arith.constant 1.000000e+00 : f32
          %sub3A_222 = vector.broadcast %sub3A_221 : f32 to vector<16xf32>
          %sub3A_223 = arith.subf %sub3A_222, %sub3A_217 : vector<16xf32>
          %broadcast_in_dim3A_224 = arith.constant 0.000000e+00 : f32
          %broadcast_in_dim3A_225 = vector.broadcast %broadcast_in_dim3A_224 : f32 to vector<16xf32>
          %add3A_226 = arith.constant 0 : i32
          %add3A_227 = vector.broadcast %add3A_226 : i32 to vector<16xi32>
          %add3A_228 = arith.addi %sub3A_206, %add3A_227 : vector<16xi32>
          %add3A_229 = arith.constant 0 : i32
          %add3A_230 = vector.broadcast %add3A_229 : i32 to vector<16xi32>
          %add3A_231 = arith.addi %sub3A_213, %add3A_230 : vector<16xi32>
          %ge3A = arith.constant 0 : i32
          %ge3A_232 = vector.broadcast %ge3A : i32 to vector<16xi32>
          %ge3A_233 = arith.cmpi sge, %add3A_228, %ge3A_232 : vector<16xi32>
          %lt3A_234 = arith.constant 112 : i32
          %lt3A_235 = vector.broadcast %lt3A_234 : i32 to vector<16xi32>
          %lt3A_236 = arith.cmpi slt, %add3A_228, %lt3A_235 : vector<16xi32>
          %and3A = arith.andi %ge3A_233, %lt3A_236 : vector<16xi1>
          %ge3A_237 = arith.constant 0 : i32
          %ge3A_238 = vector.broadcast %ge3A_237 : i32 to vector<16xi32>
          %ge3A_239 = arith.cmpi sge, %add3A_231, %ge3A_238 : vector<16xi32>
          %and3A_240 = arith.andi %and3A, %ge3A_239 : vector<16xi1>
          %lt3A_241 = arith.constant 112 : i32
          %lt3A_242 = vector.broadcast %lt3A_241 : i32 to vector<16xi32>
          %lt3A_243 = arith.cmpi slt, %add3A_231, %lt3A_242 : vector<16xi32>
          %and3A_244 = arith.andi %and3A_240, %lt3A_243 : vector<16xi1>
          %jit3A = arith.constant 0 : i32
          %jit3A_245 = arith.constant 111 : i32
          %max3A = vector.broadcast %jit3A : i32 to vector<16xi32>
          %max3A_246 = arith.maxsi %max3A, %add3A_231 : vector<16xi32>
          %min3A = vector.broadcast %jit3A_245 : i32 to vector<16xi32>
          %min3A_247 = arith.minsi %min3A, %max3A_246 : vector<16xi32>
          %mul3A_248 = arith.constant 112 : i32
          %mul3A_249 = vector.broadcast %mul3A_248 : i32 to vector<16xi32>
          %mul3A_250 = arith.muli %min3A_247, %mul3A_249 : vector<16xi32>
          %jit3A_251 = arith.constant 0 : i32
          %jit3A_252 = arith.constant 111 : i32
          %max3A_253 = vector.broadcast %jit3A_251 : i32 to vector<16xi32>
          %max3A_254 = arith.maxsi %max3A_253, %add3A_228 : vector<16xi32>
          %min3A_255 = vector.broadcast %jit3A_252 : i32 to vector<16xi32>
          %min3A_256 = arith.minsi %min3A_255, %max3A_254 : vector<16xi32>
          %add3A_257 = arith.addi %mul3A_250, %min3A_256 : vector<16xi32>
          %gather3A_258 = arith.constant 37632 : i32
          %gather3A_259 = tpu.memref_slice %arg9[%gather3A_258] : memref<128256xf32, #tpu.memory_space<vmem>> -> memref<12544xf32, #tpu.memory_space<vmem>>
          %gather3A_260 = tpu.vector_load_idx %gather3A_259[%add3A_257] : memref<12544xf32, #tpu.memory_space<vmem>>[vector<16xi32>], vector<16xf32>,
          %mul3A_261 = arith.mulf %sub3A_223, %sub3A_220 : vector<16xf32>
          %mul3A_262 = arith.mulf %mul3A_261, %gather3A_260 : vector<16xf32>
          %jit3A_263 = arith.constant 0.000000e+00 : f32
          %broadcast_in_dim3A_264 = vector.broadcast %jit3A_263 : f32 to vector<16xf32>
          %select_n3A = arith.select %and3A_244, %mul3A_262, %broadcast_in_dim3A_264 : vector<16xi1>, vector<16xf32>
          %add3A_265 = arith.addf %broadcast_in_dim3A_225, %select_n3A : vector<16xf32>
          %add3A_266 = arith.constant 1 : i32
          %add3A_267 = vector.broadcast %add3A_266 : i32 to vector<16xi32>
          %add3A_268 = arith.addi %sub3A_206, %add3A_267 : vector<16xi32>
          %add3A_269 = arith.constant 0 : i32
          %add3A_270 = vector.broadcast %add3A_269 : i32 to vector<16xi32>
          %add3A_271 = arith.addi %sub3A_213, %add3A_270 : vector<16xi32>
          %ge3A_272 = arith.constant 0 : i32
          %ge3A_273 = vector.broadcast %ge3A_272 : i32 to vector<16xi32>
          %ge3A_274 = arith.cmpi sge, %add3A_268, %ge3A_273 : vector<16xi32>
          %lt3A_275 = arith.constant 112 : i32
          %lt3A_276 = vector.broadcast %lt3A_275 : i32 to vector<16xi32>
          %lt3A_277 = arith.cmpi slt, %add3A_268, %lt3A_276 : vector<16xi32>
          %and3A_278 = arith.andi %ge3A_274, %lt3A_277 : vector<16xi1>
          %ge3A_279 = arith.constant 0 : i32
          %ge3A_280 = vector.broadcast %ge3A_279 : i32 to vector<16xi32>
          %ge3A_281 = arith.cmpi sge, %add3A_271, %ge3A_280 : vector<16xi32>
          %and3A_282 = arith.andi %and3A_278, %ge3A_281 : vector<16xi1>
          %lt3A_283 = arith.constant 112 : i32
          %lt3A_284 = vector.broadcast %lt3A_283 : i32 to vector<16xi32>
          %lt3A_285 = arith.cmpi slt, %add3A_271, %lt3A_284 : vector<16xi32>
          %and3A_286 = arith.andi %and3A_282, %lt3A_285 : vector<16xi1>
          %jit3A_287 = arith.constant 0 : i32
          %jit3A_288 = arith.constant 111 : i32
          %max3A_289 = vector.broadcast %jit3A_287 : i32 to vector<16xi32>
          %max3A_290 = arith.maxsi %max3A_289, %add3A_271 : vector<16xi32>
          %min3A_291 = vector.broadcast %jit3A_288 : i32 to vector<16xi32>
          %min3A_292 = arith.minsi %min3A_291, %max3A_290 : vector<16xi32>
          %mul3A_293 = arith.constant 112 : i32
          %mul3A_294 = vector.broadcast %mul3A_293 : i32 to vector<16xi32>
          %mul3A_295 = arith.muli %min3A_292, %mul3A_294 : vector<16xi32>
          %jit3A_296 = arith.constant 0 : i32
          %jit3A_297 = arith.constant 111 : i32
          %max3A_298 = vector.broadcast %jit3A_296 : i32 to vector<16xi32>
          %max3A_299 = arith.maxsi %max3A_298, %add3A_268 : vector<16xi32>
          %min3A_300 = vector.broadcast %jit3A_297 : i32 to vector<16xi32>
          %min3A_301 = arith.minsi %min3A_300, %max3A_299 : vector<16xi32>
          %add3A_302 = arith.addi %mul3A_295, %min3A_301 : vector<16xi32>
          %gather3A_303 = arith.constant 37632 : i32
          %gather3A_304 = tpu.memref_slice %arg9[%gather3A_303] : memref<128256xf32, #tpu.memory_space<vmem>> -> memref<12544xf32, #tpu.memory_space<vmem>>
          %gather3A_305 = tpu.vector_load_idx %gather3A_304[%add3A_302] : memref<12544xf32, #tpu.memory_space<vmem>>[vector<16xi32>], vector<16xf32>,
          %mul3A_306 = arith.mulf %sub3A_223, %sub3A_215 : vector<16xf32>
          %mul3A_307 = arith.mulf %mul3A_306, %gather3A_305 : vector<16xf32>
          %jit3A_308 = arith.constant 0.000000e+00 : f32
          %broadcast_in_dim3A_309 = vector.broadcast %jit3A_308 : f32 to vector<16xf32>
          %select_n3A_310 = arith.select %and3A_286, %mul3A_307, %broadcast_in_dim3A_309 : vector<16xi1>, vector<16xf32>
          %add3A_311 = arith.addf %add3A_265, %select_n3A_310 : vector<16xf32>
          %add3A_312 = arith.constant 0 : i32
          %add3A_313 = vector.broadcast %add3A_312 : i32 to vector<16xi32>
          %add3A_314 = arith.addi %sub3A_206, %add3A_313 : vector<16xi32>
          %add3A_315 = arith.constant 1 : i32
          %add3A_316 = vector.broadcast %add3A_315 : i32 to vector<16xi32>
          %add3A_317 = arith.addi %sub3A_213, %add3A_316 : vector<16xi32>
          %ge3A_318 = arith.constant 0 : i32
          %ge3A_319 = vector.broadcast %ge3A_318 : i32 to vector<16xi32>
          %ge3A_320 = arith.cmpi sge, %add3A_314, %ge3A_319 : vector<16xi32>
          %lt3A_321 = arith.constant 112 : i32
          %lt3A_322 = vector.broadcast %lt3A_321 : i32 to vector<16xi32>
          %lt3A_323 = arith.cmpi slt, %add3A_314, %lt3A_322 : vector<16xi32>
          %and3A_324 = arith.andi %ge3A_320, %lt3A_323 : vector<16xi1>
          %ge3A_325 = arith.constant 0 : i32
          %ge3A_326 = vector.broadcast %ge3A_325 : i32 to vector<16xi32>
          %ge3A_327 = arith.cmpi sge, %add3A_317, %ge3A_326 : vector<16xi32>
          %and3A_328 = arith.andi %and3A_324, %ge3A_327 : vector<16xi1>
          %lt3A_329 = arith.constant 112 : i32
          %lt3A_330 = vector.broadcast %lt3A_329 : i32 to vector<16xi32>
          %lt3A_331 = arith.cmpi slt, %add3A_317, %lt3A_330 : vector<16xi32>
          %and3A_332 = arith.andi %and3A_328, %lt3A_331 : vector<16xi1>
          %jit3A_333 = arith.constant 0 : i32
          %jit3A_334 = arith.constant 111 : i32
          %max3A_335 = vector.broadcast %jit3A_333 : i32 to vector<16xi32>
          %max3A_336 = arith.maxsi %max3A_335, %add3A_317 : vector<16xi32>
          %min3A_337 = vector.broadcast %jit3A_334 : i32 to vector<16xi32>
          %min3A_338 = arith.minsi %min3A_337, %max3A_336 : vector<16xi32>
          %mul3A_339 = arith.constant 112 : i32
          %mul3A_340 = vector.broadcast %mul3A_339 : i32 to vector<16xi32>
          %mul3A_341 = arith.muli %min3A_338, %mul3A_340 : vector<16xi32>
          %jit3A_342 = arith.constant 0 : i32
          %jit3A_343 = arith.constant 111 : i32
          %max3A_344 = vector.broadcast %jit3A_342 : i32 to vector<16xi32>
          %max3A_345 = arith.maxsi %max3A_344, %add3A_314 : vector<16xi32>
          %min3A_346 = vector.broadcast %jit3A_343 : i32 to vector<16xi32>
          %min3A_347 = arith.minsi %min3A_346, %max3A_345 : vector<16xi32>
          %add3A_348 = arith.addi %mul3A_341, %min3A_347 : vector<16xi32>
          %gather3A_349 = arith.constant 37632 : i32
          %gather3A_350 = tpu.memref_slice %arg9[%gather3A_349] : memref<128256xf32, #tpu.memory_space<vmem>> -> memref<12544xf32, #tpu.memory_space<vmem>>
          %gather3A_351 = tpu.vector_load_idx %gather3A_350[%add3A_348] : memref<12544xf32, #tpu.memory_space<vmem>>[vector<16xi32>], vector<16xf32>,
          %mul3A_352 = arith.mulf %sub3A_217, %sub3A_220 : vector<16xf32>
          %mul3A_353 = arith.mulf %mul3A_352, %gather3A_351 : vector<16xf32>
          %jit3A_354 = arith.constant 0.000000e+00 : f32
          %broadcast_in_dim3A_355 = vector.broadcast %jit3A_354 : f32 to vector<16xf32>
          %select_n3A_356 = arith.select %and3A_332, %mul3A_353, %broadcast_in_dim3A_355 : vector<16xi1>, vector<16xf32>
          %add3A_357 = arith.addf %add3A_311, %select_n3A_356 : vector<16xf32>
          %add3A_358 = arith.constant 1 : i32
          %add3A_359 = vector.broadcast %add3A_358 : i32 to vector<16xi32>
          %add3A_360 = arith.addi %sub3A_206, %add3A_359 : vector<16xi32>
          %add3A_361 = arith.constant 1 : i32
          %add3A_362 = vector.broadcast %add3A_361 : i32 to vector<16xi32>
          %add3A_363 = arith.addi %sub3A_213, %add3A_362 : vector<16xi32>
          %ge3A_364 = arith.constant 0 : i32
          %ge3A_365 = vector.broadcast %ge3A_364 : i32 to vector<16xi32>
          %ge3A_366 = arith.cmpi sge, %add3A_360, %ge3A_365 : vector<16xi32>
          %lt3A_367 = arith.constant 112 : i32
          %lt3A_368 = vector.broadcast %lt3A_367 : i32 to vector<16xi32>
          %lt3A_369 = arith.cmpi slt, %add3A_360, %lt3A_368 : vector<16xi32>
          %and3A_370 = arith.andi %ge3A_366, %lt3A_369 : vector<16xi1>
          %ge3A_371 = arith.constant 0 : i32
          %ge3A_372 = vector.broadcast %ge3A_371 : i32 to vector<16xi32>
          %ge3A_373 = arith.cmpi sge, %add3A_363, %ge3A_372 : vector<16xi32>
          %and3A_374 = arith.andi %and3A_370, %ge3A_373 : vector<16xi1>
          %lt3A_375 = arith.constant 112 : i32
          %lt3A_376 = vector.broadcast %lt3A_375 : i32 to vector<16xi32>
          %lt3A_377 = arith.cmpi slt, %add3A_363, %lt3A_376 : vector<16xi32>
          %and3A_378 = arith.andi %and3A_374, %lt3A_377 : vector<16xi1>
          %jit3A_379 = arith.constant 0 : i32
          %jit3A_380 = arith.constant 111 : i32
          %max3A_381 = vector.broadcast %jit3A_379 : i32 to vector<16xi32>
          %max3A_382 = arith.maxsi %max3A_381, %add3A_363 : vector<16xi32>
          %min3A_383 = vector.broadcast %jit3A_380 : i32 to vector<16xi32>
          %min3A_384 = arith.minsi %min3A_383, %max3A_382 : vector<16xi32>
          %mul3A_385 = arith.constant 112 : i32
          %mul3A_386 = vector.broadcast %mul3A_385 : i32 to vector<16xi32>
          %mul3A_387 = arith.muli %min3A_384, %mul3A_386 : vector<16xi32>
          %jit3A_388 = arith.constant 0 : i32
          %jit3A_389 = arith.constant 111 : i32
          %max3A_390 = vector.broadcast %jit3A_388 : i32 to vector<16xi32>
          %max3A_391 = arith.maxsi %max3A_390, %add3A_360 : vector<16xi32>
          %min3A_392 = vector.broadcast %jit3A_389 : i32 to vector<16xi32>
          %min3A_393 = arith.minsi %min3A_392, %max3A_391 : vector<16xi32>
          %add3A_394 = arith.addi %mul3A_387, %min3A_393 : vector<16xi32>
          %gather3A_395 = arith.constant 37632 : i32
          %gather3A_396 = tpu.memref_slice %arg9[%gather3A_395] : memref<128256xf32, #tpu.memory_space<vmem>> -> memref<12544xf32, #tpu.memory_space<vmem>>
          %gather3A_397 = tpu.vector_load_idx %gather3A_396[%add3A_394] : memref<12544xf32, #tpu.memory_space<vmem>>[vector<16xi32>], vector<16xf32>,
          %mul3A_398 = arith.mulf %sub3A_217, %sub3A_215 : vector<16xf32>
          %mul3A_399 = arith.mulf %mul3A_398, %gather3A_397 : vector<16xf32>
          %jit3A_400 = arith.constant 0.000000e+00 : f32
          %broadcast_in_dim3A_401 = vector.broadcast %jit3A_400 : f32 to vector<16xf32>
          %select_n3A_402 = arith.select %and3A_378, %mul3A_399, %broadcast_in_dim3A_401 : vector<16xi1>, vector<16xf32>
          %add3A_403 = arith.addf %add3A_357, %select_n3A_402 : vector<16xf32>
          %mul3A_404 = arith.constant 2.560000e+02 : f32
          %mul3A_405 = vector.broadcast %mul3A_404 : f32 to vector<16xf32>
          %mul3A_406 = arith.mulf %gather3A_182, %mul3A_405 : vector<16xf32>
          %sub3A_407 = arith.constant 5.000000e-01 : f32
          %sub3A_408 = vector.broadcast %sub3A_407 : f32 to vector<16xf32>
          %sub3A_409 = arith.subf %mul3A_406, %sub3A_408 : vector<16xf32>
          %mul3A_410 = arith.constant 2.560000e+02 : f32
          %mul3A_411 = vector.broadcast %mul3A_410 : f32 to vector<16xf32>
          %mul3A_412 = arith.mulf %gather3A_188, %mul3A_411 : vector<16xf32>
          %sub3A_413 = arith.constant 5.000000e-01 : f32
          %sub3A_414 = vector.broadcast %sub3A_413 : f32 to vector<16xf32>
          %sub3A_415 = arith.subf %mul3A_412, %sub3A_414 : vector<16xf32>
          %add3A_416 = arith.constant 1.000000e+00 : f32
          %add3A_417 = vector.broadcast %add3A_416 : f32 to vector<16xf32>
          %add3A_418 = arith.addf %sub3A_409, %add3A_417 : vector<16xf32>
          %convert_element_type3A_419 = arith.fptosi %add3A_418 : vector<16xf32> to vector<16xi32>
          %sub3A_420 = arith.constant 1 : i32
          %sub3A_421 = vector.broadcast %sub3A_420 : i32 to vector<16xi32>
          %sub3A_422 = arith.subi %convert_element_type3A_419, %sub3A_421 : vector<16xi32>
          %add3A_423 = arith.constant 1.000000e+00 : f32
          %add3A_424 = vector.broadcast %add3A_423 : f32 to vector<16xf32>
          %add3A_425 = arith.addf %sub3A_415, %add3A_424 : vector<16xf32>
          %convert_element_type3A_426 = arith.fptosi %add3A_425 : vector<16xf32> to vector<16xi32>
          %sub3A_427 = arith.constant 1 : i32
          %sub3A_428 = vector.broadcast %sub3A_427 : i32 to vector<16xi32>
          %sub3A_429 = arith.subi %convert_element_type3A_426, %sub3A_428 : vector<16xi32>
          %convert_element_type3A_430 = arith.sitofp %sub3A_422 : vector<16xi32> to vector<16xf32>
          %sub3A_431 = arith.subf %sub3A_409, %convert_element_type3A_430 : vector<16xf32>
          %convert_element_type3A_432 = arith.sitofp %sub3A_429 : vector<16xi32> to vector<16xf32>
          %sub3A_433 = arith.subf %sub3A_415, %convert_element_type3A_432 : vector<16xf32>
          %sub3A_434 = arith.constant 1.000000e+00 : f32
          %sub3A_435 = vector.broadcast %sub3A_434 : f32 to vector<16xf32>
          %sub3A_436 = arith.subf %sub3A_435, %sub3A_431 : vector<16xf32>
          %sub3A_437 = arith.constant 1.000000e+00 : f32
          %sub3A_438 = vector.broadcast %sub3A_437 : f32 to vector<16xf32>
          %sub3A_439 = arith.subf %sub3A_438, %sub3A_433 : vector<16xf32>
          %broadcast_in_dim3A_440 = arith.constant 0.000000e+00 : f32
          %broadcast_in_dim3A_441 = vector.broadcast %broadcast_in_dim3A_440 : f32 to vector<16xf32>
          %add3A_442 = arith.constant 0 : i32
          %add3A_443 = vector.broadcast %add3A_442 : i32 to vector<16xi32>
          %add3A_444 = arith.addi %sub3A_422, %add3A_443 : vector<16xi32>
          %add3A_445 = arith.constant 0 : i32
          %add3A_446 = vector.broadcast %add3A_445 : i32 to vector<16xi32>
          %add3A_447 = arith.addi %sub3A_429, %add3A_446 : vector<16xi32>
          %ge3A_448 = arith.constant 0 : i32
          %ge3A_449 = vector.broadcast %ge3A_448 : i32 to vector<16xi32>
          %ge3A_450 = arith.cmpi sge, %add3A_444, %ge3A_449 : vector<16xi32>
          %lt3A_451 = arith.constant 256 : i32
          %lt3A_452 = vector.broadcast %lt3A_451 : i32 to vector<16xi32>
          %lt3A_453 = arith.cmpi slt, %add3A_444, %lt3A_452 : vector<16xi32>
          %and3A_454 = arith.andi %ge3A_450, %lt3A_453 : vector<16xi1>
          %ge3A_455 = arith.constant 0 : i32
          %ge3A_456 = vector.broadcast %ge3A_455 : i32 to vector<16xi32>
          %ge3A_457 = arith.cmpi sge, %add3A_447, %ge3A_456 : vector<16xi32>
          %and3A_458 = arith.andi %and3A_454, %ge3A_457 : vector<16xi1>
          %lt3A_459 = arith.constant 256 : i32
          %lt3A_460 = vector.broadcast %lt3A_459 : i32 to vector<16xi32>
          %lt3A_461 = arith.cmpi slt, %add3A_447, %lt3A_460 : vector<16xi32>
          %and3A_462 = arith.andi %and3A_458, %lt3A_461 : vector<16xi1>
          %jit3A_463 = arith.constant 0 : i32
          %jit3A_464 = arith.constant 255 : i32
          %max3A_465 = vector.broadcast %jit3A_463 : i32 to vector<16xi32>
          %max3A_466 = arith.maxsi %max3A_465, %add3A_447 : vector<16xi32>
          %min3A_467 = vector.broadcast %jit3A_464 : i32 to vector<16xi32>
          %min3A_468 = arith.minsi %min3A_467, %max3A_466 : vector<16xi32>
          %mul3A_469 = arith.constant 256 : i32
          %mul3A_470 = vector.broadcast %mul3A_469 : i32 to vector<16xi32>
          %mul3A_471 = arith.muli %min3A_468, %mul3A_470 : vector<16xi32>
          %jit3A_472 = arith.constant 0 : i32
          %jit3A_473 = arith.constant 255 : i32
          %max3A_474 = vector.broadcast %jit3A_472 : i32 to vector<16xi32>
          %max3A_475 = arith.maxsi %max3A_474, %add3A_444 : vector<16xi32>
          %min3A_476 = vector.broadcast %jit3A_473 : i32 to vector<16xi32>
          %min3A_477 = arith.minsi %min3A_476, %max3A_475 : vector<16xi32>
          %add3A_478 = arith.addi %mul3A_471, %min3A_477 : vector<16xi32>
          %gather3A_479 = arith.constant 62720 : i32
          %gather3A_480 = tpu.memref_slice %arg9[%gather3A_479] : memref<128256xf32, #tpu.memory_space<vmem>> -> memref<65536xf32, #tpu.memory_space<vmem>>
          %gather3A_481 = tpu.vector_load_idx %gather3A_480[%add3A_478] : memref<65536xf32, #tpu.memory_space<vmem>>[vector<16xi32>], vector<16xf32>,
          %mul3A_482 = arith.mulf %sub3A_439, %sub3A_436 : vector<16xf32>
          %mul3A_483 = arith.mulf %mul3A_482, %gather3A_481 : vector<16xf32>
          %jit3A_484 = arith.constant 0.000000e+00 : f32
          %broadcast_in_dim3A_485 = vector.broadcast %jit3A_484 : f32 to vector<16xf32>
          %select_n3A_486 = arith.select %and3A_462, %mul3A_483, %broadcast_in_dim3A_485 : vector<16xi1>, vector<16xf32>
          %add3A_487 = arith.addf %broadcast_in_dim3A_441, %select_n3A_486 : vector<16xf32>
          %add3A_488 = arith.constant 1 : i32
          %add3A_489 = vector.broadcast %add3A_488 : i32 to vector<16xi32>
          %add3A_490 = arith.addi %sub3A_422, %add3A_489 : vector<16xi32>
          %add3A_491 = arith.constant 0 : i32
          %add3A_492 = vector.broadcast %add3A_491 : i32 to vector<16xi32>
          %add3A_493 = arith.addi %sub3A_429, %add3A_492 : vector<16xi32>
          %ge3A_494 = arith.constant 0 : i32
          %ge3A_495 = vector.broadcast %ge3A_494 : i32 to vector<16xi32>
          %ge3A_496 = arith.cmpi sge, %add3A_490, %ge3A_495 : vector<16xi32>
          %lt3A_497 = arith.constant 256 : i32
          %lt3A_498 = vector.broadcast %lt3A_497 : i32 to vector<16xi32>
          %lt3A_499 = arith.cmpi slt, %add3A_490, %lt3A_498 : vector<16xi32>
          %and3A_500 = arith.andi %ge3A_496, %lt3A_499 : vector<16xi1>
          %ge3A_501 = arith.constant 0 : i32
          %ge3A_502 = vector.broadcast %ge3A_501 : i32 to vector<16xi32>
          %ge3A_503 = arith.cmpi sge, %add3A_493, %ge3A_502 : vector<16xi32>
          %and3A_504 = arith.andi %and3A_500, %ge3A_503 : vector<16xi1>
          %lt3A_505 = arith.constant 256 : i32
          %lt3A_506 = vector.broadcast %lt3A_505 : i32 to vector<16xi32>
          %lt3A_507 = arith.cmpi slt, %add3A_493, %lt3A_506 : vector<16xi32>
          %and3A_508 = arith.andi %and3A_504, %lt3A_507 : vector<16xi1>
          %jit3A_509 = arith.constant 0 : i32
          %jit3A_510 = arith.constant 255 : i32
          %max3A_511 = vector.broadcast %jit3A_509 : i32 to vector<16xi32>
          %max3A_512 = arith.maxsi %max3A_511, %add3A_493 : vector<16xi32>
          %min3A_513 = vector.broadcast %jit3A_510 : i32 to vector<16xi32>
          %min3A_514 = arith.minsi %min3A_513, %max3A_512 : vector<16xi32>
          %mul3A_515 = arith.constant 256 : i32
          %mul3A_516 = vector.broadcast %mul3A_515 : i32 to vector<16xi32>
          %mul3A_517 = arith.muli %min3A_514, %mul3A_516 : vector<16xi32>
          %jit3A_518 = arith.constant 0 : i32
          %jit3A_519 = arith.constant 255 : i32
          %max3A_520 = vector.broadcast %jit3A_518 : i32 to vector<16xi32>
          %max3A_521 = arith.maxsi %max3A_520, %add3A_490 : vector<16xi32>
          %min3A_522 = vector.broadcast %jit3A_519 : i32 to vector<16xi32>
          %min3A_523 = arith.minsi %min3A_522, %max3A_521 : vector<16xi32>
          %add3A_524 = arith.addi %mul3A_517, %min3A_523 : vector<16xi32>
          %gather3A_525 = arith.constant 62720 : i32
          %gather3A_526 = tpu.memref_slice %arg9[%gather3A_525] : memref<128256xf32, #tpu.memory_space<vmem>> -> memref<65536xf32, #tpu.memory_space<vmem>>
          %gather3A_527 = tpu.vector_load_idx %gather3A_526[%add3A_524] : memref<65536xf32, #tpu.memory_space<vmem>>[vector<16xi32>], vector<16xf32>,
          %mul3A_528 = arith.mulf %sub3A_439, %sub3A_431 : vector<16xf32>
          %mul3A_529 = arith.mulf %mul3A_528, %gather3A_527 : vector<16xf32>
          %jit3A_530 = arith.constant 0.000000e+00 : f32
          %broadcast_in_dim3A_531 = vector.broadcast %jit3A_530 : f32 to vector<16xf32>
          %select_n3A_532 = arith.select %and3A_508, %mul3A_529, %broadcast_in_dim3A_531 : vector<16xi1>, vector<16xf32>
          %add3A_533 = arith.addf %add3A_487, %select_n3A_532 : vector<16xf32>
          %add3A_534 = arith.constant 0 : i32
          %add3A_535 = vector.broadcast %add3A_534 : i32 to vector<16xi32>
          %add3A_536 = arith.addi %sub3A_422, %add3A_535 : vector<16xi32>
          %add3A_537 = arith.constant 1 : i32
          %add3A_538 = vector.broadcast %add3A_537 : i32 to vector<16xi32>
          %add3A_539 = arith.addi %sub3A_429, %add3A_538 : vector<16xi32>
          %ge3A_540 = arith.constant 0 : i32
          %ge3A_541 = vector.broadcast %ge3A_540 : i32 to vector<16xi32>
          %ge3A_542 = arith.cmpi sge, %add3A_536, %ge3A_541 : vector<16xi32>
          %lt3A_543 = arith.constant 256 : i32
          %lt3A_544 = vector.broadcast %lt3A_543 : i32 to vector<16xi32>
          %lt3A_545 = arith.cmpi slt, %add3A_536, %lt3A_544 : vector<16xi32>
          %and3A_546 = arith.andi %ge3A_542, %lt3A_545 : vector<16xi1>
          %ge3A_547 = arith.constant 0 : i32
          %ge3A_548 = vector.broadcast %ge3A_547 : i32 to vector<16xi32>
          %ge3A_549 = arith.cmpi sge, %add3A_539, %ge3A_548 : vector<16xi32>
          %and3A_550 = arith.andi %and3A_546, %ge3A_549 : vector<16xi1>
          %lt3A_551 = arith.constant 256 : i32
          %lt3A_552 = vector.broadcast %lt3A_551 : i32 to vector<16xi32>
          %lt3A_553 = arith.cmpi slt, %add3A_539, %lt3A_552 : vector<16xi32>
          %and3A_554 = arith.andi %and3A_550, %lt3A_553 : vector<16xi1>
          %jit3A_555 = arith.constant 0 : i32
          %jit3A_556 = arith.constant 255 : i32
          %max3A_557 = vector.broadcast %jit3A_555 : i32 to vector<16xi32>
          %max3A_558 = arith.maxsi %max3A_557, %add3A_539 : vector<16xi32>
          %min3A_559 = vector.broadcast %jit3A_556 : i32 to vector<16xi32>
          %min3A_560 = arith.minsi %min3A_559, %max3A_558 : vector<16xi32>
          %mul3A_561 = arith.constant 256 : i32
          %mul3A_562 = vector.broadcast %mul3A_561 : i32 to vector<16xi32>
          %mul3A_563 = arith.muli %min3A_560, %mul3A_562 : vector<16xi32>
          %jit3A_564 = arith.constant 0 : i32
          %jit3A_565 = arith.constant 255 : i32
          %max3A_566 = vector.broadcast %jit3A_564 : i32 to vector<16xi32>
          %max3A_567 = arith.maxsi %max3A_566, %add3A_536 : vector<16xi32>
          %min3A_568 = vector.broadcast %jit3A_565 : i32 to vector<16xi32>
          %min3A_569 = arith.minsi %min3A_568, %max3A_567 : vector<16xi32>
          %add3A_570 = arith.addi %mul3A_563, %min3A_569 : vector<16xi32>
          %gather3A_571 = arith.constant 62720 : i32
          %gather3A_572 = tpu.memref_slice %arg9[%gather3A_571] : memref<128256xf32, #tpu.memory_space<vmem>> -> memref<65536xf32, #tpu.memory_space<vmem>>
          %gather3A_573 = tpu.vector_load_idx %gather3A_572[%add3A_570] : memref<65536xf32, #tpu.memory_space<vmem>>[vector<16xi32>], vector<16xf32>,
          %mul3A_574 = arith.mulf %sub3A_433, %sub3A_436 : vector<16xf32>
          %mul3A_575 = arith.mulf %mul3A_574, %gather3A_573 : vector<16xf32>
          %jit3A_576 = arith.constant 0.000000e+00 : f32
          %broadcast_in_dim3A_577 = vector.broadcast %jit3A_576 : f32 to vector<16xf32>
          %select_n3A_578 = arith.select %and3A_554, %mul3A_575, %broadcast_in_dim3A_577 : vector<16xi1>, vector<16xf32>
          %add3A_579 = arith.addf %add3A_533, %select_n3A_578 : vector<16xf32>
          %add3A_580 = arith.constant 1 : i32
          %add3A_581 = vector.broadcast %add3A_580 : i32 to vector<16xi32>
          %add3A_582 = arith.addi %sub3A_422, %add3A_581 : vector<16xi32>
          %add3A_583 = arith.constant 1 : i32
          %add3A_584 = vector.broadcast %add3A_583 : i32 to vector<16xi32>
          %add3A_585 = arith.addi %sub3A_429, %add3A_584 : vector<16xi32>
          %ge3A_586 = arith.constant 0 : i32
          %ge3A_587 = vector.broadcast %ge3A_586 : i32 to vector<16xi32>
          %ge3A_588 = arith.cmpi sge, %add3A_582, %ge3A_587 : vector<16xi32>
          %lt3A_589 = arith.constant 256 : i32
          %lt3A_590 = vector.broadcast %lt3A_589 : i32 to vector<16xi32>
          %lt3A_591 = arith.cmpi slt, %add3A_582, %lt3A_590 : vector<16xi32>
          %and3A_592 = arith.andi %ge3A_588, %lt3A_591 : vector<16xi1>
          %ge3A_593 = arith.constant 0 : i32
          %ge3A_594 = vector.broadcast %ge3A_593 : i32 to vector<16xi32>
          %ge3A_595 = arith.cmpi sge, %add3A_585, %ge3A_594 : vector<16xi32>
          %and3A_596 = arith.andi %and3A_592, %ge3A_595 : vector<16xi1>
          %lt3A_597 = arith.constant 256 : i32
          %lt3A_598 = vector.broadcast %lt3A_597 : i32 to vector<16xi32>
          %lt3A_599 = arith.cmpi slt, %add3A_585, %lt3A_598 : vector<16xi32>
          %and3A_600 = arith.andi %and3A_596, %lt3A_599 : vector<16xi1>
          %jit3A_601 = arith.constant 0 : i32
          %jit3A_602 = arith.constant 255 : i32
          %max3A_603 = vector.broadcast %jit3A_601 : i32 to vector<16xi32>
          %max3A_604 = arith.maxsi %max3A_603, %add3A_585 : vector<16xi32>
          %min3A_605 = vector.broadcast %jit3A_602 : i32 to vector<16xi32>
          %min3A_606 = arith.minsi %min3A_605, %max3A_604 : vector<16xi32>
          %mul3A_607 = arith.constant 256 : i32
          %mul3A_608 = vector.broadcast %mul3A_607 : i32 to vector<16xi32>
          %mul3A_609 = arith.muli %min3A_606, %mul3A_608 : vector<16xi32>
          %jit3A_610 = arith.constant 0 : i32
          %jit3A_611 = arith.constant 255 : i32
          %max3A_612 = vector.broadcast %jit3A_610 : i32 to vector<16xi32>
          %max3A_613 = arith.maxsi %max3A_612, %add3A_582 : vector<16xi32>
          %min3A_614 = vector.broadcast %jit3A_611 : i32 to vector<16xi32>
          %min3A_615 = arith.minsi %min3A_614, %max3A_613 : vector<16xi32>
          %add3A_616 = arith.addi %mul3A_609, %min3A_615 : vector<16xi32>
          %gather3A_617 = arith.constant 62720 : i32
          %gather3A_618 = tpu.memref_slice %arg9[%gather3A_617] : memref<128256xf32, #tpu.memory_space<vmem>> -> memref<65536xf32, #tpu.memory_space<vmem>>
          %gather3A_619 = tpu.vector_load_idx %gather3A_618[%add3A_616] : memref<65536xf32, #tpu.memory_space<vmem>>[vector<16xi32>], vector<16xf32>,
          %mul3A_620 = arith.mulf %sub3A_433, %sub3A_431 : vector<16xf32>
          %mul3A_621 = arith.mulf %mul3A_620, %gather3A_619 : vector<16xf32>
          %jit3A_622 = arith.constant 0.000000e+00 : f32
          %broadcast_in_dim3A_623 = vector.broadcast %jit3A_622 : f32 to vector<16xf32>
          %select_n3A_624 = arith.select %and3A_600, %mul3A_621, %broadcast_in_dim3A_623 : vector<16xi1>, vector<16xf32>
          %add3A_625 = arith.addf %add3A_579, %select_n3A_624 : vector<16xf32>
          %mul3A_626 = arith.constant 16 : i32
          %mul3A_627 = arith.muli %scan3A_171, %mul3A_626 : i32
          %add3A_628 = arith.constant 56448 : i32
          %add3A_629 = arith.addi %add3A_628, %mul3A_627 : i32
          %swap3A = arith.index_cast %add3A_629 : i32 to index
          %swap3A_630 = tpu.vector_load %arg9[%swap3A] {strides = array<i32>} : memref<128256xf32, #tpu.memory_space<vmem>>, vector<16xf32>,
          tpu.vector_store %arg9[%swap3A], %add3A_403 {strides = array<i32>} : memref<128256xf32, #tpu.memory_space<vmem>>, vector<16xf32>,
          %mul3A_631 = arith.constant 16 : i32
          %mul3A_632 = arith.muli %scan3A_171, %mul3A_631 : i32
          %add3A_633 = arith.constant 59584 : i32
          %add3A_634 = arith.addi %add3A_633, %mul3A_632 : i32
          %swap3A_635 = arith.index_cast %add3A_634 : i32 to index
          %swap3A_636 = tpu.vector_load %arg9[%swap3A_635] {strides = array<i32>} : memref<128256xf32, #tpu.memory_space<vmem>>, vector<16xf32>,
          tpu.vector_store %arg9[%swap3A_635], %add3A_625 {strides = array<i32>} : memref<128256xf32, #tpu.memory_space<vmem>>, vector<16xf32>,
          %scan3A_637 = arith.constant 0 : i32
          scf.yield %scan3A_637 : i32
        }
        %scan3A_150 = arith.constant 196 : i32
        %mul3A_151 = arith.constant 12544 : i32
        %mul3A_152 = arith.muli %add3A_11, %mul3A_151 : i32
        %add3A_153 = arith.constant 9408 : i32
        %add3A_154 = arith.addi %mul3A_152, %add3A_153 : i32
        "tpu.region"() ({
          %run_scoped3A = tpu.sem_alloc : memref<!tpu.dma_semaphore, #tpu.memory_space<semaphore_mem>>
          %dma_start3A = arith.constant 56448 : i32
          %dma_start3A_171 = tpu.memref_slice %arg9[%dma_start3A] : memref<128256xf32, #tpu.memory_space<vmem>> -> memref<3136xf32, #tpu.memory_space<vmem>>
          %dma_start3A_172 = tpu.memref_slice %arg7[%add3A_154] : memref<501760xf32, #tpu.memory_space<hbm>> -> memref<3136xf32, #tpu.memory_space<hbm>>
          %dma_start3A_173 = tpu.memref_slice %arg7[%add3A_154] : memref<501760xf32, #tpu.memory_space<hbm>> -> memref<3136xf32, #tpu.memory_space<hbm>>
          %dma_start3A_174 = arith.constant 56448 : i32
          %dma_start3A_175 = tpu.memref_slice %arg9[%dma_start3A_174] : memref<128256xf32, #tpu.memory_space<vmem>> -> memref<3136xf32, #tpu.memory_space<vmem>>
          tpu.enqueue_dma source(%dma_start3A_175 : memref<3136xf32, #tpu.memory_space<vmem>>) target(%dma_start3A_173 : memref<3136xf32, #tpu.memory_space<hbm>>) target_semaphore(%run_scoped3A : memref<!tpu.dma_semaphore, #tpu.memory_space<semaphore_mem>>)
          %dma_wait3A = arith.constant 56448 : i32
          %dma_wait3A_176 = tpu.memref_slice %arg9[%dma_wait3A] : memref<128256xf32, #tpu.memory_space<vmem>> -> memref<3136xf32, #tpu.memory_space<vmem>>
          %dma_wait3A_177 = tpu.memref_slice %arg7[%add3A_154] : memref<501760xf32, #tpu.memory_space<hbm>> -> memref<3136xf32, #tpu.memory_space<hbm>>
          %dma_wait3A_178 = tpu.memref_slice %arg7[%add3A_154] : memref<501760xf32, #tpu.memory_space<hbm>> -> memref<3136xf32, #tpu.memory_space<hbm>>
          %dma_wait3A_179 = arith.constant 56448 : i32
          %dma_wait3A_180 = tpu.memref_slice %arg9[%dma_wait3A_179] : memref<128256xf32, #tpu.memory_space<vmem>> -> memref<3136xf32, #tpu.memory_space<vmem>>
          tpu.wait_dma2 semaphore(%run_scoped3A : memref<!tpu.dma_semaphore, #tpu.memory_space<semaphore_mem>>) src(%dma_wait3A_180 : memref<3136xf32, #tpu.memory_space<vmem>>) dst(%dma_wait3A_178 : memref<3136xf32, #tpu.memory_space<hbm>>)
          tpu.yield
        }) : () -> ()
        %mul3A_155 = arith.constant 12544 : i32
        %mul3A_156 = arith.muli %add3A_11, %mul3A_155 : i32
        %add3A_157 = arith.constant 9408 : i32
        %add3A_158 = arith.addi %mul3A_156, %add3A_157 : i32
        "tpu.region"() ({
          %run_scoped3A = tpu.sem_alloc : memref<!tpu.dma_semaphore, #tpu.memory_space<semaphore_mem>>
          %dma_start3A = arith.constant 59584 : i32
          %dma_start3A_171 = tpu.memref_slice %arg9[%dma_start3A] : memref<128256xf32, #tpu.memory_space<vmem>> -> memref<3136xf32, #tpu.memory_space<vmem>>
          %dma_start3A_172 = tpu.memref_slice %arg8[%add3A_158] : memref<501760xf32, #tpu.memory_space<hbm>> -> memref<3136xf32, #tpu.memory_space<hbm>>
          %dma_start3A_173 = tpu.memref_slice %arg8[%add3A_158] : memref<501760xf32, #tpu.memory_space<hbm>> -> memref<3136xf32, #tpu.memory_space<hbm>>
          %dma_start3A_174 = arith.constant 59584 : i32
          %dma_start3A_175 = tpu.memref_slice %arg9[%dma_start3A_174] : memref<128256xf32, #tpu.memory_space<vmem>> -> memref<3136xf32, #tpu.memory_space<vmem>>
          tpu.enqueue_dma source(%dma_start3A_175 : memref<3136xf32, #tpu.memory_space<vmem>>) target(%dma_start3A_173 : memref<3136xf32, #tpu.memory_space<hbm>>) target_semaphore(%run_scoped3A : memref<!tpu.dma_semaphore, #tpu.memory_space<semaphore_mem>>)
          %dma_wait3A = arith.constant 59584 : i32
          %dma_wait3A_176 = tpu.memref_slice %arg9[%dma_wait3A] : memref<128256xf32, #tpu.memory_space<vmem>> -> memref<3136xf32, #tpu.memory_space<vmem>>
          %dma_wait3A_177 = tpu.memref_slice %arg8[%add3A_158] : memref<501760xf32, #tpu.memory_space<hbm>> -> memref<3136xf32, #tpu.memory_space<hbm>>
          %dma_wait3A_178 = tpu.memref_slice %arg8[%add3A_158] : memref<501760xf32, #tpu.memory_space<hbm>> -> memref<3136xf32, #tpu.memory_space<hbm>>
          %dma_wait3A_179 = arith.constant 59584 : i32
          %dma_wait3A_180 = tpu.memref_slice %arg9[%dma_wait3A_179] : memref<128256xf32, #tpu.memory_space<vmem>> -> memref<3136xf32, #tpu.memory_space<vmem>>
          tpu.wait_dma2 semaphore(%run_scoped3A : memref<!tpu.dma_semaphore, #tpu.memory_space<semaphore_mem>>) src(%dma_wait3A_180 : memref<3136xf32, #tpu.memory_space<vmem>>) dst(%dma_wait3A_178 : memref<3136xf32, #tpu.memory_space<hbm>>)
          tpu.yield
        }) : () -> ()
        %scan3A_159 = arith.constant 0 : i32
        %scan3A_160 = arith.constant 0 : i32
        %scan3A_161 = arith.constant 0 : i32
        %scan3A_162 = arith.constant 6 : i32
        %scan3A_163 = arith.addi %scan3A_161, %scan3A_162 : i32
        %scan3A_164 = arith.constant 1 : i32
        %scan3A_165:2 = scf.for %scan3A_171 = %scan3A_161 to %scan3A_163 step %scan3A_164 iter_args(%scan3A_172 = %scan3A_159, %scan3A_173 = %scan3A_160) -> (i32, i32)  : i32 {
          %mul3A_174 = arith.constant 2 : i32
          %mul3A_175 = arith.muli %add3A_11, %mul3A_174 : i32
          %mul3A_176 = arith.constant 37632 : i32
          %mul3A_177 = arith.muli %mul3A_175, %mul3A_176 : i32
          %mul3A_178 = arith.constant 2 : i32
          %mul3A_179 = arith.muli %scan3A_171, %mul3A_178 : i32
          %mul3A_180 = arith.constant 6272 : i32
          %mul3A_181 = arith.muli %mul3A_179, %mul3A_180 : i32
          %add3A_182 = arith.addi %mul3A_177, %mul3A_181 : i32
          "tpu.region"() ({
            %run_scoped3A = tpu.sem_alloc : memref<!tpu.dma_semaphore, #tpu.memory_space<semaphore_mem>>
            %dma_start3A = arith.constant 50176 : i32
            %dma_start3A_189 = tpu.memref_slice %arg9[%dma_start3A] : memref<128256xf32, #tpu.memory_space<vmem>> -> memref<12544xf32, #tpu.memory_space<vmem>>
            %dma_start3A_190 = tpu.memref_slice %arg5[%add3A_182] : memref<3010560xf32, #tpu.memory_space<hbm>> -> memref<12544xf32, #tpu.memory_space<hbm>>
            %dma_start3A_191 = arith.constant 50176 : i32
            %dma_start3A_192 = tpu.memref_slice %arg9[%dma_start3A_191] : memref<128256xf32, #tpu.memory_space<vmem>> -> memref<12544xf32, #tpu.memory_space<vmem>>
            %dma_start3A_193 = tpu.memref_slice %arg5[%add3A_182] : memref<3010560xf32, #tpu.memory_space<hbm>> -> memref<12544xf32, #tpu.memory_space<hbm>>
            tpu.enqueue_dma source(%dma_start3A_193 : memref<12544xf32, #tpu.memory_space<hbm>>) target(%dma_start3A_192 : memref<12544xf32, #tpu.memory_space<vmem>>) target_semaphore(%run_scoped3A : memref<!tpu.dma_semaphore, #tpu.memory_space<semaphore_mem>>)
            %dma_wait3A = arith.constant 50176 : i32
            %dma_wait3A_194 = tpu.memref_slice %arg9[%dma_wait3A] : memref<128256xf32, #tpu.memory_space<vmem>> -> memref<12544xf32, #tpu.memory_space<vmem>>
            %dma_wait3A_195 = tpu.memref_slice %arg5[%add3A_182] : memref<3010560xf32, #tpu.memory_space<hbm>> -> memref<12544xf32, #tpu.memory_space<hbm>>
            %dma_wait3A_196 = arith.constant 50176 : i32
            %dma_wait3A_197 = tpu.memref_slice %arg9[%dma_wait3A_196] : memref<128256xf32, #tpu.memory_space<vmem>> -> memref<12544xf32, #tpu.memory_space<vmem>>
            %dma_wait3A_198 = tpu.memref_slice %arg5[%add3A_182] : memref<3010560xf32, #tpu.memory_space<hbm>> -> memref<12544xf32, #tpu.memory_space<hbm>>
            tpu.wait_dma2 semaphore(%run_scoped3A : memref<!tpu.dma_semaphore, #tpu.memory_space<semaphore_mem>>) src(%dma_wait3A_198 : memref<12544xf32, #tpu.memory_space<hbm>>) dst(%dma_wait3A_197 : memref<12544xf32, #tpu.memory_space<vmem>>)
            tpu.yield
          }) : () -> ()
          %scan3A_183 = arith.constant 0 : i32
          %scan3A_184 = arith.constant 392 : i32
          %scan3A_185 = arith.addi %scan3A_183, %scan3A_184 : i32
          %scan3A_186 = arith.constant 1 : i32
          %scan3A_187:2 = scf.for %scan3A_189 = %scan3A_183 to %scan3A_185 step %scan3A_186 iter_args(%scan3A_190 = %scan3A_172, %scan3A_191 = %scan3A_173) -> (i32, i32)  : i32 {
            %mul3A_192 = arith.constant 6272 : i32
            %mul3A_193 = arith.muli %scan3A_171, %mul3A_192 : i32
            %mul3A_194 = arith.constant 16 : i32
            %mul3A_195 = arith.muli %scan3A_189, %mul3A_194 : i32
            %add3A_196 = arith.addi %mul3A_193, %mul3A_195 : i32
            %add3A_197 = arith.constant 0 : i32
            %add3A_198 = arith.addi %add3A_197, %add3A_196 : i32
            %get3A = arith.index_cast %add3A_198 : i32 to index
            %get3A_199 = tpu.vector_load %arg9[%get3A] {strides = array<i32>} : memref<128256xf32, #tpu.memory_space<vmem>>, vector<16xf32>,
            %abs3A = math.absf %get3A_199 : vector<16xf32>
            %bitcast3A = vector.bitcast %abs3A : vector<16xf32> to vector<16xi32>
            %lt3A_200 = vector.broadcast %add3A_137 : i32 to vector<16xi32>
            %lt3A_201 = arith.cmpi slt, %bitcast3A, %lt3A_200 : vector<16xi32>
            %eq3A = vector.broadcast %add3A_137 : i32 to vector<16xi32>
            %eq3A_202 = arith.cmpi eq, %bitcast3A, %eq3A : vector<16xi32>
            %convert_element_type3A_203 = arith.extui %eq3A_202 : vector<16xi1> to vector<16xi32>
            %broadcast_in_dim3A_204 = arith.constant true
            %broadcast_in_dim3A_205 = vector.broadcast %broadcast_in_dim3A_204 : i1 to vector<16xi1>
            %masked_cumsum3A = tpu.scan <sum>, %convert_element_type3A_203 masked %broadcast_in_dim3A_205 : vector<16xi32>, vector<16xi1> -> vector<16xi32>
            %sub3A = arith.subi %masked_cumsum3A, %convert_element_type3A_203 : vector<16xi32>
            %add3A_206 = vector.broadcast %scan3A_191 : i32 to vector<16xi32>
            %add3A_207 = arith.addi %sub3A, %add3A_206 : vector<16xi32>
            %lt3A_208 = vector.broadcast %scan3A_133#2 : i32 to vector<16xi32>
            %lt3A_209 = arith.cmpi slt, %add3A_207, %lt3A_208 : vector<16xi32>
            %and3A = arith.andi %eq3A_202, %lt3A_209 : vector<16xi1>
            %or3A = arith.ori %lt3A_201, %and3A : vector<16xi1>
            %mul3A_210 = arith.constant 16 : i32
            %mul3A_211 = arith.muli %scan3A_189, %mul3A_210 : i32
            %add3A_212 = vector.broadcast %mul3A_211 : i32 to vector<16xi32>
            %add3A_213 = arith.addi %add3A_212, %iota3A : vector<16xi32>
            %mul3A_214 = arith.constant 2 : i32
            %mul3A_215 = vector.broadcast %mul3A_214 : i32 to vector<16xi32>
            %mul3A_216 = arith.muli %add3A_213, %mul3A_215 : vector<16xi32>
            %gather3A_217 = arith.constant 50176 : i32
            %gather3A_218 = tpu.memref_slice %arg9[%gather3A_217] : memref<128256xf32, #tpu.memory_space<vmem>> -> memref<12544xf32, #tpu.memory_space<vmem>>
            %gather3A_219 = tpu.vector_load_idx %gather3A_218[%mul3A_216] : memref<12544xf32, #tpu.memory_space<vmem>>[vector<16xi32>], vector<16xf32>,
            %add3A_220 = arith.constant 1 : i32
            %add3A_221 = vector.broadcast %add3A_220 : i32 to vector<16xi32>
            %add3A_222 = arith.addi %mul3A_216, %add3A_221 : vector<16xi32>
            %gather3A_223 = arith.constant 50176 : i32
            %gather3A_224 = tpu.memref_slice %arg9[%gather3A_223] : memref<128256xf32, #tpu.memory_space<vmem>> -> memref<12544xf32, #tpu.memory_space<vmem>>
            %gather3A_225 = tpu.vector_load_idx %gather3A_224[%add3A_222] : memref<12544xf32, #tpu.memory_space<vmem>>[vector<16xi32>], vector<16xf32>,
            %mul3A_226 = arith.constant 2.560000e+02 : f32
            %mul3A_227 = vector.broadcast %mul3A_226 : f32 to vector<16xf32>
            %mul3A_228 = arith.mulf %gather3A_219, %mul3A_227 : vector<16xf32>
            %sub3A_229 = arith.constant 5.000000e-01 : f32
            %sub3A_230 = vector.broadcast %sub3A_229 : f32 to vector<16xf32>
            %sub3A_231 = arith.subf %mul3A_228, %sub3A_230 : vector<16xf32>
            %mul3A_232 = arith.constant 2.560000e+02 : f32
            %mul3A_233 = vector.broadcast %mul3A_232 : f32 to vector<16xf32>
            %mul3A_234 = arith.mulf %gather3A_225, %mul3A_233 : vector<16xf32>
            %sub3A_235 = arith.constant 5.000000e-01 : f32
            %sub3A_236 = vector.broadcast %sub3A_235 : f32 to vector<16xf32>
            %sub3A_237 = arith.subf %mul3A_234, %sub3A_236 : vector<16xf32>
            %add3A_238 = arith.constant 1.000000e+00 : f32
            %add3A_239 = vector.broadcast %add3A_238 : f32 to vector<16xf32>
            %add3A_240 = arith.addf %sub3A_231, %add3A_239 : vector<16xf32>
            %convert_element_type3A_241 = arith.fptosi %add3A_240 : vector<16xf32> to vector<16xi32>
            %sub3A_242 = arith.constant 1 : i32
            %sub3A_243 = vector.broadcast %sub3A_242 : i32 to vector<16xi32>
            %sub3A_244 = arith.subi %convert_element_type3A_241, %sub3A_243 : vector<16xi32>
            %add3A_245 = arith.constant 1.000000e+00 : f32
            %add3A_246 = vector.broadcast %add3A_245 : f32 to vector<16xf32>
            %add3A_247 = arith.addf %sub3A_237, %add3A_246 : vector<16xf32>
            %convert_element_type3A_248 = arith.fptosi %add3A_247 : vector<16xf32> to vector<16xi32>
            %sub3A_249 = arith.constant 1 : i32
            %sub3A_250 = vector.broadcast %sub3A_249 : i32 to vector<16xi32>
            %sub3A_251 = arith.subi %convert_element_type3A_248, %sub3A_250 : vector<16xi32>
            %convert_element_type3A_252 = arith.sitofp %sub3A_244 : vector<16xi32> to vector<16xf32>
            %sub3A_253 = arith.subf %sub3A_231, %convert_element_type3A_252 : vector<16xf32>
            %convert_element_type3A_254 = arith.sitofp %sub3A_251 : vector<16xi32> to vector<16xf32>
            %sub3A_255 = arith.subf %sub3A_237, %convert_element_type3A_254 : vector<16xf32>
            %sub3A_256 = arith.constant 1.000000e+00 : f32
            %sub3A_257 = vector.broadcast %sub3A_256 : f32 to vector<16xf32>
            %sub3A_258 = arith.subf %sub3A_257, %sub3A_253 : vector<16xf32>
            %sub3A_259 = arith.constant 1.000000e+00 : f32
            %sub3A_260 = vector.broadcast %sub3A_259 : f32 to vector<16xf32>
            %sub3A_261 = arith.subf %sub3A_260, %sub3A_255 : vector<16xf32>
            %broadcast_in_dim3A_262 = arith.constant 0.000000e+00 : f32
            %broadcast_in_dim3A_263 = vector.broadcast %broadcast_in_dim3A_262 : f32 to vector<16xf32>
            %add3A_264 = arith.constant 0 : i32
            %add3A_265 = vector.broadcast %add3A_264 : i32 to vector<16xi32>
            %add3A_266 = arith.addi %sub3A_244, %add3A_265 : vector<16xi32>
            %add3A_267 = arith.constant 0 : i32
            %add3A_268 = vector.broadcast %add3A_267 : i32 to vector<16xi32>
            %add3A_269 = arith.addi %sub3A_251, %add3A_268 : vector<16xi32>
            %ge3A = arith.constant 0 : i32
            %ge3A_270 = vector.broadcast %ge3A : i32 to vector<16xi32>
            %ge3A_271 = arith.cmpi sge, %add3A_266, %ge3A_270 : vector<16xi32>
            %lt3A_272 = arith.constant 256 : i32
            %lt3A_273 = vector.broadcast %lt3A_272 : i32 to vector<16xi32>
            %lt3A_274 = arith.cmpi slt, %add3A_266, %lt3A_273 : vector<16xi32>
            %and3A_275 = arith.andi %ge3A_271, %lt3A_274 : vector<16xi1>
            %ge3A_276 = arith.constant 0 : i32
            %ge3A_277 = vector.broadcast %ge3A_276 : i32 to vector<16xi32>
            %ge3A_278 = arith.cmpi sge, %add3A_269, %ge3A_277 : vector<16xi32>
            %and3A_279 = arith.andi %and3A_275, %ge3A_278 : vector<16xi1>
            %lt3A_280 = arith.constant 256 : i32
            %lt3A_281 = vector.broadcast %lt3A_280 : i32 to vector<16xi32>
            %lt3A_282 = arith.cmpi slt, %add3A_269, %lt3A_281 : vector<16xi32>
            %and3A_283 = arith.andi %and3A_279, %lt3A_282 : vector<16xi1>
            %jit3A = arith.constant 0 : i32
            %jit3A_284 = arith.constant 255 : i32
            %max3A = vector.broadcast %jit3A : i32 to vector<16xi32>
            %max3A_285 = arith.maxsi %max3A, %add3A_269 : vector<16xi32>
            %min3A = vector.broadcast %jit3A_284 : i32 to vector<16xi32>
            %min3A_286 = arith.minsi %min3A, %max3A_285 : vector<16xi32>
            %mul3A_287 = arith.constant 256 : i32
            %mul3A_288 = vector.broadcast %mul3A_287 : i32 to vector<16xi32>
            %mul3A_289 = arith.muli %min3A_286, %mul3A_288 : vector<16xi32>
            %jit3A_290 = arith.constant 0 : i32
            %jit3A_291 = arith.constant 255 : i32
            %max3A_292 = vector.broadcast %jit3A_290 : i32 to vector<16xi32>
            %max3A_293 = arith.maxsi %max3A_292, %add3A_266 : vector<16xi32>
            %min3A_294 = vector.broadcast %jit3A_291 : i32 to vector<16xi32>
            %min3A_295 = arith.minsi %min3A_294, %max3A_293 : vector<16xi32>
            %add3A_296 = arith.addi %mul3A_289, %min3A_295 : vector<16xi32>
            %gather3A_297 = arith.constant 62720 : i32
            %gather3A_298 = tpu.memref_slice %arg9[%gather3A_297] : memref<128256xf32, #tpu.memory_space<vmem>> -> memref<65536xf32, #tpu.memory_space<vmem>>
            %gather3A_299 = tpu.vector_load_idx %gather3A_298[%add3A_296] : memref<65536xf32, #tpu.memory_space<vmem>>[vector<16xi32>], vector<16xf32>,
            %mul3A_300 = arith.mulf %sub3A_261, %sub3A_258 : vector<16xf32>
            %mul3A_301 = arith.mulf %mul3A_300, %gather3A_299 : vector<16xf32>
            %jit3A_302 = arith.constant 0.000000e+00 : f32
            %broadcast_in_dim3A_303 = vector.broadcast %jit3A_302 : f32 to vector<16xf32>
            %select_n3A = arith.select %and3A_283, %mul3A_301, %broadcast_in_dim3A_303 : vector<16xi1>, vector<16xf32>
            %add3A_304 = arith.addf %broadcast_in_dim3A_263, %select_n3A : vector<16xf32>
            %add3A_305 = arith.constant 1 : i32
            %add3A_306 = vector.broadcast %add3A_305 : i32 to vector<16xi32>
            %add3A_307 = arith.addi %sub3A_244, %add3A_306 : vector<16xi32>
            %add3A_308 = arith.constant 0 : i32
            %add3A_309 = vector.broadcast %add3A_308 : i32 to vector<16xi32>
            %add3A_310 = arith.addi %sub3A_251, %add3A_309 : vector<16xi32>
            %ge3A_311 = arith.constant 0 : i32
            %ge3A_312 = vector.broadcast %ge3A_311 : i32 to vector<16xi32>
            %ge3A_313 = arith.cmpi sge, %add3A_307, %ge3A_312 : vector<16xi32>
            %lt3A_314 = arith.constant 256 : i32
            %lt3A_315 = vector.broadcast %lt3A_314 : i32 to vector<16xi32>
            %lt3A_316 = arith.cmpi slt, %add3A_307, %lt3A_315 : vector<16xi32>
            %and3A_317 = arith.andi %ge3A_313, %lt3A_316 : vector<16xi1>
            %ge3A_318 = arith.constant 0 : i32
            %ge3A_319 = vector.broadcast %ge3A_318 : i32 to vector<16xi32>
            %ge3A_320 = arith.cmpi sge, %add3A_310, %ge3A_319 : vector<16xi32>
            %and3A_321 = arith.andi %and3A_317, %ge3A_320 : vector<16xi1>
            %lt3A_322 = arith.constant 256 : i32
            %lt3A_323 = vector.broadcast %lt3A_322 : i32 to vector<16xi32>
            %lt3A_324 = arith.cmpi slt, %add3A_310, %lt3A_323 : vector<16xi32>
            %and3A_325 = arith.andi %and3A_321, %lt3A_324 : vector<16xi1>
            %jit3A_326 = arith.constant 0 : i32
            %jit3A_327 = arith.constant 255 : i32
            %max3A_328 = vector.broadcast %jit3A_326 : i32 to vector<16xi32>
            %max3A_329 = arith.maxsi %max3A_328, %add3A_310 : vector<16xi32>
            %min3A_330 = vector.broadcast %jit3A_327 : i32 to vector<16xi32>
            %min3A_331 = arith.minsi %min3A_330, %max3A_329 : vector<16xi32>
            %mul3A_332 = arith.constant 256 : i32
            %mul3A_333 = vector.broadcast %mul3A_332 : i32 to vector<16xi32>
            %mul3A_334 = arith.muli %min3A_331, %mul3A_333 : vector<16xi32>
            %jit3A_335 = arith.constant 0 : i32
            %jit3A_336 = arith.constant 255 : i32
            %max3A_337 = vector.broadcast %jit3A_335 : i32 to vector<16xi32>
            %max3A_338 = arith.maxsi %max3A_337, %add3A_307 : vector<16xi32>
            %min3A_339 = vector.broadcast %jit3A_336 : i32 to vector<16xi32>
            %min3A_340 = arith.minsi %min3A_339, %max3A_338 : vector<16xi32>
            %add3A_341 = arith.addi %mul3A_334, %min3A_340 : vector<16xi32>
            %gather3A_342 = arith.constant 62720 : i32
            %gather3A_343 = tpu.memref_slice %arg9[%gather3A_342] : memref<128256xf32, #tpu.memory_space<vmem>> -> memref<65536xf32, #tpu.memory_space<vmem>>
            %gather3A_344 = tpu.vector_load_idx %gather3A_343[%add3A_341] : memref<65536xf32, #tpu.memory_space<vmem>>[vector<16xi32>], vector<16xf32>,
            %mul3A_345 = arith.mulf %sub3A_261, %sub3A_253 : vector<16xf32>
            %mul3A_346 = arith.mulf %mul3A_345, %gather3A_344 : vector<16xf32>
            %jit3A_347 = arith.constant 0.000000e+00 : f32
            %broadcast_in_dim3A_348 = vector.broadcast %jit3A_347 : f32 to vector<16xf32>
            %select_n3A_349 = arith.select %and3A_325, %mul3A_346, %broadcast_in_dim3A_348 : vector<16xi1>, vector<16xf32>
            %add3A_350 = arith.addf %add3A_304, %select_n3A_349 : vector<16xf32>
            %add3A_351 = arith.constant 0 : i32
            %add3A_352 = vector.broadcast %add3A_351 : i32 to vector<16xi32>
            %add3A_353 = arith.addi %sub3A_244, %add3A_352 : vector<16xi32>
            %add3A_354 = arith.constant 1 : i32
            %add3A_355 = vector.broadcast %add3A_354 : i32 to vector<16xi32>
            %add3A_356 = arith.addi %sub3A_251, %add3A_355 : vector<16xi32>
            %ge3A_357 = arith.constant 0 : i32
            %ge3A_358 = vector.broadcast %ge3A_357 : i32 to vector<16xi32>
            %ge3A_359 = arith.cmpi sge, %add3A_353, %ge3A_358 : vector<16xi32>
            %lt3A_360 = arith.constant 256 : i32
            %lt3A_361 = vector.broadcast %lt3A_360 : i32 to vector<16xi32>
            %lt3A_362 = arith.cmpi slt, %add3A_353, %lt3A_361 : vector<16xi32>
            %and3A_363 = arith.andi %ge3A_359, %lt3A_362 : vector<16xi1>
            %ge3A_364 = arith.constant 0 : i32
            %ge3A_365 = vector.broadcast %ge3A_364 : i32 to vector<16xi32>
            %ge3A_366 = arith.cmpi sge, %add3A_356, %ge3A_365 : vector<16xi32>
            %and3A_367 = arith.andi %and3A_363, %ge3A_366 : vector<16xi1>
            %lt3A_368 = arith.constant 256 : i32
            %lt3A_369 = vector.broadcast %lt3A_368 : i32 to vector<16xi32>
            %lt3A_370 = arith.cmpi slt, %add3A_356, %lt3A_369 : vector<16xi32>
            %and3A_371 = arith.andi %and3A_367, %lt3A_370 : vector<16xi1>
            %jit3A_372 = arith.constant 0 : i32
            %jit3A_373 = arith.constant 255 : i32
            %max3A_374 = vector.broadcast %jit3A_372 : i32 to vector<16xi32>
            %max3A_375 = arith.maxsi %max3A_374, %add3A_356 : vector<16xi32>
            %min3A_376 = vector.broadcast %jit3A_373 : i32 to vector<16xi32>
            %min3A_377 = arith.minsi %min3A_376, %max3A_375 : vector<16xi32>
            %mul3A_378 = arith.constant 256 : i32
            %mul3A_379 = vector.broadcast %mul3A_378 : i32 to vector<16xi32>
            %mul3A_380 = arith.muli %min3A_377, %mul3A_379 : vector<16xi32>
            %jit3A_381 = arith.constant 0 : i32
            %jit3A_382 = arith.constant 255 : i32
            %max3A_383 = vector.broadcast %jit3A_381 : i32 to vector<16xi32>
            %max3A_384 = arith.maxsi %max3A_383, %add3A_353 : vector<16xi32>
            %min3A_385 = vector.broadcast %jit3A_382 : i32 to vector<16xi32>
            %min3A_386 = arith.minsi %min3A_385, %max3A_384 : vector<16xi32>
            %add3A_387 = arith.addi %mul3A_380, %min3A_386 : vector<16xi32>
            %gather3A_388 = arith.constant 62720 : i32
            %gather3A_389 = tpu.memref_slice %arg9[%gather3A_388] : memref<128256xf32, #tpu.memory_space<vmem>> -> memref<65536xf32, #tpu.memory_space<vmem>>
            %gather3A_390 = tpu.vector_load_idx %gather3A_389[%add3A_387] : memref<65536xf32, #tpu.memory_space<vmem>>[vector<16xi32>], vector<16xf32>,
            %mul3A_391 = arith.mulf %sub3A_255, %sub3A_258 : vector<16xf32>
            %mul3A_392 = arith.mulf %mul3A_391, %gather3A_390 : vector<16xf32>
            %jit3A_393 = arith.constant 0.000000e+00 : f32
            %broadcast_in_dim3A_394 = vector.broadcast %jit3A_393 : f32 to vector<16xf32>
            %select_n3A_395 = arith.select %and3A_371, %mul3A_392, %broadcast_in_dim3A_394 : vector<16xi1>, vector<16xf32>
            %add3A_396 = arith.addf %add3A_350, %select_n3A_395 : vector<16xf32>
            %add3A_397 = arith.constant 1 : i32
            %add3A_398 = vector.broadcast %add3A_397 : i32 to vector<16xi32>
            %add3A_399 = arith.addi %sub3A_244, %add3A_398 : vector<16xi32>
            %add3A_400 = arith.constant 1 : i32
            %add3A_401 = vector.broadcast %add3A_400 : i32 to vector<16xi32>
            %add3A_402 = arith.addi %sub3A_251, %add3A_401 : vector<16xi32>
            %ge3A_403 = arith.constant 0 : i32
            %ge3A_404 = vector.broadcast %ge3A_403 : i32 to vector<16xi32>
            %ge3A_405 = arith.cmpi sge, %add3A_399, %ge3A_404 : vector<16xi32>
            %lt3A_406 = arith.constant 256 : i32
            %lt3A_407 = vector.broadcast %lt3A_406 : i32 to vector<16xi32>
            %lt3A_408 = arith.cmpi slt, %add3A_399, %lt3A_407 : vector<16xi32>
            %and3A_409 = arith.andi %ge3A_405, %lt3A_408 : vector<16xi1>
            %ge3A_410 = arith.constant 0 : i32
            %ge3A_411 = vector.broadcast %ge3A_410 : i32 to vector<16xi32>
            %ge3A_412 = arith.cmpi sge, %add3A_402, %ge3A_411 : vector<16xi32>
            %and3A_413 = arith.andi %and3A_409, %ge3A_412 : vector<16xi1>
            %lt3A_414 = arith.constant 256 : i32
            %lt3A_415 = vector.broadcast %lt3A_414 : i32 to vector<16xi32>
            %lt3A_416 = arith.cmpi slt, %add3A_402, %lt3A_415 : vector<16xi32>
            %and3A_417 = arith.andi %and3A_413, %lt3A_416 : vector<16xi1>
            %jit3A_418 = arith.constant 0 : i32
            %jit3A_419 = arith.constant 255 : i32
            %max3A_420 = vector.broadcast %jit3A_418 : i32 to vector<16xi32>
            %max3A_421 = arith.maxsi %max3A_420, %add3A_402 : vector<16xi32>
            %min3A_422 = vector.broadcast %jit3A_419 : i32 to vector<16xi32>
            %min3A_423 = arith.minsi %min3A_422, %max3A_421 : vector<16xi32>
            %mul3A_424 = arith.constant 256 : i32
            %mul3A_425 = vector.broadcast %mul3A_424 : i32 to vector<16xi32>
            %mul3A_426 = arith.muli %min3A_423, %mul3A_425 : vector<16xi32>
            %jit3A_427 = arith.constant 0 : i32
            %jit3A_428 = arith.constant 255 : i32
            %max3A_429 = vector.broadcast %jit3A_427 : i32 to vector<16xi32>
            %max3A_430 = arith.maxsi %max3A_429, %add3A_399 : vector<16xi32>
            %min3A_431 = vector.broadcast %jit3A_428 : i32 to vector<16xi32>
            %min3A_432 = arith.minsi %min3A_431, %max3A_430 : vector<16xi32>
            %add3A_433 = arith.addi %mul3A_426, %min3A_432 : vector<16xi32>
            %gather3A_434 = arith.constant 62720 : i32
            %gather3A_435 = tpu.memref_slice %arg9[%gather3A_434] : memref<128256xf32, #tpu.memory_space<vmem>> -> memref<65536xf32, #tpu.memory_space<vmem>>
            %gather3A_436 = tpu.vector_load_idx %gather3A_435[%add3A_433] : memref<65536xf32, #tpu.memory_space<vmem>>[vector<16xi32>], vector<16xf32>,
            %mul3A_437 = arith.mulf %sub3A_255, %sub3A_253 : vector<16xf32>
            %mul3A_438 = arith.mulf %mul3A_437, %gather3A_436 : vector<16xf32>
            %jit3A_439 = arith.constant 0.000000e+00 : f32
            %broadcast_in_dim3A_440 = vector.broadcast %jit3A_439 : f32 to vector<16xf32>
            %select_n3A_441 = arith.select %and3A_417, %mul3A_438, %broadcast_in_dim3A_440 : vector<16xi1>, vector<16xf32>
            %add3A_442 = arith.addf %add3A_396, %select_n3A_441 : vector<16xf32>
            %add3A_443 = arith.constant 0 : i32
            %add3A_444 = arith.addi %add3A_443, %scan3A_190 : i32
            %swap3A = arith.index_cast %add3A_444 : i32 to index
            %swap3A_445 = tpu.vector_load %arg9[%swap3A] masked %or3A {strides = array<i32>} : memref<128256xf32, #tpu.memory_space<vmem>>, vector<16xf32>, vector<16xi1>
            tpu.vector_store %arg9[%swap3A], %get3A_199 masked %or3A {strides = array<i32>} : memref<128256xf32, #tpu.memory_space<vmem>>, vector<16xf32>, vector<16xi1>
            %add3A_446 = arith.constant 37632 : i32
            %add3A_447 = arith.addi %add3A_446, %scan3A_190 : i32
            %swap3A_448 = arith.index_cast %add3A_447 : i32 to index
            %swap3A_449 = tpu.vector_load %arg9[%swap3A_448] masked %or3A {strides = array<i32>} : memref<128256xf32, #tpu.memory_space<vmem>>, vector<16xf32>, vector<16xi1>
            tpu.vector_store %arg9[%swap3A_448], %add3A_442 masked %or3A {strides = array<i32>} : memref<128256xf32, #tpu.memory_space<vmem>>, vector<16xf32>, vector<16xi1>
            %convert_element_type3A_450 = arith.extui %or3A : vector<16xi1> to vector<16xi32>
            %reduce_sum3A = arith.constant true
            %reduce_sum3A_451 = vector.broadcast %reduce_sum3A : i1 to vector<16xi1>
            %reduce_sum3A_452 = tpu.scan <sum>, %convert_element_type3A_450 masked %reduce_sum3A_451 : vector<16xi32>, vector<16xi1> -> vector<16xi32>
            %reduce_sum3A_453 = vector.extract %reduce_sum3A_452[15] : i32 from vector<16xi32>
            %add3A_454 = arith.addi %scan3A_190, %reduce_sum3A_453 : i32
            %reduce_sum3A_455 = arith.constant true
            %reduce_sum3A_456 = vector.broadcast %reduce_sum3A_455 : i1 to vector<16xi1>
            %reduce_sum3A_457 = tpu.scan <sum>, %convert_element_type3A_203 masked %reduce_sum3A_456 : vector<16xi32>, vector<16xi1> -> vector<16xi32>
            %reduce_sum3A_458 = vector.extract %reduce_sum3A_457[15] : i32 from vector<16xi32>
            %add3A_459 = arith.addi %scan3A_191, %reduce_sum3A_458 : i32
            scf.yield %add3A_454, %add3A_459 : i32, i32
          }
          %scan3A_188 = arith.constant 392 : i32
          scf.yield %scan3A_187#0, %scan3A_187#1 : i32, i32
        }
        %scan3A_166 = arith.constant 6 : i32
        %mul3A_167 = arith.constant 12544 : i32
        %mul3A_168 = arith.muli %add3A_11, %mul3A_167 : i32
        "tpu.region"() ({
          %run_scoped3A = tpu.sem_alloc : memref<!tpu.dma_semaphore, #tpu.memory_space<semaphore_mem>>
          %dma_start3A = arith.constant 0 : i32
          %dma_start3A_171 = tpu.memref_slice %arg9[%dma_start3A] : memref<128256xf32, #tpu.memory_space<vmem>> -> memref<9408xf32, #tpu.memory_space<vmem>>
          %dma_start3A_172 = tpu.memref_slice %arg7[%mul3A_168] : memref<501760xf32, #tpu.memory_space<hbm>> -> memref<9408xf32, #tpu.memory_space<hbm>>
          %dma_start3A_173 = tpu.memref_slice %arg7[%mul3A_168] : memref<501760xf32, #tpu.memory_space<hbm>> -> memref<9408xf32, #tpu.memory_space<hbm>>
          %dma_start3A_174 = arith.constant 0 : i32
          %dma_start3A_175 = tpu.memref_slice %arg9[%dma_start3A_174] : memref<128256xf32, #tpu.memory_space<vmem>> -> memref<9408xf32, #tpu.memory_space<vmem>>
          tpu.enqueue_dma source(%dma_start3A_175 : memref<9408xf32, #tpu.memory_space<vmem>>) target(%dma_start3A_173 : memref<9408xf32, #tpu.memory_space<hbm>>) target_semaphore(%run_scoped3A : memref<!tpu.dma_semaphore, #tpu.memory_space<semaphore_mem>>)
          %dma_wait3A = arith.constant 0 : i32
          %dma_wait3A_176 = tpu.memref_slice %arg9[%dma_wait3A] : memref<128256xf32, #tpu.memory_space<vmem>> -> memref<9408xf32, #tpu.memory_space<vmem>>
          %dma_wait3A_177 = tpu.memref_slice %arg7[%mul3A_168] : memref<501760xf32, #tpu.memory_space<hbm>> -> memref<9408xf32, #tpu.memory_space<hbm>>
          %dma_wait3A_178 = tpu.memref_slice %arg7[%mul3A_168] : memref<501760xf32, #tpu.memory_space<hbm>> -> memref<9408xf32, #tpu.memory_space<hbm>>
          %dma_wait3A_179 = arith.constant 0 : i32
          %dma_wait3A_180 = tpu.memref_slice %arg9[%dma_wait3A_179] : memref<128256xf32, #tpu.memory_space<vmem>> -> memref<9408xf32, #tpu.memory_space<vmem>>
          tpu.wait_dma2 semaphore(%run_scoped3A : memref<!tpu.dma_semaphore, #tpu.memory_space<semaphore_mem>>) src(%dma_wait3A_180 : memref<9408xf32, #tpu.memory_space<vmem>>) dst(%dma_wait3A_178 : memref<9408xf32, #tpu.memory_space<hbm>>)
          tpu.yield
        }) : () -> ()
        %mul3A_169 = arith.constant 12544 : i32
        %mul3A_170 = arith.muli %add3A_11, %mul3A_169 : i32
        "tpu.region"() ({
          %run_scoped3A = tpu.sem_alloc : memref<!tpu.dma_semaphore, #tpu.memory_space<semaphore_mem>>
          %dma_start3A = arith.constant 37632 : i32
          %dma_start3A_171 = tpu.memref_slice %arg9[%dma_start3A] : memref<128256xf32, #tpu.memory_space<vmem>> -> memref<9408xf32, #tpu.memory_space<vmem>>
          %dma_start3A_172 = tpu.memref_slice %arg8[%mul3A_170] : memref<501760xf32, #tpu.memory_space<hbm>> -> memref<9408xf32, #tpu.memory_space<hbm>>
          %dma_start3A_173 = tpu.memref_slice %arg8[%mul3A_170] : memref<501760xf32, #tpu.memory_space<hbm>> -> memref<9408xf32, #tpu.memory_space<hbm>>
          %dma_start3A_174 = arith.constant 37632 : i32
          %dma_start3A_175 = tpu.memref_slice %arg9[%dma_start3A_174] : memref<128256xf32, #tpu.memory_space<vmem>> -> memref<9408xf32, #tpu.memory_space<vmem>>
          tpu.enqueue_dma source(%dma_start3A_175 : memref<9408xf32, #tpu.memory_space<vmem>>) target(%dma_start3A_173 : memref<9408xf32, #tpu.memory_space<hbm>>) target_semaphore(%run_scoped3A : memref<!tpu.dma_semaphore, #tpu.memory_space<semaphore_mem>>)
          %dma_wait3A = arith.constant 37632 : i32
          %dma_wait3A_176 = tpu.memref_slice %arg9[%dma_wait3A] : memref<128256xf32, #tpu.memory_space<vmem>> -> memref<9408xf32, #tpu.memory_space<vmem>>
          %dma_wait3A_177 = tpu.memref_slice %arg8[%mul3A_170] : memref<501760xf32, #tpu.memory_space<hbm>> -> memref<9408xf32, #tpu.memory_space<hbm>>
          %dma_wait3A_178 = tpu.memref_slice %arg8[%mul3A_170] : memref<501760xf32, #tpu.memory_space<hbm>> -> memref<9408xf32, #tpu.memory_space<hbm>>
          %dma_wait3A_179 = arith.constant 37632 : i32
          %dma_wait3A_180 = tpu.memref_slice %arg9[%dma_wait3A_179] : memref<128256xf32, #tpu.memory_space<vmem>> -> memref<9408xf32, #tpu.memory_space<vmem>>
          tpu.wait_dma2 semaphore(%run_scoped3A : memref<!tpu.dma_semaphore, #tpu.memory_space<semaphore_mem>>) src(%dma_wait3A_180 : memref<9408xf32, #tpu.memory_space<vmem>>) dst(%dma_wait3A_178 : memref<9408xf32, #tpu.memory_space<hbm>>)
          tpu.yield
        }) : () -> ()
      } else {
      }
      %scan3A_14 = arith.constant 0 : i32
      scf.yield %scan3A_14 : i32
    }
    %scan3A_6 = arith.constant 2 : i32
    return
  }
}

module attributes {stable_mosaic.version = 14 : i64} {
  func.func @_tc_body(%arg0: memref<40x12544xf32, #tpu.memory_space<vmem>>, %arg1: memref<40x12544xf32, #tpu.memory_space<vmem>>, %arg2: memref<400x2xf32, #tpu.memory_space<vmem>>, %arg3: memref<1x40xi32, #tpu.memory_space<vmem>>, %arg4: memref<1x128xf32, #tpu.memory_space<vmem>>) attributes {dimension_semantics = [], scalar_prefetch = 0 : i64, scratch_operands = 0 : i64, tpu.core_type = #tpu.core_type<tc>} {
    %get3A = arith.constant 0 : index
    %get3A_0 = arith.constant 0 : index
    %get3A_1 = vector.load %arg0[%get3A, %get3A_0] : memref<40x12544xf32, #tpu.memory_space<vmem>>, vector<40x12544xf32>
    %get3A_2 = arith.constant 0 : index
    %get3A_3 = arith.constant 0 : index
    %get3A_4 = vector.load %arg1[%get3A_2, %get3A_3] : memref<40x12544xf32, #tpu.memory_space<vmem>>, vector<40x12544xf32>
    %max3A = arith.constant 0.000000e+00 : f32
    %max3A_5 = vector.broadcast %max3A : f32 to vector<40x12544xf32>
    %max3A_6 = arith.maximumf %get3A_1, %max3A_5 : vector<40x12544xf32>
    %mul3A = arith.mulf %get3A_1, %get3A_4 : vector<40x12544xf32>
    %sub3A = arith.subf %max3A_6, %mul3A : vector<40x12544xf32>
    %abs3A = math.absf %get3A_1 : vector<40x12544xf32>
    %neg3A = arith.constant 0.000000e+00 : f32
    %neg3A_7 = vector.broadcast %neg3A : f32 to vector<40x12544xf32>
    %neg3A_8 = arith.subf %neg3A_7, %abs3A : vector<40x12544xf32>
    %exp3A = math.exp %neg3A_8 : vector<40x12544xf32>
    %log1p3A = math.log1p %exp3A : vector<40x12544xf32>
    %add3A = arith.addf %sub3A, %log1p3A : vector<40x12544xf32>
    %reduce_sum3A = vector.shape_cast %add3A : vector<40x12544xf32> to vector<1x40x12544xf32>
    %reduce_sum3A_9 = arith.constant dense<0.000000e+00> : vector<1xf32>
    %reduce_sum3A_10 = vector.multi_reduction <add>, %reduce_sum3A, %reduce_sum3A_9 [1, 2] : vector<1x40x12544xf32> to vector<1xf32>
    %reduce_sum3A_11 = vector.shape_cast %reduce_sum3A_10 : vector<1xf32> to vector<1x1x1xf32>
    %reduce_sum3A_12 = vector.extract %reduce_sum3A_11[0, 0, 0] : f32 from vector<1x1x1xf32>
    %div3A = arith.constant 5.017600e+05 : f32
    %div3A_13 = arith.divf %reduce_sum3A_12, %div3A : f32
    %logistic3A = arith.negf %get3A_1 : vector<40x12544xf32>
    %logistic3A_14 = math.exp %logistic3A : vector<40x12544xf32>
    %logistic3A_15 = arith.constant 1.000000e+00 : f32
    %logistic3A_16 = vector.broadcast %logistic3A_15 : f32 to vector<40x12544xf32>
    %logistic3A_17 = arith.addf %logistic3A_16, %logistic3A_14 : vector<40x12544xf32>
    %logistic3A_18 = arith.divf %logistic3A_16, %logistic3A_17 : vector<40x12544xf32>
    %mul3A_19 = arith.mulf %logistic3A_18, %get3A_4 : vector<40x12544xf32>
    %reduce_sum3A_20 = arith.constant dense<0.000000e+00> : vector<40xf32>
    %reduce_sum3A_21 = vector.multi_reduction <add>, %mul3A_19, %reduce_sum3A_20 [1] : vector<40x12544xf32> to vector<40xf32>
    %broadcast_in_dim3A = vector.shape_cast %reduce_sum3A_21 : vector<40xf32> to vector<40x1xf32>
    %mul3A_22 = arith.constant 2.000000e+00 : f32
    %mul3A_23 = vector.broadcast %mul3A_22 : f32 to vector<40x1xf32>
    %mul3A_24 = arith.mulf %mul3A_23, %broadcast_in_dim3A : vector<40x1xf32>
    %reduce_sum3A_25 = arith.constant dense<0.000000e+00> : vector<40xf32>
    %reduce_sum3A_26 = vector.multi_reduction <add>, %logistic3A_18, %reduce_sum3A_25 [1] : vector<40x12544xf32> to vector<40xf32>
    %broadcast_in_dim3A_27 = vector.shape_cast %reduce_sum3A_26 : vector<40xf32> to vector<40x1xf32>
    %reduce_sum3A_28 = arith.constant dense<0.000000e+00> : vector<40xf32>
    %reduce_sum3A_29 = vector.multi_reduction <add>, %get3A_4, %reduce_sum3A_28 [1] : vector<40x12544xf32> to vector<40xf32>
    %broadcast_in_dim3A_30 = vector.shape_cast %reduce_sum3A_29 : vector<40xf32> to vector<40x1xf32>
    %add3A_31 = arith.addf %broadcast_in_dim3A_27, %broadcast_in_dim3A_30 : vector<40x1xf32>
    %add3A_32 = arith.constant 1.000000e+00 : f32
    %add3A_33 = vector.broadcast %add3A_32 : f32 to vector<40x1xf32>
    %add3A_34 = arith.addf %mul3A_24, %add3A_33 : vector<40x1xf32>
    %add3A_35 = arith.constant 1.000000e+00 : f32
    %add3A_36 = vector.broadcast %add3A_35 : f32 to vector<40x1xf32>
    %add3A_37 = arith.addf %add3A_31, %add3A_36 : vector<40x1xf32>
    %div3A_38 = arith.divf %add3A_34, %add3A_37 : vector<40x1xf32>
    %sub3A_39 = arith.constant 1.000000e+00 : f32
    %sub3A_40 = vector.broadcast %sub3A_39 : f32 to vector<40x1xf32>
    %sub3A_41 = arith.subf %sub3A_40, %div3A_38 : vector<40x1xf32>
    %reduce_sum3A_42 = vector.shape_cast %sub3A_41 : vector<40x1xf32> to vector<1x40x1xf32>
    %reduce_sum3A_43 = arith.constant dense<0.000000e+00> : vector<1xf32>
    %reduce_sum3A_44 = vector.multi_reduction <add>, %reduce_sum3A_42, %reduce_sum3A_43 [1, 2] : vector<1x40x1xf32> to vector<1xf32>
    %reduce_sum3A_45 = vector.shape_cast %reduce_sum3A_44 : vector<1xf32> to vector<1x1x1xf32>
    %reduce_sum3A_46 = vector.extract %reduce_sum3A_45[0, 0, 0] : f32 from vector<1x1x1xf32>
    %div3A_47 = arith.constant 4.000000e+01 : f32
    %div3A_48 = arith.divf %reduce_sum3A_46, %div3A_47 : f32
    %get3A_49 = arith.constant 0 : index
    %get3A_50 = arith.constant 0 : index
    %get3A_51 = vector.load %arg2[%get3A_49, %get3A_50] : memref<400x2xf32, #tpu.memory_space<vmem>>, vector<400x2xf32>
    %reduce_max3A = arith.constant dense<0xFF800000> : vector<400xf32>
    %reduce_max3A_52 = vector.multi_reduction <maximumf>, %get3A_51, %reduce_max3A [1] : vector<400x2xf32> to vector<400xf32>
    %broadcast_in_dim3A_53 = vector.shape_cast %reduce_max3A_52 : vector<400xf32> to vector<400x1xf32>
    %sub3A_54 = vector.broadcast %broadcast_in_dim3A_53 : vector<400x1xf32> to vector<400x2xf32>
    %sub3A_55 = arith.subf %get3A_51, %sub3A_54 : vector<400x2xf32>
    %exp3A_56 = math.exp %sub3A_55 : vector<400x2xf32>
    %reduce_sum3A_57 = arith.constant dense<0.000000e+00> : vector<400xf32>
    %reduce_sum3A_58 = vector.multi_reduction <add>, %exp3A_56, %reduce_sum3A_57 [1] : vector<400x2xf32> to vector<400xf32>
    %broadcast_in_dim3A_59 = vector.shape_cast %reduce_sum3A_58 : vector<400xf32> to vector<400x1xf32>
    %log3A = math.log %broadcast_in_dim3A_59 : vector<400x1xf32>
    %add3A_60 = arith.addf %broadcast_in_dim3A_53, %log3A : vector<400x1xf32>
    %sub3A_61 = vector.broadcast %add3A_60 : vector<400x1xf32> to vector<400x2xf32>
    %sub3A_62 = arith.subf %get3A_51, %sub3A_61 : vector<400x2xf32>
    %get3A_63 = arith.constant 0 : index
    %get3A_64 = arith.constant 0 : index
    %get3A_65 = vector.load %arg3[%get3A_63, %get3A_64] : memref<1x40xi32, #tpu.memory_space<vmem>>, vector<1x40xi32>
    %iota3A = tpu.iota {dimensions = array<i32: 0>} : vector<400x1xi32>
    %eq3A = vector.broadcast %iota3A : vector<400x1xi32> to vector<400x40xi32>
    %eq3A_66 = vector.broadcast %get3A_65 : vector<1x40xi32> to vector<400x40xi32>
    %eq3A_67 = arith.cmpi eq, %eq3A, %eq3A_66 : vector<400x40xi32>
    %reduce_or3A = arith.constant 1.000000e+00 : f32
    %reduce_or3A_68 = arith.constant 0.000000e+00 : f32
    %reduce_or3A_69 = vector.broadcast %reduce_or3A : f32 to vector<400x40xf32>
    %reduce_or3A_70 = vector.broadcast %reduce_or3A_68 : f32 to vector<400x40xf32>
    %reduce_or3A_71 = arith.select %eq3A_67, %reduce_or3A_69, %reduce_or3A_70 : vector<400x40xi1>, vector<400x40xf32>
    %reduce_or3A_72 = arith.constant dense<0xFF800000> : vector<400xf32>
    %reduce_or3A_73 = vector.multi_reduction <maximumf>, %reduce_or3A_71, %reduce_or3A_72 [1] : vector<400x40xf32> to vector<400xf32>
    %reduce_or3A_74 = arith.constant 0.000000e+00 : f32
    %reduce_or3A_75 = vector.broadcast %reduce_or3A_74 : f32 to vector<400xf32>
    %reduce_or3A_76 = arith.cmpf ogt, %reduce_or3A_73, %reduce_or3A_75 : vector<400xf32>
    %broadcast_in_dim3A_77 = vector.shape_cast %reduce_or3A_76 : vector<400xi1> to vector<400x1xi1>
    %slice3A = vector.extract_strided_slice %sub3A_62 {offsets = [0, 0], sizes = [400, 1], strides = [1, 1]} : vector<400x2xf32> to vector<400x1xf32>
    %slice3A_78 = vector.extract_strided_slice %sub3A_62 {offsets = [0, 1], sizes = [400, 1], strides = [1, 1]} : vector<400x2xf32> to vector<400x1xf32>
    %select_n3A = arith.select %broadcast_in_dim3A_77, %slice3A, %slice3A_78 : vector<400x1xi1>, vector<400x1xf32>
    %jit3A = arith.constant 1.000000e+00 : f32
    %jit3A_79 = arith.constant 1.000000e-01 : f32
    %broadcast_in_dim3A_80 = vector.broadcast %jit3A : f32 to vector<400x1xf32>
    %broadcast_in_dim3A_81 = vector.broadcast %jit3A_79 : f32 to vector<400x1xf32>
    %select_n3A_82 = arith.select %broadcast_in_dim3A_77, %broadcast_in_dim3A_80, %broadcast_in_dim3A_81 : vector<400x1xi1>, vector<400x1xf32>
    %mul3A_83 = arith.mulf %select_n3A_82, %select_n3A : vector<400x1xf32>
    %reduce_sum3A_84 = vector.shape_cast %mul3A_83 : vector<400x1xf32> to vector<1x400x1xf32>
    %reduce_sum3A_85 = arith.constant dense<0.000000e+00> : vector<1xf32>
    %reduce_sum3A_86 = vector.multi_reduction <add>, %reduce_sum3A_84, %reduce_sum3A_85 [1, 2] : vector<1x400x1xf32> to vector<1xf32>
    %reduce_sum3A_87 = vector.shape_cast %reduce_sum3A_86 : vector<1xf32> to vector<1x1x1xf32>
    %reduce_sum3A_88 = vector.extract %reduce_sum3A_87[0, 0, 0] : f32 from vector<1x1x1xf32>
    %neg3A_89 = arith.constant 0.000000e+00 : f32
    %neg3A_90 = arith.subf %neg3A_89, %reduce_sum3A_88 : f32
    %reduce_sum3A_91 = vector.shape_cast %select_n3A_82 : vector<400x1xf32> to vector<1x400x1xf32>
    %reduce_sum3A_92 = arith.constant dense<0.000000e+00> : vector<1xf32>
    %reduce_sum3A_93 = vector.multi_reduction <add>, %reduce_sum3A_91, %reduce_sum3A_92 [1, 2] : vector<1x400x1xf32> to vector<1xf32>
    %reduce_sum3A_94 = vector.shape_cast %reduce_sum3A_93 : vector<1xf32> to vector<1x1x1xf32>
    %reduce_sum3A_95 = vector.extract %reduce_sum3A_94[0, 0, 0] : f32 from vector<1x1x1xf32>
    %div3A_96 = arith.divf %neg3A_90, %reduce_sum3A_95 : f32
    %iota3A_97 = tpu.iota {dimensions = array<i32: 1>} : vector<1x128xi32>
    %eq3A_98 = arith.constant 0 : i32
    %eq3A_99 = vector.broadcast %eq3A_98 : i32 to vector<1x128xi32>
    %eq3A_100 = arith.cmpi eq, %iota3A_97, %eq3A_99 : vector<1x128xi32>
    %eq3A_101 = arith.constant 1 : i32
    %eq3A_102 = vector.broadcast %eq3A_101 : i32 to vector<1x128xi32>
    %eq3A_103 = arith.cmpi eq, %iota3A_97, %eq3A_102 : vector<1x128xi32>
    %eq3A_104 = arith.constant 2 : i32
    %eq3A_105 = vector.broadcast %eq3A_104 : i32 to vector<1x128xi32>
    %eq3A_106 = arith.cmpi eq, %iota3A_97, %eq3A_105 : vector<1x128xi32>
    %jit3A_107 = arith.constant 0.000000e+00 : f32
    %broadcast_in_dim3A_108 = vector.broadcast %div3A_48 : f32 to vector<1x128xf32>
    %broadcast_in_dim3A_109 = vector.broadcast %jit3A_107 : f32 to vector<1x128xf32>
    %select_n3A_110 = arith.select %eq3A_106, %broadcast_in_dim3A_108, %broadcast_in_dim3A_109 : vector<1x128xi1>, vector<1x128xf32>
    %broadcast_in_dim3A_111 = vector.broadcast %div3A_13 : f32 to vector<1x128xf32>
    %select_n3A_112 = arith.select %eq3A_103, %broadcast_in_dim3A_111, %select_n3A_110 : vector<1x128xi1>, vector<1x128xf32>
    %broadcast_in_dim3A_113 = vector.broadcast %div3A_96 : f32 to vector<1x128xf32>
    %select_n3A_114 = arith.select %eq3A_100, %broadcast_in_dim3A_113, %select_n3A_112 : vector<1x128xi1>, vector<1x128xf32>
    %swap3A = arith.constant 0 : index
    %swap3A_115 = arith.constant 0 : index
    %swap3A_116 = vector.load %arg4[%swap3A, %swap3A_115] : memref<1x128xf32, #tpu.memory_space<vmem>>, vector<1x128xf32>
    tpu.vector_store %arg4[%swap3A, %swap3A_115], %select_n3A_114 {strides = array<i32>} : memref<1x128xf32, #tpu.memory_space<vmem>>, vector<1x128xf32>,
    return
  }
}

</mosaic_0001>

<sc_bundles>
// kernel: kernel.4.cloned.1.call-start
scs
__scs_entry_jumppad:
0x0: {  	(pc) =	sbr.rel $0x88, $3  }
0x1: {  	(tag) =	ssettag $0x0;
	lr =	simm.s32 $0x1  }
0x2: {  	[smem:$0x3F9B] =	sst lr;
	_ =	strace $0xD0000000  }
0x3: {  	_ = 	snop  }
0x4: {  	_ = 	snop  }
0x5: {  	_ = 	snop  }
0x6: {  	_ = 	snop  }
0x7: {  	_ = 	snop  }
__scs_overlays_trampoline_lowered:
0x8: {  	[smem:$0x3FAA] =	sst s0  }
0x9: {  	[smem:$0x3FAB] =	sst s1  }
0xa: {  	[smem:$0x3FAC] =	sst s2  }
0xb: {  	[smem:$0x3FAD] =	sst s3  }
0xc: {  	[smem:$0x3FAE] =	sst s4  }
0xd: {  	[smem:$0x3FAF] =	sst s5  }
0xe: {  	[smem:$0x3FB0] =	sst s6  }
0xf: {  	[smem:$0x3FB1] =	sst s7  }
0x10: {  	[smem:$0x3FB2] =	sst s8  }
0x11: {  	[smem:$0x3FB3] =	sst s9;
	s0 =	simm.s32 @!p0 $0x0  }
0x12: {  	s1 =	sld [smem:$0x3F99];
	s0 =	simm.s32 @p0 $0x1  }
0x13: {  	[smem:$0x3FB4] =	sst s0;
	s0 =	simm.s32 @!p1 $0x0  }
0x14: {  	s2 =	sld [smem:$0x3F98];
	s0 =	simm.s32 @p1 $0x1  }
0x15: {  	[smem:$0x3FB5] =	sst s0;
	s0 =	simm.s32 @!p2 $0x0  }
0x16: {  	s3 =	sld [smem:$0x3FDB];
	s0 =	simm.s32 @p2 $0x1  }
0x17: {  	s4 =	simm.s32 $0x1BF5;
	[smem:$0x3FB7] =	sst s0  }
0x18: {  	s0 =	sld [smem:$0x3F9A];
	_ =	swait.ge [sflag:s4], $0x0  }
0x19: {  	s7 =	sld [smem:$0x3F9B]  }
0x1a: {  	s8 =	sadd.s32 $0xFFFFE003, lr  }
0x1b: {  	s9 =	sadd.s32 $0xFFFFFEF7, lr;
	s5 =	simm.s32 $0xFFFFFFFF;
	p2 =	slt.u32 s8, $0xFFFFF086  }
0x1c: {  	p1 =	slt.u32 s9, $0xF7A;
	s5 =	simm.s32 @!p2 $0x0  }
0x1d: {  	s5 =	simm.s32 @p1 $0x1;
	p0 =	seq.s32 s7, s2  }
0x1e: {  	s7 =	smul.u32 @!p0 $0xF7A, s2;
	p2 =	seq.s32 @!p0 s5, $0x0  }
0x1f: {  	s9 =	smul.u32 $0xF7A, s1;
	s8 =	simm.s32 @!p0 $0x1BF5;
	p2 =	por !p2, p0  }
0x20: {  	[sflag:s8] =	ssyncset.s32 @!p0 $0xFFFFF086;
	s6 =	sadd.s32 @!p0 s3, s7;
	s7 =	simm.s32 @!p0 $0x108  }
0x21: {  	s3 =	sadd.s32 s3, s9;
	s6 =	sadd.s32 @!p0 $0x88, s6;
	s7 =	simm.s32 @p2 $0x1082  }
0x22: {  	[simem:s7], [sflag:s8] =	dma.local @!p0 [hbm:s6], $0xF7A  }
0x23: {  	s9 =	sor.u32 $0xD0000000, s2;
	s6 =	simm.s32 $0x108;
	_ =	swait.ge @!p0 [sflag:s8], $0x0  }
0x24: {  	s3 =	sadd.s32 $0x88, s3;
	s6 =	simm.s32 @!p1 $0x1082;
	[sflag:s4] =	ssyncset.s32 $0xFFFFF086  }
0x25: {  	[simem:s6], [sflag:s4] =	dma.local [hbm:s3], $0xF7A  }
0x26: {  	[smem:$0x3F9B] =	sst s1;
	(tag) =	ssettag s2;
	_ =	strace s9  }
0x27: {  	s1 =	sld [smem:$0x3FAB]  }
0x28: {  	s2 =	sld [smem:$0x3FAC]  }
0x29: {  	s4 =	sld [smem:$0x3FAE]  }
0x2a: {  	p0 =	seq.s32 s5, $0x0;
	s5 =	sld [smem:$0x3FAF]  }
0x2b: {  	s6 =	sld [smem:$0x3FB0]  }
0x2c: {  	s7 =	sld [smem:$0x3FB1]  }
0x2d: {  	s3 =	simm.s32 $0x108;
	s8 =	sld [smem:$0x3FB2]  }
0x2e: {  	s3 =	simm.s32 @!p0 $0x1082;
	s9 =	sld [smem:$0x3FB3]  }
0x2f: {  	lr =	sadd.s32 s0, s3;
	s0 =	sld [smem:$0x3FAA]  }
0x30: {  	s3 =	sld [smem:$0x3FAD]  }
0x31: {  	[smem:$0x3FB6] =	sst s10  }
0x32: {  	s10 =	sld [smem:$0x3FB4];
	_ =	sdelay $0x3  }
0x33: {  	p0 =	seq.s32 s10, $0x1;
	s10 =	sld [smem:$0x3FB6];
	_ =	sdelay $0x3  }
0x34: {  	[smem:$0x3FB6] =	sst s10  }
0x35: {  	s10 =	sld [smem:$0x3FB5];
	_ =	sdelay $0x3  }
0x36: {  	p1 =	seq.s32 s10, $0x1;
	s10 =	sld [smem:$0x3FB6];
	_ =	sdelay $0x3  }
0x37: {  	[smem:$0x3FB6] =	sst s10  }
0x38: {  	s10 =	sld [smem:$0x3FB7]  }
0x39: {  	_ = 	snop;
	(pc) =	sbr.ind lr, $3  }
0x3a: {  	_ = 	snop  }
0x3b: {  	_ = 	snop  }
0x3c: {  	p2 =	seq.s32 s10, $0x1;
	s10 =	sld [smem:$0x3FB6]  }
0x3d: {  	_ =	shalt  }
0x3e: {  	_ =	shalt  }
0x3f: {  	_ =	shalt  }
0x40: {  	_ =	shalt  }
0x41: {  	_ =	shalt  }
0x42: {  	_ =	shalt  }
0x43: {  	_ =	shalt  }
0x44: {  	_ =	shalt  }
0x45: {  	_ =	shalt  }
0x46: {  	_ =	shalt  }
0x47: {  	_ =	shalt  }
0x48: {  	_ =	shalt  }
0x49: {  	_ =	shalt  }
0x4a: {  	_ =	shalt  }
0x4b: {  	_ =	shalt  }
0x4c: {  	_ =	shalt  }
0x4d: {  	_ =	shalt  }
0x4e: {  	_ =	shalt  }
0x4f: {  	_ =	shalt  }
0x50: {  	_ =	shalt  }
0x51: {  	_ =	shalt  }
0x52: {  	_ =	shalt  }
0x53: {  	_ =	shalt  }
0x54: {  	_ =	shalt  }
0x55: {  	_ =	shalt  }
0x56: {  	_ =	shalt  }
0x57: {  	_ =	shalt  }
0x58: {  	_ =	shalt  }
0x59: {  	_ =	shalt  }
0x5a: {  	_ =	shalt  }
0x5b: {  	_ =	shalt  }
0x5c: {  	_ =	shalt  }
0x5d: {  	_ =	shalt  }
0x5e: {  	_ =	shalt  }
0x5f: {  	_ =	shalt  }
0x60: {  	_ =	shalt  }
0x61: {  	_ =	shalt  }
0x62: {  	_ =	shalt  }
0x63: {  	_ =	shalt  }
0x64: {  	_ =	shalt  }
0x65: {  	_ =	shalt  }
0x66: {  	_ =	shalt  }
0x67: {  	_ =	shalt  }
0x68: {  	_ =	shalt  }
0x69: {  	_ =	shalt  }
0x6a: {  	_ =	shalt  }
0x6b: {  	_ =	shalt  }
0x6c: {  	_ =	shalt  }
0x6d: {  	_ =	shalt  }
0x6e: {  	_ =	shalt  }
0x6f: {  	_ =	shalt  }
0x70: {  	_ =	shalt  }
0x71: {  	_ =	shalt  }
0x72: {  	_ =	shalt  }
0x73: {  	_ =	shalt  }
0x74: {  	_ =	shalt  }
0x75: {  	_ =	shalt  }
0x76: {  	_ =	shalt  }
0x77: {  	_ =	shalt  }
0x78: {  	_ =	shalt  }
0x79: {  	_ =	shalt  }
0x7a: {  	_ =	shalt  }
0x7b: {  	_ =	shalt  }
0x7c: {  	_ =	shalt  }
0x7d: {  	_ =	shalt  }
0x7e: {  	_ =	shalt  }
0x7f: {  	_ =	shalt  }
0x80: {  	_ =	shalt  }
0x81: {  	_ =	shalt  }
0x82: {  	_ =	shalt  }
0x83: {  	_ =	shalt  }
0x84: {  	_ =	shalt  }
0x85: {  	_ =	shalt  }
0x86: {  	_ =	shalt  }
0x87: {  	_ =	shalt  }
.Lfunc_end0:
.L_simem_size_0:
called_computation_lowered:
.L_overlay_start_0:
0x88: {  	s2 =	sld [smem:$0x3FD9]  }
0x89: {  	s3 =	sld [smem:$0x3FFE];
	_ =	sdelay $0x1  }
0x8a: {  	s1 =	srdreg.scid  }
0x8b: {  	s0 =	sand.u32 $0x1, s1  }
0x8c: {  	s17 =	sshll.u32 s0, $0xA;
	s2 =	sadd.s32 s3, s2  }
0x8d: {  	s2 =	sadd.s32 s2, s17  }
0x8e: {  	[smem:$0x3FC2] =	sst s2  }
0x8f: {  	_ = 	snop  }
0x90: {  	s2 =	sld [smem:$0x3FD0];
	(tm) =	ssettm $0x1  }
0x91: {  	s18 =	sld [smem:$0x3FFB];
	_ =	sdelay $0x3  }
0x92: {  	_ =	strace s18  }
0x93: {  	s3 =	sld [smem:$0x3FFC];
	_ =	sdelay $0x3  }
0x94: {  	_ =	strace s3  }
0x95: {  	s3 =	sld [smem:$0x3FFD];
	_ =	sdelay $0x3  }
0x96: {  	_ =	strace s3  }
0x97: {  	_ =	strace $0x8FFFFFFF  }
0x98: {  	s19 =	sld [smem:$0x3FDB];
	_ =	sdelay $0x1  }
0x99: {  	s4 =	simm.s32 $_scs_section_size  }
0x9a: {  	s5 =	simm.s32 $_size__tile_overlayer_lowered;
	s6 =	simm.s32 $_tile_overlayer_lowered  }
0x9b: {  	s22 =	simm.s32 $0x1BFF;
	s21 =	sshll.u32 s6, $0x1;
	s3 =	sadd.s32 s4, s19  }
0x9c: {  	s7 =	simm.s32 $0x0;
	s20 =	sshll.u32 s5, $0x1;
	s5 =	sadd.s32 s21, s3  }
0x9d: {  	[timem:s7], [sflag:s22] =	dma.local [hbm:s5], s20  }
0x9e: {  	_ =	swait.ge [sflag:s22], s20  }
0x9f: {  	s4 =	ssub.s32 $0x0, s20;
	[sflag:s22] =	ssyncset.done $0x0  }
0xa0: {  	[sflag:s22] =	ssyncadd.s32 s4;
	_ =	sdelay $0x1  }
0xa1: {  	s23 =	simm.s32 $0x1B8B  }
0xa2: {  	_ =	swait.ge [sflag:s23], $0x1  }
0xa3: {  	[sflag:s23] =	ssyncset.done $0x0  }
0xa4: {  	s25 =	simm.s32 $0x1B8E;
	s24 =	sld [smem:$0x3FFE];
	[sflag:s23] =	ssyncadd.s32 $0xFFFFFFFF  }
0xa5: {  	s26 =	simm.s32 $execute0_lowered;
	[smem:$0x3FD2] =	sst s25  }
0xa6: {  	s5 =	sshll.u32 s26, $0x1;
	_ =	strace $0x80000046;
	[dreg:$0x1] =	wrdreg $0xFFFFFFFF  }
0xa7: {  	s28 =	simm.s32 $_size_execute0_lowered;
	s3 =	sadd.s32 s3, s5;
	[dreg:$0x0] =	wrdreg $0x0  }
0xa8: {  	s5 =	sshll.u32 s28, $0x1;
	[dreg:$0x2] =	wrdreg s3  }
0xa9: {  	[dreg:$0x3] =	wrdreg s5  }
0xaa: {  	[dreg:$0x4] =	wrdreg $0xC0  }
0xab: {  	_ =	task [dreg:s7], $0x5FFFF  }
0xac: {  	[dreg:$0x1] =	wrdreg $0xFFFFFFFF  }
0xad: {  	[dreg:$0x0] =	wrdreg $0x60  }
0xae: {  	[dreg:$0x2] =	wrdreg s24  }
0xaf: {  	[dreg:$0x3] =	wrdreg s2  }
0xb0: {  	[dreg:$0x4] =	wrdreg $0x9  }
0xb1: {  	_ =	task.clear_ibuf [dreg:s7], $0x5FFFF;
	_ =	strace $0x90000046  }
0xb2: {  	s29 =	simm.s32 $0x9;
	_ =	strace $0x80000048  }
0xb3: {  	_ =	swait.ge [sflag:s29], $0x1  }
0xb4: {  	[sflag:s29] =	ssyncadd.s32 $0xFFFFFFFF  }
0xb5: {  	_ =	strace $0x90000048  }
0xb6: {  	_ =	sfence  }
0xb7: {  	s30 =	sld [smem:$0x0];
	_ =	sdelay $0x2  }
0xb8: {  	s31 =	sshll.u32 s1, $0xD;
	s1 =	sshrl.u32 s1, $0x2  }
0xb9: {  	s3 =	sand.u32 $0x4000, s31;
	s1 =	sadd.s32 s1, s30  }
0xba: {  	s0 =	sor.u32 s3, s0;
	s1 =	sshll.u32 s1, $0x11  }
0xbb: {  	s0 =	sor.u32 s1, s0  }
0xbc: {  	s0 =	sadd.s32 $0x8F2B, s0  }
0xbd: {  	[sflag:s0] =	ssyncadd.remote.s32 $0x1  }
0xbe: {  	_ =	sfence.sel $0xFFFF  }
0xbf: {  	[dreg:$0x0] =	wrdreg $0xFFFFFFFF;
	(pc) =	sbr.abs _section_cstart, $3  }
0xc0: {  	[dreg:$0x1] =	wrdreg $0xFFFFFFFF  }
0xc1: {  	_ =	task.clear_ibuf [dreg:s7], $0x2FFFF;
	_ =	strace $0x9FFFFFFF  }
0xc2: {  	(tm) =	ssettm $0x7FFFFFFF  }
0xc3: {  	_ =	shalt  }
tec
execute0_lowered:
.L_overlay_start_1:
0x0: {  	(tag) =	ssettag $0x1  }
0x1: {  	s0 =	rddreg [dreg:$0x0];
	s1 =	simm.s32 $0x0  }
0x2: {  	s2 =	simm.s32 $0x0;
	s25 =	srdreg.scid;
	s4 =	stileid.u32  }
0x3: {  	s14 =	simm.s32 $0x1;
	s15 =	simm.s32 $0x9300;
	s16 =	simm.s32 $0x2  }
0x4: {  	s17 =	simm.s32 $0xC400;
	s18 =	simm.s32 $0xF500;
	s31 =	simm.s32 $0x0  }
0x5: {  	[smem:$0x7FF] =	sst s1;
	s1 =	sand.u32 $0x1, s25;
	s3 =	sadd.s32 $0x3400, s0  }
0x6: {  	s26 =	sadd.s32 $0x9C600, s0;
	_ =	strace $0x80000047;
	[dreg:$0x4] =	wrdreg s3  }
.Ltmp0:
0x7: {  	[dreg:$0x3] =	wrdreg s1;
	s1 =	ssub.s32 $0x2, s1;
	(pc) =	sbr.rel .LBB2_1-.Ltmp0, $4  }
0x8: {  	s28 =	sadd.s32 $0x1ED400, s0;
	[dreg:$0x5] =	wrdreg s26;
	s29 =	sshrl.u32 s1, $0x1  }
0x9: {  	v0 =	vlaneseq.u32;
	s7 =	sadd.s32 $0x16FB400, s0;
	[dreg:$0x6] =	wrdreg s28;
	s1 =	ssub.s32 s1, s29  }
0xa: {  	s9 =	sadd.s32 $0xEC600, s0;
	v1 =	vmul.u32 $0x2, v0;
	[dreg:$0x8] =	wrdreg s31;
	s30 =	smax.u32 s1, $0x1  }
0xb: {  	v2 =	vimm.f32 $0.0e+00;
	v3 =	vimm.f32 $1.000000000e+00;
	v4 =	vimm.s32 $0x0;
	s10 =	sadd.s32 $0xFBC00, s0;
	s11 =	sshll.u32 s4, $0x1;
	[dreg:$0x7] =	wrdreg s30  }
.LBB2_63:
0xc: {  	s1 =	rddreg [dreg:$0x8]  }
0xd: {  	s0 =	rddreg [dreg:$0x7];
	s1 =	sadd.s32 $0x1, s1  }
0xe: {  	p0 =	sne.s32 s1, s0  }
.Ltmp1:
0xf: {  	_ = 	snop;
	(pc) =	sbr.rel @!p0 .LBB2_64-.Ltmp1, $2  }
0x10: {  	_ =	sdelay $0x2  }
0x11: {  	[dreg:$0x8] =	wrdreg s1  }
.LBB2_1:
.Ltmp2:
0x12: {  	s0 =	rddreg [dreg:$0x1];
	s1 =	simm.s32 $0x1F500;
	(pc) =	sbr.rel .LBB2_2-.Ltmp2, $4  }
0x13: {  	[tilespmem:s1], [sflag:$0x1] =	stream.linear.gather [hbm4b:s0+s2], $0x80, $0x38;
	[tilespmem:$0x1F580] =	vst v63  }
0x14: {  	_ =	swait.ge [sflag:s14], $0x80  }
0x15: {  	[sflag:s14] =	ssyncset.done $0x0  }
0x16: {  	p1 =	por $0x1, $0x1;
	s0 =	simm.s32 $0x0;
	[sflag:s14] =	ssyncadd.s32 $0xFFFFFF80  }
.LBB2_62:
.Ltmp3:
0x17: {  	(pc) =	sbr.rel @!p0 .LBB2_63-.Ltmp3, $2  }
0x18: {  	_ =	sdelay $0x2  }
0x19: {  	s0 =	simm.s32 $0x20;
	p1 =	por $0x0, $0x0  }
.LBB2_2:
0x1a: {  	s0 =	sor.u32 s11, s0  }
0x1b: {  	p2 =	sgt.u32 s0, $0x27  }
.Ltmp4:
0x1c: {  	_ = 	snop;
	(pc) =	sbr.rel @p2 .LBB2_62-.Ltmp4, $2  }
0x1d: {  	_ =	sdelay $0x2  }
0x1e: {  	p0 =	por p1, p1  }
0x1f: {  	s1 =	rddreg [dreg:$0x3]  }
0x20: {  	s23 =	sor.u32 s1, s0  }
0x21: {  	v5 =	vmov s23;
	_ =	sdelay $0x3  }
0x22: {  	s29 =	simm.s32 $0x1F500  }
0x23: {  	v5 =	vld.idx.msk [tilespmem:v5+s29+$0x0], $0xffff;
	_ =	sdelay $0x4  }
0x24: {  	v5 =	vxor.u32 $0x80000000, v5  }
0x25: {  	(xrf0) =	vmax.scan.msk.u32 $0xffff, v5;
	_ =	sdelay $0x5  }
0x26: {  	v5, _, _ =	vpop (xrf0)  }
0x27: {  	(v2sf) =	vpush v5, $0xF;
	_ =	sdelay $0xe  }
0x28: {  	s30 =	spop (v2sf)  }
0x29: {  	s0 =	smul.u32 $0x3100, s30;
	_ =	sdelay $0x1  }
0x2a: {  	s31 =	rddreg [dreg:$0x4];
	s0 =	sshrl.u32 s0, $0x3  }
0x2b: {  	s24 =	simm.s32 $0x0;
	s0 =	sadd.s32 s31, s0  }
0x2c: {  	[tilespmem:s15], [sflag:$0x2] =	stream.linear.gather [hbm4b:s0+s24], $0x3100, $0x38;
	[tilespmem:$0x1F580] =	vst v63  }
0x2d: {  	_ =	swait.ge [sflag:s16], $0x3100  }
0x2e: {  	s25 =	simm.s32 $0x0;
	[sflag:s16] =	ssyncset.done $0x0  }
0x2f: {  	s26 =	simm.s32 $0x0;
	s22 =	smul.u32 $0x12600, s23;
	[sflag:s16] =	ssyncadd.s32 $0xFFFFCF00  }
.LBB2_4:
0x30: {  	s0 =	smul.u32 $0x3100, s26  }
0x31: {  	v5 =	vmov s24  }
0x32: {  	v5 =	vshll.u32 v5, $0x1;
	s0 =	sadd.s32 s22, s0  }
0x33: {  	v5 =	vor.u32 v1, v5;
	s0 =	sshrl.u32 s0, $0x3  }
0x34: {  	v6 =	vor.u32 $0x1, v5;
	s0 =	sadd.s32 s7, s0  }
0x35: {  	[tilespmem:s17], [sflag:$0x2] =	stream.linear.gather [hbm4b:s0+s24], $0x3100, $0x38;
	[tilespmem:$0x1F580] =	vst v63  }
0x36: {  	_ =	swait.ge [sflag:s16], $0x3100  }
0x37: {  	[sflag:s16] =	ssyncset.done $0x0  }
0x38: {  	[sflag:s16] =	ssyncadd.s32 $0xFFFFCF00  }
0x39: {  	v6 =	vld.idx.msk [tilespmem:v6+s17+$0x0], $0xffff;
	_ =	sdelay $0x1  }
0x3a: {  	v5 =	vld.idx.msk [tilespmem:v5+s17+$0x0], $0xffff;
	_ =	sdelay $0x2  }
0x3b: {  	v6 =	vmul.f32 $1.120000000e+02, v6;
	_ =	sdelay $0x1  }
0x3c: {  	v5 =	vmul.f32 $1.120000000e+02, v5;
	v6 =	vadd.f32 $-5.000000000e-01, v6;
	_ =	sdelay $0x1  }
0x3d: {  	v5 =	vadd.f32 $-5.000000000e-01, v5;
	v7 =	vadd.f32 $1.000000000e+00, v6;
	_ =	sdelay $0x1  }
0x3e: {  	v8 =	vadd.f32 $1.000000000e+00, v5;
	v7 =	vtrunc.f32 v7  }
0x3f: {  	v7 =	vcvt.f32.s32 v7  }
0x40: {  	v8 =	vtrunc.f32 v8  }
0x41: {  	v8 =	vcvt.f32.s32 v8;
	v9 =	vadd.s32 $0xFFFFFFFF, v7  }
0x42: {  	vm0 =	vgt.s32 v9, $0x0  }
0x43: {  	v10 =	vadd.s32 $0xFFFFFFFF, v8;
	v11 =	vnsel vm0, $0x0, v9  }
0x44: {  	vm0 =	vgt.s32 v10, $0x0;
	v11 =	vmin.u32 v11, $0x6F  }
0x45: {  	v12 =	vnsel vm0, $0x0, v10;
	vm0 =	vgt.s32 v8, $0x0;
	v11 =	vmul.u32 $0x70, v11  }
0x46: {  	vm1 =	vgt.s32 v7, $0x0;
	v12 =	vmin.u32 v12, $0x6F;
	v13 =	vnsel vm0, $0x0, v8  }
0x47: {  	v15 =	vnsel vm1, $0x0, v7;
	v13 =	vmin.u32 v13, $0x6F;
	v14 =	vadd.s32 v12, v11  }
0x48: {  	v15 =	vmin.u32 v15, $0x6F;
	v11 =	vadd.s32 v13, v11  }
0x49: {  	v16 =	vcvt.s32.f32 v10;
	v17 =	vcvt.s32.f32 v9;
	v15 =	vmul.u32 $0x70, v15;
	_ =	sdelay $0x1  }
0x4a: {  	v16 =	vsub.f32 v5, v16;
	v6 =	vsub.f32 v6, v17;
	v12 =	vadd.s32 v12, v15  }
0x4b: {  	v14 =	vld.idx.msk [tilespmem:v14+s15+$0x0], $0xffff  }
0x4c: {  	v63 =	vsub.f32 $1.000000000e+00, v16;
	v18 =	vsub.f32 $1.000000000e+00, v6;
	v13 =	vadd.s32 v13, v15;
	v11 =	vld.idx.msk [tilespmem:v11+s15+$0x0], $0xffff;
	_ =	sdelay $0x1  }
0x4d: {  	v19 =	vmul.f32 v18, v63  }
0x4e: {  	vm0 =	vlt.u32 v8, $0x70;
	v8 =	vmul.f32 v18, v16;
	v12 =	vld.idx.msk [tilespmem:v12+s15+$0x0], $0xffff  }
0x4f: {  	vm1 =	vlt.u32 v7, $0x70;
	v7 =	vmul.f32 v6, v16;
	v14 =	vmul.f32 v19, v14  }
0x50: {  	v8 =	vmul.f32 v8, v11;
	v11 =	vmul.f32 v63, v6;
	v6 =	vld.idx.msk [tilespmem:v13+s15+$0x0], $0xffff  }
0x51: {  	s28 =	simm.s32 $0x10;
	vm2 =	vlt.u32 v10, $0x70;
	vm3 =	vlt.u32 v9, $0x70;
	v9 =	vadd.f32 $0.0e+00, v14  }
0x52: {  	vm4 =	vmand vm2, vm3;
	v5 =	vmov s28;
	vm3 =	vmand vm0, vm3  }
0x53: {  	s1 =	simm.s32 $0x20;
	s0 =	simm.s32 $0x0;
	v10 =	vnsel vm3, $0x0, v8;
	v8 =	vmul.f32 v11, v12;
	v9 =	vnsel vm4, $0x0, v9  }
.LBB2_5:
0x54: {  	p1 =	sne.s32 s1, $0x1870;
	v5 =	vshll.u32 v5, $0x1;
	v9 =	vadd.f32 v9, v10;
	vm2 =	vmand vm2, vm1  }
0x55: {  	v6 =	vmul.f32 v7, v6;
	v5 =	vor.u32 v1, v5;
	v8 =	vnsel vm2, $0x0, v8  }
0x56: {  	vm0 =	vmand vm0, vm1;
	v7 =	vor.u32 $0x1, v5;
	v8 =	vadd.f32 v9, v8  }
0x57: {  	s3 =	sadd.s32 s0, s25;
	v6 =	vnsel vm0, $0x0, v6  }
0x58: {  	s4 =	sand.u32 $0x70, s0;
	s0 =	smov.u32 s28;
	s3 =	sand.u32 $0x1FF80, s3;
	v6 =	vadd.f32 v8, v6  }
0x59: {  	s28 =	smov.u32 s1;
	s3 =	sor.u32 s4, s3  }
0x5a: {  	[tilespmem:s3+$0x0] =	vst v6  }
0x5b: {  	v6 =	vld.idx.msk [tilespmem:v7+s17+$0x0], $0xffff;
	_ =	sdelay $0x1  }
0x5c: {  	v5 =	vld.idx.msk [tilespmem:v5+s17+$0x0], $0xffff;
	_ =	sdelay $0x3  }
0x5d: {  	v6 =	vmul.f32 $1.120000000e+02, v6;
	_ =	sdelay $0x1  }
0x5e: {  	v5 =	vmul.f32 $1.120000000e+02, v5;
	v6 =	vadd.f32 $-5.000000000e-01, v6;
	_ =	sdelay $0x1  }
0x5f: {  	v5 =	vadd.f32 $-5.000000000e-01, v5;
	v7 =	vadd.f32 $1.000000000e+00, v6;
	_ =	sdelay $0x1  }
0x60: {  	v8 =	vadd.f32 $1.000000000e+00, v5;
	v7 =	vtrunc.f32 v7  }
0x61: {  	v7 =	vcvt.f32.s32 v7  }
0x62: {  	v8 =	vtrunc.f32 v8  }
0x63: {  	v8 =	vcvt.f32.s32 v8;
	v9 =	vadd.s32 $0xFFFFFFFF, v7  }
0x64: {  	vm0 =	vgt.s32 v9, $0x0  }
0x65: {  	v10 =	vadd.s32 $0xFFFFFFFF, v8;
	v11 =	vnsel vm0, $0x0, v9  }
0x66: {  	v11 =	vmin.u32 v11, $0x6F;
	vm0 =	vgt.s32 v10, $0x0  }
0x67: {  	v11 =	vmul.u32 $0x70, v11;
	v12 =	vnsel vm0, $0x0, v10  }
0x68: {  	vm1 =	vgt.s32 v7, $0x0;
	vm0 =	vgt.s32 v8, $0x0;
	v12 =	vmin.u32 v12, $0x6F  }
0x69: {  	v15 =	vnsel vm1, $0x0, v7;
	v14 =	vnsel vm0, $0x0, v8;
	v13 =	vadd.s32 v12, v11  }
0x6a: {  	v15 =	vmin.u32 v15, $0x6F;
	v14 =	vmin.u32 v14, $0x6F  }
0x6b: {  	v15 =	vmul.u32 $0x70, v15;
	v11 =	vadd.s32 v14, v11  }
0x6c: {  	v17 =	vcvt.s32.f32 v9;
	v16 =	vcvt.s32.f32 v10  }
0x6d: {  	v12 =	vadd.s32 v12, v15  }
0x6e: {  	v17 =	vsub.f32 v6, v17;
	v16 =	vsub.f32 v5, v16;
	v6 =	vld.idx.msk [tilespmem:v13+s15+$0x0], $0xffff  }
0x6f: {  	v13 =	vadd.s32 v14, v15  }
0x70: {  	v14 =	vsub.f32 $1.000000000e+00, v16;
	v15 =	vsub.f32 $1.000000000e+00, v17;
	v11 =	vld.idx.msk [tilespmem:v11+s15+$0x0], $0xffff;
	_ =	sdelay $0x1  }
0x71: {  	v18 =	vmul.f32 v15, v14;
	v12 =	vld.idx.msk [tilespmem:v12+s15+$0x0], $0xffff  }
0x72: {  	v5 =	vmov s1  }
.Ltmp5:
0x73: {  	vm0 =	vlt.u32 v8, $0x70;
	v8 =	vmul.f32 v15, v16;
	v18 =	vmul.f32 v18, v6;
	v6 =	vld.idx.msk [tilespmem:v13+s15+$0x0], $0xffff;
	(pc) =	sbr.rel @p1 .LBB2_5-.Ltmp5, $4  }
0x74: {  	vm3 =	vlt.u32 v9, $0x70;
	vm1 =	vlt.u32 v7, $0x70;
	vm2 =	vlt.u32 v10, $0x70  }
0x75: {  	v9 =	vadd.f32 $0.0e+00, v18;
	v8 =	vmul.f32 v8, v11;
	v11 =	vmul.f32 v14, v17  }
0x76: {  	vm4 =	vmand vm2, vm3;
	vm3 =	vmand vm0, vm3;
	v7 =	vmul.f32 v17, v16  }
0x77: {  	s1 =	sadd.s32 $0x10, s1;
	v9 =	vnsel vm4, $0x0, v9;
	v10 =	vnsel vm3, $0x0, v8;
	v8 =	vmul.f32 v11, v12  }
0x78: {  	v5 =	vshll.u32 v5, $0x1;
	v9 =	vadd.f32 v9, v10;
	vm2 =	vmand vm2, vm1  }
0x79: {  	v6 =	vmul.f32 v7, v6;
	v5 =	vor.u32 v1, v5;
	v8 =	vnsel vm2, $0x0, v8  }
0x7a: {  	vm0 =	vmand vm0, vm1;
	v7 =	vor.u32 $0x1, v5;
	v8 =	vadd.f32 v9, v8  }
0x7b: {  	s1 =	sadd.s32 s0, s25;
	v6 =	vnsel vm0, $0x0, v6  }
0x7c: {  	s29 =	sand.u32 $0x70, s0;
	s1 =	sand.u32 $0x1FF80, s1;
	v6 =	vadd.f32 v8, v6  }
0x7d: {  	s0 =	sor.u32 s29, s1  }
0x7e: {  	[tilespmem:s0+$0x0] =	vst v6  }
0x7f: {  	v6 =	vld.idx.msk [tilespmem:v7+s17+$0x0], $0xffff;
	_ =	sdelay $0x1  }
0x80: {  	v5 =	vld.idx.msk [tilespmem:v5+s17+$0x0], $0xffff;
	_ =	sdelay $0x2  }
0x81: {  	v6 =	vmul.f32 $1.120000000e+02, v6;
	_ =	sdelay $0x1  }
0x82: {  	v5 =	vmul.f32 $1.120000000e+02, v5;
	v6 =	vadd.f32 $-5.000000000e-01, v6;
	_ =	sdelay $0x1  }
0x83: {  	v5 =	vadd.f32 $-5.000000000e-01, v5;
	v7 =	vadd.f32 $1.000000000e+00, v6;
	_ =	sdelay $0x1  }
0x84: {  	v55 =	vadd.f32 $1.000000000e+00, v5;
	v7 =	vtrunc.f32 v7  }
0x85: {  	v7 =	vcvt.f32.s32 v7  }
0x86: {  	v8 =	vtrunc.f32 v55  }
0x87: {  	v8 =	vcvt.f32.s32 v8;
	v56 =	vadd.s32 $0xFFFFFFFF, v7  }
0x88: {  	vm9 =	vgt.s32 v56, $0x0  }
0x89: {  	v57 =	vadd.s32 $0xFFFFFFFF, v8;
	v11 =	vnsel vm9, $0x0, v56  }
0x8a: {  	vm10 =	vgt.s32 v57, $0x0;
	v11 =	vmin.u32 v11, $0x6F  }
0x8b: {  	v12 =	vnsel vm10, $0x0, v57;
	v11 =	vmul.u32 $0x70, v11  }
0x8c: {  	vm11 =	vgt.s32 v8, $0x0;
	vm12 =	vgt.s32 v7, $0x0;
	v12 =	vmin.u32 v12, $0x6F  }
0x8d: {  	v13 =	vnsel vm11, $0x0, v8;
	v15 =	vnsel vm12, $0x0, v7;
	v14 =	vadd.s32 v12, v11  }
0x8e: {  	v16 =	vcvt.s32.f32 v57;
	v13 =	vmin.u32 v13, $0x6F;
	v15 =	vmin.u32 v15, $0x6F  }
0x8f: {  	v17 =	vcvt.s32.f32 v56;
	v15 =	vmul.u32 $0x70, v15;
	v11 =	vadd.s32 v13, v11;
	_ =	sdelay $0x1  }
0x90: {  	v5 =	vsub.f32 v5, v16;
	v6 =	vsub.f32 v6, v17;
	v12 =	vadd.s32 v12, v15  }
0x91: {  	v14 =	vld.idx.msk [tilespmem:v14+s15+$0x0], $0xffff  }
0x92: {  	v58 =	vsub.f32 $1.000000000e+00, v5;
	v59 =	vsub.f32 $1.000000000e+00, v6;
	v13 =	vadd.s32 v13, v15  }
0x93: {  	v11 =	vld.idx.msk [tilespmem:v11+s15+$0x0], $0xffff  }
0x94: {  	v60 =	vmul.f32 v59, v58  }
0x95: {  	v12 =	vld.idx.msk [tilespmem:v12+s15+$0x0], $0xffff  }
0x96: {  	vm13 =	vlt.u32 v8, $0x70;
	v61 =	vmul.f32 v59, v5;
	v14 =	vmul.f32 v60, v14  }
0x97: {  	vm3 =	vlt.u32 v7, $0x70;
	vm14 =	vlt.u32 v57, $0x70;
	vm15 =	vlt.u32 v56, $0x70;
	v13 =	vld.idx.msk [tilespmem:v13+s15+$0x0], $0xffff  }
0x98: {  	v62 =	vmul.f32 v58, v6;
	v8 =	vmul.f32 v61, v11;
	v7 =	vadd.f32 $0.0e+00, v14  }
0x99: {  	vm4 =	vmand vm14, vm15;
	vm2 =	vmand vm13, vm15;
	v5 =	vmul.f32 v6, v5  }
0x9a: {  	v63 =	vmul.f32 v62, v12;
	v6 =	vnsel vm4, $0x0, v7;
	v7 =	vnsel vm2, $0x0, v8  }
0x9b: {  	s26 =	sadd.s32 $0x1, s26;
	vm1 =	vmand vm14, vm3;
	v6 =	vadd.f32 v6, v7  }
0x9c: {  	p1 =	sne.s32 s26, $0x6;
	v5 =	vmul.f32 v5, v13;
	v7 =	vnsel vm1, $0x0, v63  }
.Ltmp6:
0x9d: {  	vm0 =	vmand vm13, vm3;
	v6 =	vadd.f32 v6, v7;
	(pc) =	sbr.rel @p1 .LBB2_4-.Ltmp6, $4  }
0x9e: {  	s30 =	sadd.s32 s28, s25;
	v5 =	vnsel vm0, $0x0, v5  }
0x9f: {  	s31 =	sand.u32 $0x70, s28;
	s0 =	sand.u32 $0x1FF80, s30;
	v5 =	vadd.f32 v6, v5  }
0xa0: {  	s0 =	sor.u32 s31, s0  }
0xa1: {  	s25 =	sadd.s32 $0x1880, s25;
	s1 =	simm.s32 $0x0;
	[tilespmem:s0+$0x0] =	vst v5  }
0xa2: {  	s0 =	simm.s32 $0x10;
	s1 =	sand.u32 $0xFF0, s1  }
.LBB2_8:
0xa3: {  	p1 =	sne.s32 s0, $0xFF0;
	[tilespmem:s1+$0xF500] =	vst v2;
	s1 =	smov.u32 s0;
	s0 =	sadd.s32 $0x10, s0  }
.Ltmp7:
0xa4: {  	(pc) =	sbr.rel @p1 .LBB2_8-.Ltmp7, $2  }
0xa5: {  	_ =	sdelay $0x2  }
0xa6: {  	s1 =	sand.u32 $0xFF0, s1  }
0xa7: {  	[tilespmem:s1+$0xF500] =	vst v2;
	s1 =	simm.s32 $0x0;
	s0 =	simm.s32 $0x40  }
.LBB2_10:
0xa8: {  	p1 =	sne.s32 s0, $0x24BC0;
	v5 =	vld [tilespmem:s1+$0x0];
	_ =	sdelay $0x4  }
0xa9: {  	v5 =	vshrl.u32 v5, $0x13  }
0xaa: {  	v5 =	vand.u32 $0xFF0, v5  }
0xab: {  	v5 =	vor.u32 v0, v5  }
.Ltmp8:
0xac: {  	(pc) =	sbr.rel @p1 .LBB2_10-.Ltmp8, $2  }
0xad: {  	_ =	sdelay $0x2  }
0xae: {  	s1 =	sshra.s32 s0, $0x2;
	s0 =	sadd.s32 $0x40, s0;
	[tilespmem:v5+s18+$0x0] =	vst.idx.add.f32.msk $0xffff, v3  }
0xaf: {  	v5 =	vld [tilespmem:s1+$0x0];
	_ =	sdelay $0x4  }
0xb0: {  	v5 =	vshrl.u32 v5, $0x13  }
0xb1: {  	v5 =	vand.u32 $0xFF0, v5  }
0xb2: {  	v5 =	vor.u32 v0, v5;
	_ =	sdelay $0x3  }
0xb3: {  	s6 =	simm.s32 $0x0  }
0xb4: {  	s0 =	sand.u32 $0xFF0, s6;
	[tilespmem:v5+s18+$0x0] =	vst.idx.add.f32.msk $0xffff, v3  }
0xb5: {  	v5 =	vld [tilespmem:s0+$0xF500];
	_ =	sdelay $0x4  }
0xb6: {  	(xrf2) =	vadd.scan.msk.f32 $0xffff, v5;
	_ =	sdelay $0x8  }
0xb7: {  	s0 =	simm.s32 $0x10  }
0xb8: {  	s24 =	sand.u32 $0xFF0, s0;
	v5, _, _ =	vpop (xrf2)  }
0xb9: {  	(v2sf) =	vpush v5, $0xF;
	v5 =	vld [tilespmem:s24+$0xF500]  }
0xba: {  	s3 =	simm.s32 $0x20  }
0xbb: {  	s25 =	sand.u32 $0xFF0, s3  }
0xbc: {  	v6 =	vld [tilespmem:s25+$0xF500];
	_ =	sdelay $0x1  }
0xbd: {  	(xrf2) =	vadd.scan.msk.f32 $0xffff, v5;
	_ =	sdelay $0x2  }
0xbe: {  	(xrf2) =	vadd.scan.msk.f32 $0xffff, v6;
	_ =	sdelay $0x2  }
0xbf: {  	s26 =	simm.s32 $0x30  }
0xc0: {  	s1 =	sand.u32 $0xFF0, s26  }
0xc1: {  	v5 =	vld [tilespmem:s1+$0xF500];
	_ =	sdelay $0x1  }
0xc2: {  	v7, _, _ =	vpop (xrf2)  }
0xc3: {  	s31 =	spop (v2sf);
	(v2sf) =	vpush v7, $0xF  }
0xc4: {  	s29 =	simm.s32 $0x40  }
0xc5: {  	s30 =	sand.u32 $0xFF0, s29;
	(xrf2) =	vadd.scan.msk.f32 $0xffff, v5;
	v5, _, _ =	vpop (xrf2)  }
0xc6: {  	v6 =	vld [tilespmem:s30+$0xF500];
	(v2sf) =	vpush v5, $0xF;
	_ =	sdelay $0x2  }
0xc7: {  	s19 =	simm.s32 $0x1;
	s5 =	simm.s32 $0x50  }
0xc8: {  	s12 =	simm.s32 $0x4;
	s21 =	simm.s32 $0x5;
	s20 =	simm.s32 $0x0  }
0xc9: {  	s13 =	simm.s32 $0x0;
	s26 =	simm.s32 $0x2;
	s4 =	scvt.f32.s32 s31;
	(xrf2) =	vadd.scan.msk.f32 $0xffff, v6  }
0xca: {  	s28 =	sand.u32 $0xFF0, s5;
	s3 =	simm.s32 $0x6;
	s25 =	simm.s32 $0x0  }
0xcb: {  	s24 =	simm.s32 $0x0;
	s1 =	simm.s32 $0x3;
	s4 =	sadd.s32 $0x0, s4  }
.LBB2_12:
0xcc: {  	p1 =	seq.s32 s3, $0xFF;
	p2 =	slt.s32 s20, $0x24C0;
	p3 =	sgt.s32 s4, $0x24BF  }
0xcd: {  	v5 =	vld [tilespmem:s28+$0xF500];
	s28 =	smov.u32 s1;
	s1 =	smov.u32 s12;
	s12 =	smov.u32 s21  }
0xce: {  	s21 =	smov.u32 s3;
	v6, _, _ =	vpop (xrf2);
	p2 =	por !p2, !p3  }
.Ltmp9:
0xcf: {  	s20 =	ssub.s32 $0x24C0, s20;
	(v2sf) =	vpush v6, $0xF;
	p2 =	por !p2, !p2;
	(pc) =	sbr.rel @!p1 .LBB2_12-.Ltmp9, $4  }
0xd0: {  	s29 =	spop (v2sf);
	s25 =	smov.u32 @p2 s20;
	s20 =	smov.u32 s4  }
0xd1: {  	s24 =	smov.u32 @p2 s13;
	s13 =	smov.u32 s19;
	s29 =	scvt.f32.s32 s29  }
0xd2: {  	s5 =	sadd.s32 $0x10, s5;
	s19 =	smov.u32 s26;
	s26 =	smov.u32 s28;
	(xrf2) =	vadd.scan.msk.f32 $0xffff, v5  }
0xd3: {  	s3 =	sadd.s32 $0x1, s3;
	s28 =	sand.u32 $0xFF0, s5;
	s4 =	sadd.s32 s29, s4  }
0xd4: {  	v5 =	vld [tilespmem:s28+$0xF500];
	_ =	sdelay $0x4  }
0xd5: {  	(xrf2) =	vadd.scan.msk.f32 $0xffff, v5;
	_ =	sdelay $0x5  }
0xd6: {  	v5, _, _ =	vpop (xrf2)  }
0xd7: {  	(v2sf) =	vpush v5, $0xF  }
0xd8: {  	v5, _, _ =	vpop (xrf2)  }
0xd9: {  	(v2sf) =	vpush v5, $0xF  }
0xda: {  	v5, _, _ =	vpop (xrf2)  }
0xdb: {  	(v2sf) =	vpush v5, $0xF;
	_ =	sdelay $0x2  }
0xdc: {  	s3 =	spop (v2sf)  }
0xdd: {  	p1 =	slt.s32 s20, $0x24C0;
	p2 =	sgt.s32 s4, $0x24BF;
	s3 =	scvt.f32.s32 s3  }
0xde: {  	p6 =	slt.s32 s4, $0x24C0;
	s20 =	ssub.s32 $0x24C0, s20;
	p1 =	por !p1, !p2  }
0xdf: {  	p1 =	por !p1, !p1;
	s3 =	sadd.s32 s3, s4;
	s5 =	spop (v2sf)  }
0xe0: {  	s25 =	smov.u32 @p1 s20;
	p3 =	sgt.s32 s3, $0x24BF;
	s5 =	scvt.f32.s32 s5  }
0xe1: {  	s4 =	ssub.s32 $0x24C0, s4;
	s24 =	smov.u32 @p1 s13;
	p2 =	por !p6, !p3  }
0xe2: {  	p3 =	slt.s32 s3, $0x24C0;
	p2 =	por !p2, !p2;
	s8 =	sadd.s32 s5, s3  }
0xe3: {  	s25 =	smov.u32 @p2 s4;
	s24 =	smov.u32 @p2 s19;
	p4 =	sgt.s32 s8, $0x24BF  }
0xe4: {  	s3 =	ssub.s32 $0x24C0, s3;
	p1 =	por !p3, !p4;
	s13 =	spop (v2sf)  }
0xe5: {  	p5 =	slt.s32 s8, $0x24C0;
	p1 =	por !p1, !p1;
	s5 =	scvt.f32.s32 s13  }
0xe6: {  	s4 =	ssub.s32 $0x24C0, s8;
	s25 =	smov.u32 @p1 s3;
	s20 =	spop (v2sf)  }
0xe7: {  	s24 =	smov.u32 @p1 s26;
	s28 =	sadd.s32 s5, s8;
	s29 =	scvt.f32.s32 s20  }
0xe8: {  	p6 =	sgt.s32 s28, $0x24BF;
	p3 =	slt.s32 s28, $0x24C0;
	s30 =	spop (v2sf)  }
0xe9: {  	p1 =	por !p5, !p6;
	s5 =	sadd.s32 s29, s28;
	s13 =	scvt.f32.s32 s30  }
0xea: {  	s3 =	ssub.s32 $0x24C0, s28;
	p1 =	por !p1, !p1;
	p4 =	sgt.s32 s5, $0x24BF  }
0xeb: {  	s25 =	smov.u32 @p1 s4;
	p5 =	slt.s32 s5, $0x24C0;
	s31 =	sadd.s32 s13, s5  }
0xec: {  	s24 =	smov.u32 @p1 s1;
	p2 =	por !p3, !p4;
	p4 =	sgt.s32 s31, $0x24BF  }
0xed: {  	s1 =	ssub.s32 $0x24C0, s5;
	p2 =	por !p2, !p2;
	p6 =	por !p5, !p4  }
0xee: {  	s25 =	smov.u32 @p2 s3;
	s24 =	smov.u32 @p2 s12;
	p1 =	por !p6, !p6  }
0xef: {  	s25 =	smov.u32 @p1 s1;
	s24 =	smov.u32 @p1 s21;
	s1 =	sand.u32 $0xFF0, s6  }
.LBB2_14:
0xf0: {  	p1 =	seq.s32 s0, $0xFF0;
	[tilespmem:s1+$0xF500] =	vst v2;
	s1 =	smov.u32 s0;
	s0 =	sadd.s32 $0x10, s0  }
.Ltmp10:
0xf1: {  	(pc) =	sbr.rel @!p1 .LBB2_14-.Ltmp10, $2  }
0xf2: {  	_ =	sdelay $0x2  }
0xf3: {  	s1 =	sand.u32 $0xFF0, s1  }
0xf4: {  	[tilespmem:s1+$0xF500] =	vst v2;
	v5 =	vmov s24;
	s28 =	simm.s32 $0x0;
	s1 =	simm.s32 $0x0;
	s0 =	simm.s32 $0x40  }
.LBB2_16:
0xf5: {  	p1 =	sne.s32 s0, $0x24BC0;
	v6 =	vld [tilespmem:s1+$0x0];
	_ =	sdelay $0x4  }
0xf6: {  	v6 =	vand.u32 $0x7FFFFFFF, v6  }
0xf7: {  	v7 =	vshrl.u32 v6, $0x17;
	v6 =	vshrl.u32 v6, $0xB  }
0xf8: {  	vm0 =	veq.s32 v7, v5;
	v6 =	vand.u32 $0xFF0, v6  }
0xf9: {  	v6 =	vor.u32 v0, v6  }
.Ltmp11:
0xfa: {  	(pc) =	sbr.rel @p1 .LBB2_16-.Ltmp11, $2  }
0xfb: {  	_ =	sdelay $0x2  }
0xfc: {  	s1 =	sshra.s32 s0, $0x2;
	s0 =	sadd.s32 $0x40, s0;
	[tilespmem:v6+s18+$0x0] =	vst.idx.add.f32.msk vm0, v3  }
0xfd: {  	v6 =	vld [tilespmem:s1+$0x0];
	_ =	sdelay $0x4  }
0xfe: {  	v6 =	vand.u32 $0x7FFFFFFF, v6  }
0xff: {  	v7 =	vshrl.u32 v6, $0x17;
	v6 =	vshrl.u32 v6, $0xB  }
0x100: {  	vm0 =	veq.s32 v7, v5;
	v5 =	vand.u32 $0xFF0, v6  }
0x101: {  	p6 =	por $0x0, $0x0;
	v5 =	vor.u32 v0, v5  }
.Ltmp12:
0x102: {  	_ = 	snop;
	(pc) =	sbr.rel @p6 .LBB2_18-.Ltmp12, $4  }
0x103: {  	s6 =	sand.u32 $0xFF0, s28  }
0x104: {  	s26 =	simm.s32 $0x1;
	p1 =	por $0x0, $0x0;
	s0 =	simm.s32 @!p0 $0x0  }
0x105: {  	p2 =	por $0x0, $0x0;
	p3 =	por $0x0, $0x0;
	s0 =	simm.s32 @p0 $0x1  }
0x106: {  	p4 =	por $0x0, $0x0;
	p5 =	por $0x0, $0x0;
	[smem:$0x7FD] =	sst s0;
	[tilespmem:v5+s18+$0x0] =	vst.idx.add.f32.msk vm0, v3  }
0x107: {  	v5 =	vld [tilespmem:s6+$0xF500];
	p6 =	por $0x0, $0x0  }
.Ltmp13:
0x108: {  	_ = 	snop;
	(pc) =	sbr.rel @p6 .LBB2_20-.Ltmp13, $3  }
0x109: {  	_ =	sdelay $0x1  }
0x10a: {  	s0 =	simm.s32 $0x10  }
0x10b: {  	p1 =	por $0x1, $0x1;
	s6 =	sand.u32 $0xFF0, s0;
	s0 =	simm.s32 $0x2;
	(xrf2) =	vadd.scan.msk.f32 $0xffff, v5  }
0x10c: {  	v5 =	vld [tilespmem:s6+$0xF500];
	p6 =	por $0x0, $0x0  }
.Ltmp14:
0x10d: {  	_ = 	snop;
	(pc) =	sbr.rel @p6 .LBB2_22-.Ltmp14, $3  }
0x10e: {  	_ =	sdelay $0x1  }
0x10f: {  	s1 =	simm.s32 $0x20  }
0x110: {  	s20 =	simm.s32 $0x3;
	p2 =	por $0x1, $0x1;
	s6 =	sand.u32 $0xFF0, s1;
	(xrf2) =	vadd.scan.msk.f32 $0xffff, v5  }
0x111: {  	v5 =	vld [tilespmem:s6+$0xF500];
	p6 =	por $0x0, $0x0  }
.Ltmp15:
0x112: {  	_ = 	snop;
	(pc) =	sbr.rel @p6 .LBB2_24-.Ltmp15, $3  }
0x113: {  	_ =	sdelay $0x1  }
0x114: {  	s1 =	simm.s32 $0x30;
	v6, _, _ =	vpop (xrf2)  }
0x115: {  	s31 =	simm.s32 $0x4;
	p3 =	por $0x1, $0x1;
	s6 =	sand.u32 $0xFF0, s1;
	(v2sf) =	vpush v6, $0xF;
	(xrf2) =	vadd.scan.msk.f32 $0xffff, v5  }
0x116: {  	_ =	sdelay $0x1  }
0x117: {  	v5 =	vld [tilespmem:s6+$0xF500]  }
0x118: {  	v6, _, _ =	vpop (xrf2)  }
0x119: {  	(v2sf) =	vpush v6, $0xF;
	_ =	sdelay $0x2  }
0x11a: {  	(xrf2) =	vadd.scan.msk.f32 $0xffff, v5;
	_ =	sdelay $0x1  }
0x11b: {  	p6 =	por $0x0, $0x0  }
.Ltmp16:
0x11c: {  	_ = 	snop;
	(pc) =	sbr.rel @p6 .LBB2_26-.Ltmp16, $3  }
0x11d: {  	_ =	sdelay $0x1  }
0x11e: {  	s1 =	simm.s32 $0x40  }
0x11f: {  	s29 =	simm.s32 $0x5;
	p4 =	por $0x1, $0x1;
	s6 =	sand.u32 $0xFF0, s1  }
0x120: {  	v6, _, _ =	vpop (xrf2)  }
0x121: {  	v5 =	vld [tilespmem:s6+$0xF500];
	(v2sf) =	vpush v6, $0xF;
	_ =	sdelay $0x1  }
0x122: {  	p6 =	por $0x0, $0x0  }
.Ltmp17:
0x123: {  	_ = 	snop;
	(pc) =	sbr.rel @p6 .LBB2_28-.Ltmp17, $4  }
0x124: {  	s1 =	spop (v2sf);
	s5 =	simm.s32 $0x50;
	s3 =	simm.s32 $0x6  }
0x125: {  	s21 =	simm.s32 $0x0;
	s12 =	simm.s32 $0x0;
	s1 =	scvt.f32.s32 s1;
	(xrf2) =	vadd.scan.msk.f32 $0xffff, v5  }
0x126: {  	s19 =	simm.s32 $0x0;
	s13 =	simm.s32 $0x1;
	s4 =	simm.s32 $0x2  }
0x127: {  	s6 =	sand.u32 $0xFF0, s5;
	s30 =	sadd.s32 $0x0, s1;
	s1 =	simm.s32 $0x0  }
.LBB2_29:
0x128: {  	p6 =	seq.s32 s3, $0xFF;
	p0 =	sgt.s32 s25, s1;
	p5 =	sge.s32 s30, s25  }
0x129: {  	v5 =	vld [tilespmem:s6+$0xF500];
	s6 =	smov.u32 s20;
	s20 =	smov.u32 s31;
	s31 =	smov.u32 s29  }
0x12a: {  	s29 =	smov.u32 s3;
	v6, _, _ =	vpop (xrf2);
	p0 =	por !p0, !p5  }
.Ltmp18:
0x12b: {  	s1 =	ssub.s32 s25, s1;
	(v2sf) =	vpush v6, $0xF;
	p0 =	por !p0, !p0;
	(pc) =	sbr.rel @!p6 .LBB2_29-.Ltmp18, $4  }
0x12c: {  	s8 =	spop (v2sf);
	s21 =	smov.u32 @p0 s1;
	s1 =	smov.u32 s30  }
0x12d: {  	s19 =	smov.u32 @p0 s12;
	s12 =	smov.u32 s13;
	s8 =	scvt.f32.s32 s8  }
0x12e: {  	s5 =	sadd.s32 $0x10, s5;
	s13 =	smov.u32 s4;
	s4 =	smov.u32 s6;
	(xrf2) =	vadd.scan.msk.f32 $0xffff, v5  }
0x12f: {  	s3 =	sadd.s32 $0x1, s3;
	s6 =	sand.u32 $0xFF0, s5;
	s30 =	sadd.s32 s8, s30  }
0x130: {  	s5 =	smov.u32 s20;
	s20 =	smov.u32 s29;
	p5 =	por $0x1, $0x1  }
.LBB2_31:
0x131: {  	p0 =	sgt.s32 @p5 s25, s1  }
0x132: {  	v5 =	vld [tilespmem:s6+$0xF500];
	p6 =	por p5, p5;
	p5 =	sge.s32 @p5 s30, s25;
	s3 =	smov.u32 @p2 s5  }
0x133: {  	s5 =	smov.u32 @p1 s31;
	s6 =	spop @p4 (v2sf);
	s8 =	smov.u32 @p4 s30  }
0x134: {  	s31 =	simm.s32 $0x0;
	p0 =	por @p6 !p0, !p5;
	s1 =	ssub.s32 @p6 s25, s1  }
0x135: {  	v6, _, _ =	vpop @p2 (xrf2);
	s6 =	scvt.f32.s32 @p4 s6;
	s8 =	smov.u32 @p4 s8;
	p0 =	por @p6 !p0, !p0  }
0x136: {  	(v2sf) =	vpush @p2 v6, $0xF;
	s0 =	smov.u32 @p1 s5;
	s5 =	smov.u32 s28;
	p0 =	por !p0, !p6  }
0x137: {  	s26 =	smov.u32 @p2 s3;
	s6 =	sadd.s32 @p4 s6, s30;
	s1 =	smov.u32 @p0 s21;
	(xrf2) =	vadd.scan.msk.f32 $0xffff, v5  }
0x138: {  	s12 =	smov.u32 @p0 s19;
	s19 =	smov.u32 s28;
	p0 =	sgt.s32 @p4 s25, s8  }
0x139: {  	s19 =	smov.u32 @p4 s6;
	s5 =	smov.u32 @p6 s1;
	s6 =	smov.u32 s28  }
0x13a: {  	s1 =	smov.u32 @p4 s13;
	s13 =	smov.u32 s28;
	s6 =	smov.u32 @p6 s12  }
0x13b: {  	s12 =	smov.u32 s28;
	p5 =	sge.s32 @p4 s19, s25;
	s13 =	smov.u32 @p1 s0  }
0x13c: {  	v5, _, _ =	vpop @p1 (xrf2);
	s12 =	smov.u32 @p3 s4;
	p0 =	por @p4 !p0, !p5;
	s4 =	ssub.s32 @p4 s25, s8  }
0x13d: {  	s8 =	smov.u32 @p2 s26;
	(v2sf) =	vpush @p1 v5, $0xF;
	p0 =	por @p4 !p0, !p0;
	s3 =	spop @p3 (v2sf)  }
0x13e: {  	s26 =	smov.u32 s28;
	p0 =	por !p0, !p4;
	s3 =	scvt.f32.s32 @p3 s3  }
0x13f: {  	s4 =	smov.u32 @p0 s5;
	s5 =	smov.u32 @p3 s19;
	s1 =	smov.u32 @p0 s6  }
0x140: {  	s6 =	smov.u32 @p3 s12;
	s12 =	smov.u32 s28;
	s5 =	smov.u32 @p3 s5  }
0x141: {  	s6 =	smov.u32 @p3 s6;
	s3 =	sadd.s32 @p3 s3, s19;
	p0 =	sgt.s32 @p3 s25, s5;
	v5, _, _ =	vpop (xrf2)  }
0x142: {  	s5 =	ssub.s32 @p3 s25, s5;
	s12 =	smov.u32 @p3 s3;
	s3 =	smov.u32 s28;
	(v2sf) =	vpush v5, $0xF  }
0x143: {  	s3 =	smov.u32 @p4 s4;
	s4 =	smov.u32 s28;
	p5 =	sge.s32 @p3 s12, s25  }
0x144: {  	s0 =	smov.u32 @p2 s12;
	s4 =	smov.u32 @p4 s1;
	p0 =	por @p3 !p0, !p5  }
0x145: {  	s1 =	smov.u32 @p2 s8;
	p0 =	por @p3 !p0, !p0;
	s8 =	spop @p2 (v2sf)  }
0x146: {  	s0 =	smov.u32 @p2 s0;
	p0 =	por !p0, !p3;
	s8 =	scvt.f32.s32 @p2 s8  }
0x147: {  	s1 =	smov.u32 @p2 s1;
	s5 =	smov.u32 @p0 s3;
	s6 =	smov.u32 @p0 s4  }
0x148: {  	s4 =	smov.u32 s28;
	p0 =	sgt.s32 @p2 s25, s0;
	s3 =	sadd.s32 @p2 s8, s12  }
0x149: {  	s0 =	ssub.s32 @p2 s25, s0;
	s8 =	smov.u32 s28;
	s4 =	smov.u32 @p2 s3  }
0x14a: {  	s8 =	smov.u32 @p3 s5;
	s5 =	smov.u32 s28;
	p4 =	sge.s32 @p2 s4, s25  }
0x14b: {  	s3 =	smov.u32 @p1 s13;
	s5 =	smov.u32 @p3 s6;
	p0 =	por @p2 !p0, !p4  }
0x14c: {  	s3 =	smov.u32 @p1 s3;
	p0 =	por @p2 !p0, !p0;
	s6 =	spop @p1 (v2sf)  }
0x14d: {  	s3 =	smov.u32 @p1 s3;
	p0 =	por !p0, !p2;
	s6 =	scvt.f32.s32 @p1 s6  }
0x14e: {  	s0 =	smov.u32 @p0 s8;
	s8 =	smov.u32 @p1 s4;
	s1 =	smov.u32 @p0 s5  }
0x14f: {  	s5 =	smov.u32 s28;
	s4 =	sadd.s32 @p1 s6, s4;
	s6 =	smov.u32 @p1 s8  }
0x150: {  	s5 =	smov.u32 @p1 s4;
	s4 =	smov.u32 s28;
	p0 =	sgt.s32 @p1 s25, s6  }
0x151: {  	p3 =	sge.s32 @p1 s5, s25;
	s4 =	smov.u32 @p2 s0;
	s29 =	spop (v2sf)  }
0x152: {  	s0 =	smov.u32 s28;
	p0 =	por @p1 !p0, !p3;
	s8 =	scvt.f32.s32 s29  }
0x153: {  	p4 =	sgt.s32 s25, s5;
	s0 =	smov.u32 @p2 s1;
	p0 =	por @p1 !p0, !p0  }
0x154: {  	s1 =	ssub.s32 @p1 s25, s6;
	p0 =	por !p0, !p1;
	s30 =	sadd.s32 s8, s5  }
0x155: {  	s1 =	smov.u32 @p0 s4;
	s3 =	smov.u32 @p0 s0;
	p5 =	sge.s32 s30, s25  }
0x156: {  	s0 =	ssub.s32 s25, s5;
	s26 =	smov.u32 @p1 s1;
	p6 =	por !p4, !p5  }
0x157: {  	s28 =	smov.u32 @p1 s3;
	s1 =	sand.u32 $0xFF0, s31;
	p0 =	por !p6, !p6  }
0x158: {  	s26 =	smov.u32 @p0 s0;
	s28 =	smov.u32 @p0 s20;
	s0 =	simm.s32 $0x10  }
.LBB2_32:
0x159: {  	p0 =	seq.s32 s0, $0xFF0;
	[tilespmem:s1+$0xF500] =	vst v2;
	s1 =	smov.u32 s0;
	s0 =	sadd.s32 $0x10, s0  }
.Ltmp19:
0x15a: {  	(pc) =	sbr.rel @!p0 .LBB2_32-.Ltmp19, $2  }
0x15b: {  	_ =	sdelay $0x2  }
0x15c: {  	s1 =	sand.u32 $0xFF0, s1  }
0x15d: {  	s0 =	sshll.u32 s24, $0x8  }
0x15e: {  	s24 =	sadd.s32 s0, s28  }
0x15f: {  	[tilespmem:s1+$0xF500] =	vst v2;
	s25 =	simm.s32 $0x0;
	s1 =	simm.s32 $0x0;
	s0 =	simm.s32 $0x40;
	v5 =	vmov s24  }
.LBB2_34:
0x160: {  	p1 =	sne.s32 s0, $0x24BC0;
	v6 =	vld [tilespmem:s1+$0x0];
	_ =	sdelay $0x4  }
0x161: {  	v6 =	vand.u32 $0x7FFFFFFF, v6  }
0x162: {  	v7 =	vshrl.u32 v6, $0xF;
	v6 =	vshrl.u32 v6, $0x3  }
0x163: {  	vm0 =	veq.s32 v7, v5;
	v6 =	vand.u32 $0xFF0, v6  }
0x164: {  	v6 =	vor.u32 v0, v6  }
.Ltmp20:
0x165: {  	(pc) =	sbr.rel @p1 .LBB2_34-.Ltmp20, $2  }
0x166: {  	_ =	sdelay $0x2  }
0x167: {  	s1 =	sshra.s32 s0, $0x2;
	s0 =	sadd.s32 $0x40, s0;
	[tilespmem:v6+s18+$0x0] =	vst.idx.add.f32.msk vm0, v3  }
0x168: {  	v6 =	vld [tilespmem:s1+$0x0];
	_ =	sdelay $0x4  }
0x169: {  	v6 =	vand.u32 $0x7FFFFFFF, v6  }
0x16a: {  	v7 =	vshrl.u32 v6, $0xF;
	v6 =	vshrl.u32 v6, $0x3  }
0x16b: {  	vm0 =	veq.s32 v7, v5;
	v5 =	vand.u32 $0xFF0, v6  }
0x16c: {  	p0 =	por $0x0, $0x0;
	v5 =	vor.u32 v0, v5  }
.Ltmp21:
0x16d: {  	_ = 	snop;
	(pc) =	sbr.rel @p0 .LBB2_36-.Ltmp21, $4  }
0x16e: {  	_ = 	snop  }
0x16f: {  	s6 =	sand.u32 $0xFF0, s25  }
0x170: {  	s29 =	simm.s32 $0x1;
	p1 =	por $0x0, $0x0;
	p2 =	por $0x0, $0x0  }
0x171: {  	p3 =	por $0x0, $0x0;
	p4 =	por $0x0, $0x0;
	p6 =	por $0x0, $0x0;
	[tilespmem:v5+s18+$0x0] =	vst.idx.add.f32.msk vm0, v3  }
0x172: {  	v5 =	vld [tilespmem:s6+$0xF500];
	p0 =	por $0x0, $0x0  }
.Ltmp22:
0x173: {  	_ = 	snop;
	(pc) =	sbr.rel @p0 .LBB2_38-.Ltmp22, $3  }
0x174: {  	_ =	sdelay $0x1  }
0x175: {  	s0 =	simm.s32 $0x10  }
0x176: {  	p1 =	por $0x1, $0x1;
	s6 =	sand.u32 $0xFF0, s0;
	s0 =	simm.s32 $0x2;
	(xrf2) =	vadd.scan.msk.f32 $0xffff, v5  }
0x177: {  	v5 =	vld [tilespmem:s6+$0xF500];
	p0 =	por $0x0, $0x0  }
.Ltmp23:
0x178: {  	_ = 	snop;
	(pc) =	sbr.rel @p0 .LBB2_40-.Ltmp23, $3  }
0x179: {  	_ =	sdelay $0x1  }
0x17a: {  	s1 =	simm.s32 $0x20  }
0x17b: {  	s28 =	simm.s32 $0x3;
	p2 =	por $0x1, $0x1;
	s6 =	sand.u32 $0xFF0, s1;
	(xrf2) =	vadd.scan.msk.f32 $0xffff, v5  }
0x17c: {  	v5 =	vld [tilespmem:s6+$0xF500];
	p0 =	por $0x0, $0x0  }
.Ltmp24:
0x17d: {  	_ = 	snop;
	(pc) =	sbr.rel @p0 .LBB2_42-.Ltmp24, $3  }
0x17e: {  	_ =	sdelay $0x1  }
0x17f: {  	s1 =	simm.s32 $0x30;
	v6, _, _ =	vpop (xrf2)  }
0x180: {  	s31 =	simm.s32 $0x4;
	p3 =	por $0x1, $0x1;
	s6 =	sand.u32 $0xFF0, s1;
	(v2sf) =	vpush v6, $0xF;
	(xrf2) =	vadd.scan.msk.f32 $0xffff, v5  }
0x181: {  	_ =	sdelay $0x1  }
0x182: {  	v5 =	vld [tilespmem:s6+$0xF500]  }
0x183: {  	v6, _, _ =	vpop (xrf2)  }
0x184: {  	(v2sf) =	vpush v6, $0xF;
	_ =	sdelay $0x2  }
0x185: {  	(xrf2) =	vadd.scan.msk.f32 $0xffff, v5;
	_ =	sdelay $0x1  }
0x186: {  	p0 =	por $0x0, $0x0  }
.Ltmp25:
0x187: {  	_ = 	snop;
	(pc) =	sbr.rel @p0 .LBB2_44-.Ltmp25, $3  }
0x188: {  	_ =	sdelay $0x1  }
0x189: {  	s1 =	simm.s32 $0x40  }
0x18a: {  	s5 =	simm.s32 $0x5;
	p4 =	por $0x1, $0x1;
	s6 =	sand.u32 $0xFF0, s1  }
0x18b: {  	v6, _, _ =	vpop (xrf2)  }
0x18c: {  	v5 =	vld [tilespmem:s6+$0xF500];
	(v2sf) =	vpush v6, $0xF;
	_ =	sdelay $0x1  }
0x18d: {  	p0 =	por $0x0, $0x0  }
.Ltmp26:
0x18e: {  	_ = 	snop;
	(pc) =	sbr.rel @p0 .LBB2_46-.Ltmp26, $4  }
0x18f: {  	s1 =	spop (v2sf);
	s20 =	simm.s32 $0x50;
	s3 =	simm.s32 $0x6  }
0x190: {  	s21 =	simm.s32 $0x0;
	s12 =	simm.s32 $0x0;
	s1 =	scvt.f32.s32 s1;
	(xrf2) =	vadd.scan.msk.f32 $0xffff, v5  }
0x191: {  	s19 =	simm.s32 $0x0;
	s4 =	simm.s32 $0x1;
	s13 =	simm.s32 $0x2  }
0x192: {  	s6 =	sand.u32 $0xFF0, s20;
	s30 =	sadd.s32 $0x0, s1;
	s1 =	simm.s32 $0x0  }
.LBB2_47:
0x193: {  	p6 =	seq.s32 s3, $0xFF;
	p0 =	sgt.s32 s26, s1;
	p5 =	sge.s32 s30, s26  }
0x194: {  	v5 =	vld [tilespmem:s6+$0xF500];
	s6 =	smov.u32 s28;
	s28 =	smov.u32 s31;
	s31 =	smov.u32 s5  }
0x195: {  	s5 =	smov.u32 s3;
	v6, _, _ =	vpop (xrf2);
	p0 =	por !p0, !p5  }
.Ltmp27:
0x196: {  	s1 =	ssub.s32 s26, s1;
	(v2sf) =	vpush v6, $0xF;
	p0 =	por !p0, !p0;
	(pc) =	sbr.rel @!p6 .LBB2_47-.Ltmp27, $4  }
0x197: {  	s8 =	spop (v2sf);
	s21 =	smov.u32 @p0 s1;
	s1 =	smov.u32 s30  }
0x198: {  	s19 =	smov.u32 @p0 s12;
	s12 =	smov.u32 s4;
	s8 =	scvt.f32.s32 s8  }
0x199: {  	s20 =	sadd.s32 $0x10, s20;
	s4 =	smov.u32 s13;
	s13 =	smov.u32 s6;
	(xrf2) =	vadd.scan.msk.f32 $0xffff, v5  }
0x19a: {  	s3 =	sadd.s32 $0x1, s3;
	s6 =	sand.u32 $0xFF0, s20;
	s30 =	sadd.s32 s8, s30  }
0x19b: {  	s20 =	smov.u32 s28;
	s28 =	smov.u32 s5;
	p6 =	por $0x1, $0x1  }
.LBB2_49:
0x19c: {  	v5 =	vld [tilespmem:s6+$0xF500];
	p0 =	sgt.s32 @p6 s26, s1;
	p5 =	sge.s32 @p6 s30, s26;
	s3 =	smov.u32 @p2 s20  }
0x19d: {  	s5 =	smov.u32 @p1 s31;
	s6 =	spop @p4 (v2sf);
	s1 =	ssub.s32 @p6 s26, s1  }
0x19e: {  	s8 =	smov.u32 @p4 s30;
	s31 =	simm.s32 $0x0;
	p0 =	por @p6 !p0, !p5  }
0x19f: {  	v6, _, _ =	vpop @p2 (xrf2);
	s6 =	scvt.f32.s32 @p4 s6;
	s8 =	smov.u32 @p4 s8;
	p0 =	por @p6 !p0, !p0  }
0x1a0: {  	(v2sf) =	vpush @p2 v6, $0xF;
	s0 =	smov.u32 @p1 s5;
	s5 =	smov.u32 s25;
	p0 =	por !p0, !p6  }
0x1a1: {  	s29 =	smov.u32 @p2 s3;
	s6 =	sadd.s32 @p4 s6, s30;
	s1 =	smov.u32 @p0 s21;
	(xrf2) =	vadd.scan.msk.f32 $0xffff, v5  }
0x1a2: {  	s12 =	smov.u32 @p0 s19;
	s19 =	smov.u32 s25;
	p0 =	sgt.s32 @p4 s26, s8  }
0x1a3: {  	s8 =	ssub.s32 @p4 s26, s8;
	s19 =	smov.u32 @p4 s6;
	s5 =	smov.u32 @p6 s1  }
0x1a4: {  	s1 =	smov.u32 @p4 s4;
	s4 =	smov.u32 s25;
	p5 =	sge.s32 @p4 s19, s26  }
0x1a5: {  	s6 =	smov.u32 s25;
	s4 =	smov.u32 @p6 s12;
	p0 =	por @p4 !p0, !p5  }
0x1a6: {  	s6 =	smov.u32 @p3 s13;
	s12 =	smov.u32 s25;
	v5, _, _ =	vpop @p1 (xrf2);
	p0 =	por @p4 !p0, !p0  }
0x1a7: {  	s13 =	smov.u32 s25;
	(v2sf) =	vpush @p1 v5, $0xF;
	s3 =	spop @p3 (v2sf);
	p0 =	por !p0, !p4  }
0x1a8: {  	s13 =	smov.u32 @p1 s0;
	s3 =	scvt.f32.s32 @p3 s3;
	s8 =	smov.u32 @p0 s5  }
0x1a9: {  	s5 =	smov.u32 @p3 s19;
	s1 =	smov.u32 @p0 s4;
	s4 =	smov.u32 @p3 s6  }
0x1aa: {  	s6 =	smov.u32 @p2 s29;
	s29 =	smov.u32 s25;
	s5 =	smov.u32 @p3 s5  }
0x1ab: {  	s4 =	smov.u32 @p3 s4;
	s3 =	sadd.s32 @p3 s3, s19;
	p0 =	sgt.s32 @p3 s26, s5;
	v5, _, _ =	vpop (xrf2)  }
0x1ac: {  	s5 =	ssub.s32 @p3 s26, s5;
	s12 =	smov.u32 @p3 s3;
	s3 =	smov.u32 s25;
	(v2sf) =	vpush v5, $0xF  }
0x1ad: {  	s3 =	smov.u32 @p4 s8;
	s8 =	smov.u32 s25;
	p5 =	sge.s32 @p3 s12, s26  }
0x1ae: {  	s0 =	smov.u32 @p2 s12;
	s8 =	smov.u32 @p4 s1;
	p0 =	por @p3 !p0, !p5  }
0x1af: {  	s1 =	smov.u32 @p2 s6;
	p0 =	por @p3 !p0, !p0;
	s6 =	spop @p2 (v2sf)  }
0x1b0: {  	s0 =	smov.u32 @p2 s0;
	p0 =	por !p0, !p3;
	s6 =	scvt.f32.s32 @p2 s6  }
0x1b1: {  	s1 =	smov.u32 @p2 s1;
	s5 =	smov.u32 @p0 s3;
	s4 =	smov.u32 @p0 s8  }
0x1b2: {  	s8 =	smov.u32 s25;
	s3 =	sadd.s32 @p2 s6, s12;
	s6 =	smov.u32 s25  }
0x1b3: {  	p0 =	sgt.s32 @p2 s26, s0;
	s0 =	ssub.s32 @p2 s26, s0;
	s6 =	smov.u32 @p2 s3  }
0x1b4: {  	s8 =	smov.u32 @p3 s5;
	s5 =	smov.u32 s25;
	p4 =	sge.s32 @p2 s6, s26  }
0x1b5: {  	s3 =	smov.u32 @p1 s13;
	s5 =	smov.u32 @p3 s4;
	p0 =	por @p2 !p0, !p4  }
0x1b6: {  	s3 =	smov.u32 @p1 s3;
	p0 =	por @p2 !p0, !p0;
	s4 =	spop @p1 (v2sf)  }
0x1b7: {  	s3 =	smov.u32 @p1 s3;
	p0 =	por !p0, !p2;
	s4 =	scvt.f32.s32 @p1 s4  }
0x1b8: {  	s0 =	smov.u32 @p0 s8;
	s8 =	smov.u32 @p1 s6;
	s1 =	smov.u32 @p0 s5  }
0x1b9: {  	s5 =	smov.u32 s25;
	s4 =	sadd.s32 @p1 s4, s6;
	s6 =	smov.u32 @p1 s8  }
0x1ba: {  	s5 =	smov.u32 @p1 s4;
	s4 =	smov.u32 s25;
	p0 =	sgt.s32 @p1 s26, s6  }
0x1bb: {  	p3 =	sge.s32 @p1 s5, s26;
	s4 =	smov.u32 @p2 s0;
	s21 =	spop (v2sf)  }
0x1bc: {  	s0 =	smov.u32 s25;
	p0 =	por @p1 !p0, !p3;
	s8 =	scvt.f32.s32 s21  }
0x1bd: {  	p4 =	sgt.s32 s26, s5;
	s0 =	smov.u32 @p2 s1;
	p0 =	por @p1 !p0, !p0  }
0x1be: {  	s1 =	ssub.s32 @p1 s26, s6;
	p0 =	por !p0, !p1;
	s30 =	sadd.s32 s8, s5  }
0x1bf: {  	s1 =	smov.u32 @p0 s4;
	s3 =	smov.u32 @p0 s0;
	p5 =	sge.s32 s30, s26  }
0x1c0: {  	s0 =	ssub.s32 s26, s5;
	s29 =	smov.u32 @p1 s1;
	p6 =	por !p4, !p5  }
0x1c1: {  	s25 =	smov.u32 @p1 s3;
	s1 =	sand.u32 $0xFF0, s31;
	p0 =	por !p6, !p6  }
0x1c2: {  	s29 =	smov.u32 @p0 s0;
	s25 =	smov.u32 @p0 s28;
	s0 =	simm.s32 $0x10  }
.LBB2_50:
0x1c3: {  	p0 =	seq.s32 s0, $0xFF0;
	[tilespmem:s1+$0xF500] =	vst v2;
	s1 =	smov.u32 s0;
	s0 =	sadd.s32 $0x10, s0  }
.Ltmp28:
0x1c4: {  	(pc) =	sbr.rel @!p0 .LBB2_50-.Ltmp28, $2  }
0x1c5: {  	_ =	sdelay $0x2  }
0x1c6: {  	s1 =	sand.u32 $0xFF0, s1  }
0x1c7: {  	s0 =	sshll.u32 s24, $0x8  }
0x1c8: {  	s25 =	sadd.s32 s0, s25  }
0x1c9: {  	[tilespmem:s1+$0xF500] =	vst v2;
	s24 =	simm.s32 $0x0;
	s1 =	simm.s32 $0x0;
	s0 =	simm.s32 $0x40;
	v5 =	vmov s25  }
.LBB2_52:
0x1ca: {  	p1 =	sne.s32 s0, $0x24BC0;
	v6 =	vld [tilespmem:s1+$0x0];
	_ =	sdelay $0x4  }
0x1cb: {  	v6 =	vand.u32 $0x7FFFFFFF, v6  }
0x1cc: {  	v7 =	vshrl.u32 v6, $0x7;
	v6 =	vshll.u32 v6, $0x4  }
0x1cd: {  	vm0 =	veq.s32 v7, v5;
	v6 =	vor.u32 v0, v6  }
0x1ce: {  	v6 =	vand.u32 $0x7FF, v6  }
.Ltmp29:
0x1cf: {  	(pc) =	sbr.rel @p1 .LBB2_52-.Ltmp29, $2  }
0x1d0: {  	_ =	sdelay $0x2  }
0x1d1: {  	s1 =	sshra.s32 s0, $0x2;
	s0 =	sadd.s32 $0x40, s0;
	[tilespmem:v6+s18+$0x0] =	vst.idx.add.f32.msk vm0, v3  }
0x1d2: {  	v6 =	vld [tilespmem:s1+$0x0];
	_ =	sdelay $0x4  }
0x1d3: {  	v6 =	vand.u32 $0x7FFFFFFF, v6  }
0x1d4: {  	v7 =	vshrl.u32 v6, $0x7;
	v6 =	vshll.u32 v6, $0x4  }
0x1d5: {  	vm0 =	veq.s32 v7, v5;
	v5 =	vor.u32 v0, v6  }
0x1d6: {  	v5 =	vand.u32 $0x7FF, v5;
	_ =	sdelay $0x4  }
0x1d7: {  	s0 =	sand.u32 $0x7F0, s24;
	[tilespmem:v5+s18+$0x0] =	vst.idx.add.f32.msk vm0, v3  }
0x1d8: {  	v5 =	vld [tilespmem:s0+$0xF500];
	_ =	sdelay $0x4  }
0x1d9: {  	(xrf2) =	vadd.scan.msk.f32 $0xffff, v5;
	_ =	sdelay $0x8  }
0x1da: {  	s13 =	simm.s32 $0x10  }
0x1db: {  	s0 =	sand.u32 $0x7F0, s13;
	v5, _, _ =	vpop (xrf2)  }
0x1dc: {  	(v2sf) =	vpush v5, $0xF;
	v5 =	vld [tilespmem:s0+$0xF500]  }
0x1dd: {  	s19 =	simm.s32 $0x20  }
0x1de: {  	s20 =	sand.u32 $0x7F0, s19  }
0x1df: {  	v6 =	vld [tilespmem:s20+$0xF500];
	_ =	sdelay $0x1  }
0x1e0: {  	(xrf2) =	vadd.scan.msk.f32 $0xffff, v5;
	_ =	sdelay $0x2  }
0x1e1: {  	(xrf2) =	vadd.scan.msk.f32 $0xffff, v6;
	_ =	sdelay $0x2  }
0x1e2: {  	s21 =	simm.s32 $0x30  }
0x1e3: {  	s0 =	sand.u32 $0x7F0, s21  }
0x1e4: {  	v5 =	vld [tilespmem:s0+$0xF500];
	_ =	sdelay $0x1  }
0x1e5: {  	v7, _, _ =	vpop (xrf2)  }
0x1e6: {  	s3 =	spop (v2sf);
	(v2sf) =	vpush v7, $0xF  }
0x1e7: {  	s26 =	simm.s32 $0x40  }
0x1e8: {  	s28 =	sand.u32 $0x7F0, s26;
	(xrf2) =	vadd.scan.msk.f32 $0xffff, v5;
	v5, _, _ =	vpop (xrf2)  }
0x1e9: {  	v6 =	vld [tilespmem:s28+$0xF500];
	(v2sf) =	vpush v5, $0xF;
	_ =	sdelay $0x2  }
0x1ea: {  	s1 =	simm.s32 $0x1  }
0x1eb: {  	s6 =	simm.s32 $0x2;
	s31 =	simm.s32 $0x4;
	s30 =	simm.s32 $0x5  }
0x1ec: {  	s4 =	simm.s32 $0x6;
	s26 =	simm.s32 $0x0;
	s8 =	scvt.f32.s32 s3;
	(xrf2) =	vadd.scan.msk.f32 $0xffff, v6  }
0x1ed: {  	s20 =	simm.s32 $0x0;
	s21 =	simm.s32 $0x0;
	s3 =	simm.s32 $0x50  }
0x1ee: {  	s0 =	simm.s32 $0x3;
	s5 =	sand.u32 $0x7F0, s3;
	s12 =	sadd.s32 $0x0, s8  }
.LBB2_54:
0x1ef: {  	p1 =	sne.s32 s4, $0x7F;
	p0 =	sgt.s32 s29, s20;
	p2 =	sge.s32 s12, s29  }
0x1f0: {  	v5 =	vld [tilespmem:s5+$0xF500];
	s5 =	smov.u32 s0;
	s0 =	smov.u32 s31;
	s31 =	smov.u32 s30  }
0x1f1: {  	s30 =	smov.u32 s4;
	v6, _, _ =	vpop (xrf2);
	p0 =	por !p0, !p2  }
.Ltmp30:
0x1f2: {  	s8 =	ssub.s32 s29, s20;
	(v2sf) =	vpush v6, $0xF;
	p0 =	por !p0, !p0;
	(pc) =	sbr.rel @p1 .LBB2_54-.Ltmp30, $4  }
0x1f3: {  	s20 =	smov.u32 s12;
	s13 =	spop (v2sf);
	s24 =	smov.u32 @p0 s8  }
0x1f4: {  	s26 =	smov.u32 @p0 s21;
	s21 =	smov.u32 s1;
	s8 =	scvt.f32.s32 s13  }
0x1f5: {  	s3 =	sadd.s32 $0x10, s3;
	s1 =	smov.u32 s6;
	s6 =	smov.u32 s5;
	(xrf2) =	vadd.scan.msk.f32 $0xffff, v5  }
0x1f6: {  	s4 =	sadd.s32 $0x1, s4;
	s5 =	sand.u32 $0x7F0, s3;
	s12 =	sadd.s32 s8, s12  }
0x1f7: {  	v5 =	vld [tilespmem:s5+$0xF500];
	_ =	sdelay $0x4  }
0x1f8: {  	(xrf2) =	vadd.scan.msk.f32 $0xffff, v5;
	_ =	sdelay $0x7  }
0x1f9: {  	v5, _, _ =	vpop (xrf2)  }
0x1fa: {  	(v2sf) =	vpush v5, $0xF;
	v5, _, _ =	vpop (xrf2)  }
0x1fb: {  	(v2sf) =	vpush v5, $0xF;
	v5, _, _ =	vpop (xrf2)  }
0x1fc: {  	(v2sf) =	vpush v5, $0xF;
	_ =	sdelay $0x8  }
0x1fd: {  	s8 =	sshll.u32 s23, $0xD;
	s28 =	rddreg [dreg:$0x5]  }
0x1fe: {  	s3 =	spop (v2sf);
	s8 =	sadd.s32 s28, s8;
	s28 =	simm.s32 $0x0  }
0x1ff: {  	[tilespmem:s18], [sflag:$0x2] =	stream.linear.gather [hbm4b:s8+s28], $0x10000, $0x38;
	[tilespmem:$0x1F580] =	vst v63  }
0x200: {  	s5 =	spop (v2sf)  }
0x201: {  	s13 =	spop (v2sf)  }
0x202: {  	s4 =	spop (v2sf)  }
0x203: {  	v5 =	vmov s28;
	s19 =	spop (v2sf)  }
0x204: {  	s8 =	smul.u32 $0x310, s23;
	v5 =	vshll.u32 v5, $0x1;
	_ =	swait.ge [sflag:s16], $0x10000  }
0x205: {  	v5 =	vor.u32 v1, v5;
	[sflag:s16] =	ssyncset.done $0x0;
	s2 =	rddreg [dreg:$0x6]  }
0x206: {  	v6 =	vor.u32 $0x1, v5;
	[sflag:s16] =	ssyncadd.s32 $0xFFFF0000;
	s8 =	sadd.s32 s2, s8  }
0x207: {  	[tilespmem:s17], [sflag:$0x2] =	stream.linear.gather [hbm4b:s8+s28], $0x1880, $0x38;
	[tilespmem:$0x1F580] =	vst v63  }
0x208: {  	_ =	swait.ge [sflag:s16], $0x1880  }
0x209: {  	[sflag:s16] =	ssyncset.done $0x0  }
0x20a: {  	[sflag:s16] =	ssyncadd.s32 $0xFFFFE780  }
0x20b: {  	v6 =	vld.idx.msk [tilespmem:v6+s17+$0x0], $0xffff  }
0x20c: {  	v5 =	vld.idx.msk [tilespmem:v5+s17+$0x0], $0xffff;
	_ =	sdelay $0x3  }
0x20d: {  	v7 =	vmul.f32 $1.120000000e+02, v6;
	v6 =	vmul.f32 $2.560000000e+02, v6  }
0x20e: {  	v8 =	vmul.f32 $1.120000000e+02, v5;
	v5 =	vmul.f32 $2.560000000e+02, v5  }
0x20f: {  	v13 =	vadd.f32 $-5.000000000e-01, v7;
	v15 =	vadd.f32 $-5.000000000e-01, v6  }
0x210: {  	v7 =	vadd.f32 $-5.000000000e-01, v8;
	v14 =	vadd.f32 $-5.000000000e-01, v5  }
0x211: {  	v5 =	vadd.f32 $1.000000000e+00, v13;
	v6 =	vadd.f32 $1.000000000e+00, v15  }
0x212: {  	v8 =	vadd.f32 $1.000000000e+00, v14;
	v9 =	vadd.f32 $1.000000000e+00, v7  }
0x213: {  	v5 =	vtrunc.f32 v5;
	v6 =	vtrunc.f32 v6  }
0x214: {  	s3 =	scvt.f32.s32 s3;
	v8 =	vtrunc.f32 v8;
	v9 =	vtrunc.f32 v9  }
0x215: {  	v16 =	vcvt.f32.s32 v5;
	v5 =	vcvt.f32.s32 v6  }
0x216: {  	p0 =	sgt.s32 s29, s20;
	p1 =	sge.s32 s12, s29;
	s3 =	sadd.s32 s3, s12;
	v18 =	vcvt.f32.s32 v9;
	v6 =	vcvt.f32.s32 v8  }
0x217: {  	p6 =	sgt.s32 s29, s12;
	p0 =	por !p0, !p1;
	p2 =	sge.s32 s3, s29;
	v17 =	vadd.s32 $0xFFFFFFFF, v16  }
0x218: {  	p1 =	por !p0, !p0;
	p0 =	por !p6, !p2;
	s5 =	scvt.f32.s32 s5;
	v9 =	vadd.s32 $0xFFFFFFFF, v5;
	v10 =	vadd.s32 $0xFFFFFFFF, v6;
	vm1 =	vlt.u32 v18, $0x70  }
0x219: {  	s26 =	smov.u32 @p1 s21;
	p2 =	sgt.s32 s29, s3;
	p0 =	por !p0, !p0;
	v11 =	vadd.s32 $0xFFFFFFFF, v18;
	vm4 =	vgt.s32 v6, $0x0;
	vm6 =	vgt.s32 v16, $0x0  }
0x21a: {  	s26 =	smov.u32 @p0 s1;
	s1 =	ssub.s32 s29, s3;
	s5 =	sadd.s32 s5, s3;
	vm15 =	vgt.s32 v5, $0x0;
	vm2 =	vlt.u32 v17, $0x70;
	vm0 =	vgt.s32 v17, $0x0  }
0x21b: {  	p3 =	sge.s32 s5, s29;
	p4 =	sgt.s32 s29, s5;
	s4 =	scvt.f32.s32 s4;
	vm3 =	vgt.s32 v10, $0x0;
	vm5 =	vgt.s32 v11, $0x0;
	vm7 =	vgt.s32 v9, $0x0  }
0x21c: {  	s21 =	scvt.f32.s32 s19;
	s2 =	scvt.f32.s32 s13;
	s8 =	ssub.s32 s29, s20;
	v23 =	vcvt.s32.f32 v10;
	v22 =	vnsel vm15, $0x0, v5;
	v27 =	vcvt.s32.f32 v9  }
0x21d: {  	s24 =	smov.u32 @p1 s8;
	s8 =	ssub.s32 s29, s12;
	p1 =	por !p2, !p3;
	v8 =	vnsel vm0, $0x0, v17;
	vm0 =	vlt.u32 v16, $0x70;
	v19 =	vnsel vm3, $0x0, v10  }
0x21e: {  	s13 =	sadd.s32 s2, s5;
	s5 =	ssub.s32 s29, s5;
	s24 =	smov.u32 @p0 s8;
	vm3 =	vgt.s32 v18, $0x0;
	v20 =	vnsel vm7, $0x0, v9;
	v17 =	vcvt.s32.f32 v17  }
0x21f: {  	p1 =	por !p1, !p1;
	p5 =	sge.s32 s13, s29;
	s20 =	sadd.s32 s4, s13;
	v16 =	vnsel vm6, $0x0, v16;
	v24 =	vnsel vm5, $0x0, v11;
	v8 =	vmin.u32 v8, $0x6F  }
0x220: {  	p6 =	sgt.s32 s29, s13;
	s3 =	ssub.s32 s29, s13;
	s24 =	smov.u32 @p1 s1;
	v21 =	vmin.u32 v19, $0xFF;
	v19 =	vnsel vm4, $0x0, v6;
	v20 =	vmin.u32 v20, $0xFF  }
0x221: {  	s26 =	smov.u32 @p1 s6;
	p0 =	por !p4, !p5;
	p3 =	sge.s32 s20, s29;
	v16 =	vmin.u32 v16, $0x6F;
	v24 =	vmin.u32 v24, $0x6F;
	v20 =	vshll.u32 v20, $0x8  }
0x222: {  	s4 =	sadd.s32 s21, s20;
	p5 =	sgt.s32 s29, s20;
	p1 =	por !p0, !p0;
	v14 =	vsub.f32 v14, v23;
	v15 =	vsub.f32 v15, v27;
	v26 =	vor.u32 v21, v20  }
0x223: {  	p4 =	por !p6, !p3;
	p6 =	sge.s32 s4, s29;
	s24 =	smov.u32 @p1 s5;
	v12 =	vmul.u32 $0x70, v8;
	v8 =	vor.u32 v5, v10;
	v25 =	vmin.u32 v19, $0xFF  }
0x224: {  	p2 =	por !p4, !p4;
	s26 =	smov.u32 @p1 s0;
	p0 =	por !p5, !p6;
	v19 =	vmul.u32 $0x70, v16;
	v16 =	vmin.u32 v22, $0xFF;
	v20 =	vor.u32 v25, v20  }
0x225: {  	s0 =	ssub.s32 s29, s20;
	s29 =	simm.s32 $0xE8C0;
	s24 =	smov.u32 @p2 s3;
	v13 =	vsub.f32 v13, v17;
	v16 =	vshll.u32 v16, $0x8;
	v22 =	vadd.s32 v24, v12  }
0x226: {  	s26 =	smov.u32 @p2 s31;
	p0 =	por !p0, !p0;
	s31 =	simm.s32 $0x10;
	v21 =	vor.u32 v21, v16;
	v17 =	vor.u32 v25, v16;
	v25 =	vnsel vm3, $0x0, v18  }
0x227: {  	s24 =	smov.u32 @p0 s0;
	s26 =	smov.u32 @p0 s30;
	s30 =	simm.s32 $0xE8C0;
	v16 =	vsub.f32 $1.000000000e+00, v13;
	v18 =	vadd.s32 v24, v19;
	v24 =	vmin.u32 v25, $0x6F;
	v23 =	vld.idx.msk [tilespmem:v26+s18+$0x0], $0xffff  }
.LBB2_56:
0x228: {  	p1 =	sne.s32 s31, $0xC30  }
0x229: {  	v25 =	vcvt.s32.f32 v11;
	v12 =	vadd.s32 v24, v12;
	v26 =	vor.u32 v6, v9;
	v20 =	vld.idx.msk [tilespmem:v20+s18+$0x0], $0xffff;
	s30 =	sadd.s32 $0x10, s30;
	s0 =	smov.u32 s31;
	s31 =	sadd.s32 $0x10, s31  }
0x22a: {  	v19 =	vadd.s32 v24, v19;
	v24 =	vsub.f32 $1.000000000e+00, v14;
	v27 =	vsub.f32 $1.000000000e+00, v15  }
0x22b: {  	vm3 =	vlt.u32 v11, $0x70;
	v28 =	vmov s0;
	v7 =	vsub.f32 v7, v25;
	v11 =	vld.idx.msk [tilespmem:v22+s15+$0x0], $0xffff  }
0x22c: {  	v9 =	vor.u32 v10, v9;
	v22 =	vshll.u32 v28, $0x1;
	v10 =	vmul.f32 v27, v24;
	v21 =	vld.idx.msk [tilespmem:v21+s18+$0x0], $0xffff  }
0x22d: {  	v22 =	vor.u32 v1, v22;
	v27 =	vmul.f32 v27, v14;
	v25 =	vmul.f32 v16, v7;
	v17 =	vld.idx.msk [tilespmem:v17+s18+$0x0], $0xffff  }
0x22e: {  	v28 =	vor.u32 $0x1, v22;
	v29 =	vsub.f32 $1.000000000e+00, v7;
	v12 =	vld.idx.msk [tilespmem:v12+s15+$0x0], $0xffff;
	v10 =	vmul.f32 v10, v23  }
0x22f: {  	vm4 =	vmand vm3, vm2;
	v7 =	vmul.f32 v13, v7;
	v20 =	vmul.f32 v27, v20  }
0x230: {  	vm5 =	vlt.u32 v26, $0x100;
	v23 =	vmul.f32 v24, v15;
	v16 =	vmul.f32 v16, v29;
	v18 =	vld.idx.msk [tilespmem:v18+s15+$0x0], $0xffff  }
0x231: {  	vm6 =	vlt.u32 v9, $0x100;
	v9 =	vadd.f32 $0.0e+00, v10;
	v10 =	vmul.f32 v15, v14  }
0x232: {  	v15 =	vnsel vm5, $0x0, v20;
	v11 =	vmul.f32 v16, v11;
	v16 =	vmul.f32 v23, v21;
	v14 =	vld.idx.msk [tilespmem:v19+s15+$0x0], $0xffff  }
0x233: {  	v13 =	vmul.f32 v29, v13;
	vm5 =	vlt.u32 v8, $0x100;
	v9 =	vnsel vm6, $0x0, v9  }
0x234: {  	v8 =	vadd.f32 $0.0e+00, v11;
	v11 =	vmul.f32 v25, v12;
	v12 =	vnsel vm5, $0x0, v16  }
0x235: {  	vm2 =	vmand vm1, vm2;
	v10 =	vmul.f32 v17, v10;
	v9 =	vadd.f32 v9, v15  }
0x236: {  	v8 =	vnsel vm4, $0x0, v8;
	v11 =	vnsel vm2, $0x0, v11;
	v13 =	vmul.f32 v13, v18  }
0x237: {  	vm2 =	vmand vm3, vm0;
	v9 =	vadd.f32 v9, v12;
	v8 =	vadd.f32 v8, v11  }
0x238: {  	vm0 =	vmand vm1, vm0;
	v11 =	vnsel vm2, $0x0, v13;
	v7 =	vmul.f32 v7, v14  }
0x239: {  	v5 =	vor.u32 v6, v5;
	v8 =	vadd.f32 v8, v11  }
0x23a: {  	v6 =	vnsel vm0, $0x0, v7;
	vm0 =	vlt.u32 v5, $0x100  }
0x23b: {  	v5 =	vadd.f32 v8, v6;
	v6 =	vnsel vm0, $0x0, v10  }
0x23c: {  	s1 =	sand.u32 $0xFF0, s28;
	s28 =	smov.u32 s0;
	v6 =	vadd.f32 v9, v6  }
0x23d: {  	[tilespmem:s1+$0xDC80] =	vst v5  }
0x23e: {  	[tilespmem:s29+$0x0] =	vst v6;
	s29 =	smov.u32 s30  }
0x23f: {  	v5 =	vld.idx.msk [tilespmem:v28+s17+$0x0], $0xffff  }
0x240: {  	v6 =	vld.idx.msk [tilespmem:v22+s17+$0x0], $0xffff;
	_ =	sdelay $0x4  }
0x241: {  	v7 =	vmul.f32 $1.120000000e+02, v5;
	v5 =	vmul.f32 $2.560000000e+02, v5  }
0x242: {  	v8 =	vmul.f32 $1.120000000e+02, v6;
	v6 =	vmul.f32 $2.560000000e+02, v6  }
0x243: {  	v13 =	vadd.f32 $-5.000000000e-01, v7;
	v15 =	vadd.f32 $-5.000000000e-01, v5  }
0x244: {  	v7 =	vadd.f32 $-5.000000000e-01, v8;
	v14 =	vadd.f32 $-5.000000000e-01, v6  }
0x245: {  	v5 =	vadd.f32 $1.000000000e+00, v13;
	v6 =	vadd.f32 $1.000000000e+00, v15  }
0x246: {  	v8 =	vadd.f32 $1.000000000e+00, v7;
	v9 =	vadd.f32 $1.000000000e+00, v14  }
0x247: {  	v5 =	vtrunc.f32 v5;
	v6 =	vtrunc.f32 v6  }
0x248: {  	v16 =	vcvt.f32.s32 v5;
	v9 =	vtrunc.f32 v9  }
0x249: {  	v8 =	vtrunc.f32 v8;
	v5 =	vcvt.f32.s32 v6  }
0x24a: {  	v18 =	vcvt.f32.s32 v8;
	v6 =	vcvt.f32.s32 v9;
	v17 =	vadd.s32 $0xFFFFFFFF, v16  }
0x24b: {  	v9 =	vadd.s32 $0xFFFFFFFF, v5;
	vm2 =	vlt.u32 v17, $0x70;
	vm0 =	vgt.s32 v17, $0x0  }
0x24c: {  	v10 =	vadd.s32 $0xFFFFFFFF, v6;
	v8 =	vnsel vm0, $0x0, v17;
	vm0 =	vlt.u32 v16, $0x70  }
0x24d: {  	vm1 =	vlt.u32 v18, $0x70;
	vm3 =	vgt.s32 v10, $0x0;
	v8 =	vmin.u32 v8, $0x6F  }
0x24e: {  	v19 =	vnsel vm3, $0x0, v10;
	v12 =	vmul.u32 $0x70, v8;
	v8 =	vor.u32 v5, v10  }
0x24f: {  	v11 =	vadd.s32 $0xFFFFFFFF, v18;
	vm4 =	vgt.s32 v6, $0x0;
	v21 =	vmin.u32 v19, $0xFF  }
0x250: {  	vm6 =	vgt.s32 v16, $0x0;
	vm5 =	vgt.s32 v11, $0x0;
	vm3 =	vgt.s32 v18, $0x0  }
0x251: {  	vm7 =	vgt.s32 v9, $0x0;
	v19 =	vnsel vm4, $0x0, v6;
	vm4 =	vgt.s32 v5, $0x0  }
0x252: {  	v23 =	vcvt.s32.f32 v10;
	v20 =	vnsel vm7, $0x0, v9;
	v22 =	vnsel vm4, $0x0, v5  }
0x253: {  	v17 =	vcvt.s32.f32 v17;
	v16 =	vnsel vm6, $0x0, v16;
	v20 =	vmin.u32 v20, $0xFF  }
0x254: {  	v24 =	vnsel vm5, $0x0, v11;
	v20 =	vshll.u32 v20, $0x8;
	v25 =	vmin.u32 v19, $0xFF  }
0x255: {  	v16 =	vmin.u32 v16, $0x6F;
	v26 =	vor.u32 v21, v20;
	v20 =	vor.u32 v25, v20  }
.Ltmp31:
0x256: {  	v27 =	vcvt.s32.f32 v9;
	v19 =	vmul.u32 $0x70, v16;
	v16 =	vmin.u32 v22, $0xFF;
	(pc) =	sbr.rel @p1 .LBB2_56-.Ltmp31, $4  }
0x257: {  	v13 =	vsub.f32 v13, v17;
	v24 =	vmin.u32 v24, $0x6F;
	v16 =	vshll.u32 v16, $0x8  }
0x258: {  	v22 =	vadd.s32 v24, v12;
	v21 =	vor.u32 v21, v16;
	v17 =	vor.u32 v25, v16  }
0x259: {  	v16 =	vsub.f32 $1.000000000e+00, v13;
	v25 =	vnsel vm3, $0x0, v18;
	v18 =	vadd.s32 v24, v19  }
0x25a: {  	v15 =	vsub.f32 v15, v27;
	v14 =	vsub.f32 v14, v23;
	v24 =	vmin.u32 v25, $0x6F;
	v23 =	vld.idx.msk [tilespmem:v26+s18+$0x0], $0xffff  }
0x25b: {  	_ = 	snop  }
0x25c: {  	v25 =	vcvt.s32.f32 v11;
	v12 =	vadd.s32 v24, v12  }
0x25d: {  	v19 =	vadd.s32 v24, v19  }
0x25e: {  	vm3 =	vlt.u32 v11, $0x70;
	v10 =	vor.u32 v10, v9;
	v7 =	vsub.f32 v7, v25  }
0x25f: {  	v47 =	vld.idx.msk [tilespmem:v22+s15+$0x0], $0xffff;
	v52 =	vor.u32 v6, v9;
	vm11 =	vlt.u32 v8, $0x100;
	v26 =	vsub.f32 $1.000000000e+00, v14  }
0x260: {  	v20 =	vld.idx.msk [tilespmem:v20+s18+$0x0], $0xffff;
	vm12 =	vmand vm1, vm2;
	v27 =	vsub.f32 $1.000000000e+00, v15;
	v51 =	vsub.f32 $1.000000000e+00, v7  }
0x261: {  	vm14 =	vmand vm1, vm0;
	v5 =	vor.u32 v6, v5;
	v57 =	vmul.f32 v15, v14;
	v12 =	vld.idx.msk [tilespmem:v12+s15+$0x0], $0xffff  }
0x262: {  	v21 =	vld.idx.msk [tilespmem:v21+s18+$0x0], $0xffff;
	vm4 =	vmand vm3, vm2;
	v48 =	vmul.f32 v27, v26;
	v53 =	vmul.f32 v16, v51  }
0x263: {  	v18 =	vld.idx.msk [tilespmem:v18+s15+$0x0], $0xffff;
	vm5 =	vlt.u32 v52, $0x100;
	v50 =	vmul.f32 v27, v14;
	v54 =	vmul.f32 v26, v15  }
0x264: {  	vm6 =	vlt.u32 v10, $0x100;
	v49 =	vmul.f32 v16, v7;
	v11 =	vmul.f32 v53, v47  }
0x265: {  	vm13 =	vmand vm3, vm0;
	v7 =	vmul.f32 v13, v7;
	v22 =	vmul.f32 v48, v23;
	v58 =	vld.idx.msk [tilespmem:v19+s15+$0x0], $0xffff  }
0x266: {  	v55 =	vld.idx.msk [tilespmem:v17+s18+$0x0], $0xffff;
	v60 =	vmul.f32 v51, v13;
	v8 =	vadd.f32 $0.0e+00, v11;
	v61 =	vmul.f32 v49, v12  }
0x267: {  	v20 =	vmul.f32 v50, v20;
	v9 =	vmul.f32 v54, v21;
	v56 =	vadd.f32 $0.0e+00, v22  }
0x268: {  	v13 =	vmul.f32 v60, v18;
	v8 =	vnsel vm4, $0x0, v8;
	v11 =	vnsel vm12, $0x0, v61  }
0x269: {  	v59 =	vnsel vm5, $0x0, v20;
	v62 =	vnsel vm6, $0x0, v56;
	v8 =	vadd.f32 v8, v11  }
0x26a: {  	v12 =	vadd.f32 v62, v59;
	v63 =	vnsel vm13, $0x0, v13;
	v7 =	vmul.f32 v7, v58  }
0x26b: {  	v10 =	vmul.f32 v55, v57;
	v9 =	vnsel vm11, $0x0, v9;
	v8 =	vadd.f32 v8, v63  }
0x26c: {  	s0 =	smul.u32 $0x3100, s23;
	vm15 =	vlt.u32 v5, $0x100;
	v6 =	vadd.f32 v12, v9;
	v7 =	vnsel vm14, $0x0, v7  }
0x26d: {  	v5 =	vadd.f32 v8, v7;
	v7 =	vnsel vm15, $0x0, v10  }
0x26e: {  	s1 =	sand.u32 $0xFF0, s28;
	s23 =	sshrl.u32 s0, $0x3;
	v6 =	vadd.f32 v6, v7  }
0x26f: {  	s0 =	sadd.s32 $0x498, s23;
	[tilespmem:s1+$0xDC80] =	vst v5  }
0x270: {  	s28 =	simm.s32 $0x0;
	s2 =	simm.s32 $0xDC80;
	s21 =	sadd.s32 s9, s0;
	[tilespmem:s29+$0x0] =	vst v6  }
0x271: {  	[hbm4b:s21+s28] =	stream.linear.scatter [tilespmem:s2], [sflag:$0x2], $0xC40, $0x38;
	[tilespmem:$0x1F580] =	vst v63  }
0x272: {  	_ =	swait.ge [sflag:s16], $0xC40  }
0x273: {  	[sflag:s16] =	ssyncset.done $0x0  }
0x274: {  	s30 =	simm.s32 $0xE8C0;
	s0 =	sadd.s32 s10, s0;
	[sflag:s16] =	ssyncadd.s32 $0xFFFFF3C0  }
0x275: {  	[hbm4b:s0+s28] =	stream.linear.scatter [tilespmem:s30], [sflag:$0x2], $0xC40, $0x38;
	[tilespmem:$0x1F580] =	vst v63  }
0x276: {  	s31 =	sshll.u32 s25, $0x7;
	s25 =	simm.s32 $0x0;
	_ =	swait.ge [sflag:s16], $0xC40  }
0x277: {  	s29 =	simm.s32 $0x0;
	s0 =	sadd.s32 s31, s26;
	[sflag:s16] =	ssyncset.done $0x0  }
0x278: {  	v6 =	vmov s24;
	s24 =	simm.s32 $0x0;
	s26 =	simm.s32 $0x0;
	v5 =	vmov s0;
	[sflag:s16] =	ssyncadd.s32 $0xFFFFF3C0  }
.LBB2_58:
0x279: {  	s0 =	smul.u32 $0x3100, s24  }
0x27a: {  	v7 =	vmov s28  }
0x27b: {  	v7 =	vshll.u32 v7, $0x1;
	s0 =	sadd.s32 s22, s0  }
0x27c: {  	v7 =	vor.u32 v1, v7;
	s0 =	sshrl.u32 s0, $0x3  }
0x27d: {  	v8 =	vor.u32 $0x1, v7;
	s0 =	sadd.s32 s7, s0  }
0x27e: {  	[tilespmem:s17], [sflag:$0x2] =	stream.linear.gather [hbm4b:s0+s28], $0x3100, $0x38;
	[tilespmem:$0x1F580] =	vst v63  }
0x27f: {  	_ =	swait.ge [sflag:s16], $0x3100  }
0x280: {  	[sflag:s16] =	ssyncset.done $0x0  }
0x281: {  	[sflag:s16] =	ssyncadd.s32 $0xFFFFCF00  }
0x282: {  	v8 =	vld.idx.msk [tilespmem:v8+s17+$0x0], $0xffff  }
0x283: {  	v7 =	vld.idx.msk [tilespmem:v7+s17+$0x0], $0xffff;
	_ =	sdelay $0x3  }
0x284: {  	v8 =	vmul.f32 $2.560000000e+02, v8  }
0x285: {  	s31 =	sadd.s32 $0x0, s25;
	v7 =	vmul.f32 $2.560000000e+02, v7  }
0x286: {  	s1 =	sand.u32 $0x70, s28;
	s0 =	sand.u32 $0x1FF80, s31;
	v9 =	vadd.f32 $-5.000000000e-01, v8  }
0x287: {  	s0 =	sor.u32 s1, s0;
	v10 =	vadd.f32 $-5.000000000e-01, v7  }
0x288: {  	v12 =	vld [tilespmem:s0+$0x0];
	v7 =	vadd.f32 $1.000000000e+00, v9  }
0x289: {  	v8 =	vadd.f32 $1.000000000e+00, v10  }
0x28a: {  	v7 =	vtrunc.f32 v7  }
0x28b: {  	v8 =	vtrunc.f32 v8;
	v7 =	vcvt.f32.s32 v7  }
0x28c: {  	v8 =	vcvt.f32.s32 v8  }
0x28d: {  	v13 =	vand.u32 $0x7FFFFFFF, v12;
	v11 =	vadd.s32 $0xFFFFFFFF, v7  }
0x28e: {  	vm0 =	veq.s32 v5, v13;
	v14 =	vadd.s32 $0xFFFFFFFF, v8;
	vm1 =	vgt.s32 v11, $0x0  }
0x28f: {  	v16 =	vsel vm0, $0x1, v4;
	v15 =	vnsel vm1, $0x0, v11;
	vm1 =	vgt.s32 v14, $0x0  }
0x290: {  	v20 =	vcvt.s32.f32 v14;
	v15 =	vmin.u32 v15, $0xFF;
	v17 =	vnsel vm1, $0x0, v14  }
0x291: {  	(xrf0) =	vadd.scan.msk.s32 $0xffff, v16;
	vm1 =	vgt.s32 v8, $0x0;
	v15 =	vshll.u32 v15, $0x8;
	v17 =	vmin.u32 v17, $0xFF  }
0x292: {  	v18 =	vnsel vm1, $0x0, v8;
	vm1 =	vgt.s32 v7, $0x0;
	v16 =	vor.u32 v17, v15  }
0x293: {  	v21 =	vcvt.s32.f32 v11;
	v18 =	vmin.u32 v18, $0xFF;
	v19 =	vnsel vm1, $0x0, v7  }
0x294: {  	v15 =	vor.u32 v18, v15;
	v19 =	vmin.u32 v19, $0xFF  }
0x295: {  	v20 =	vsub.f32 v10, v20;
	v21 =	vsub.f32 v9, v21;
	v19 =	vshll.u32 v19, $0x8  }
0x296: {  	v22 =	vsel vm0, $0xFFFFFFFF, v4;
	v17 =	vor.u32 v17, v19  }
0x297: {  	v9 =	vadd.s32 s29, v22;
	v59 =	vsub.f32 $1.000000000e+00, v20;
	v23 =	vsub.f32 $1.000000000e+00, v21;
	v10 =	vld.idx.msk [tilespmem:v16+s18+$0x0], $0xffff;
	v16, _, _ =	vpop (xrf0)  }
0x298: {  	vm1 =	vgt.u32 v5, v13;
	v13 =	vor.u32 v18, v19;
	v9 =	vadd.s32 v16, v9  }
0x299: {  	v15 =	vld.idx.msk [tilespmem:v15+s18+$0x0], $0xffff;
	(v2sf) =	vpush v16, $0xF;
	vm2 =	vlt.s32 v9, v6  }
0x29a: {  	v16 =	vmul.f32 v23, v59;
	vm0 =	vmand vm0, vm2  }
0x29b: {  	s0 =	simm.s32 $0x10;
	v62 =	vor.u32 v14, v11;
	v60 =	vmul.f32 v23, v20;
	v17 =	vld.idx.msk [tilespmem:v17+s18+$0x0], $0xffff;
	vm0 =	vmor vm1, vm0  }
0x29c: {  	v9 =	vmov s0;
	v16 =	vmul.f32 v16, v10;
	v61 =	vsel vm0, $0x1, v4  }
0x29d: {  	v63 =	vor.u32 v8, v11;
	v11 =	vor.u32 v7, v14;
	v9 =	vshll.u32 v9, $0x1;
	v10 =	vld.idx.msk [tilespmem:v13+s18+$0x0], $0xffff;
	(xrf0) =	vadd.scan.msk.s32 $0xffff, v61  }
0x29e: {  	v15 =	vmul.f32 v60, v15;
	v13 =	vadd.f32 $0.0e+00, v16;
	v16 =	vmul.f32 v59, v21  }
0x29f: {  	vm2 =	vlt.u32 v63, $0x100;
	vm1 =	vlt.u32 v62, $0x100;
	[tilespmem:s26+$0x0] =	vst.msk vm0, v12;
	v12 =	vmul.f32 v21, v20  }
0x2a0: {  	s6 =	simm.s32 $0x20;
	v15 =	vnsel vm2, $0x0, v15;
	v14 =	vnsel vm1, $0x0, v13;
	v13 =	vmul.f32 v16, v17  }
.LBB2_59:
0x2a1: {  	p1 =	sne.s32 s6, $0x1870;
	v9 =	vor.u32 v1, v9;
	v14 =	vadd.f32 v14, v15;
	vm1 =	vlt.u32 v11, $0x100  }
0x2a2: {  	v11 =	vnsel vm1, $0x0, v13;
	v13 =	vor.u32 v8, v7;
	v8 =	vmul.f32 v12, v10  }
0x2a3: {  	v10 =	vor.u32 $0x1, v9;
	v11 =	vadd.f32 v14, v11;
	vm1 =	vlt.u32 v13, $0x100;
	v7, _, _ =	vpop (xrf0)  }
0x2a4: {  	v8 =	vnsel vm1, $0x0, v8;
	(v2sf) =	vpush v7, $0xF  }
0x2a5: {  	v7 =	vadd.f32 v11, v8;
	_ =	sdelay $0x1  }
0x2a6: {  	[tilespmem:s26+$0x9300] =	vst.msk vm0, v7  }
0x2a7: {  	v7 =	vld.idx.msk [tilespmem:v10+s17+$0x0], $0xffff;
	s1 =	spop (v2sf)  }
0x2a8: {  	v8 =	vld.idx.msk [tilespmem:v9+s17+$0x0], $0xffff;
	s29 =	sadd.s32 s29, s1;
	_ =	sdelay $0x4  }
0x2a9: {  	v7 =	vmul.f32 $2.560000000e+02, v7  }
0x2aa: {  	v8 =	vmul.f32 $2.560000000e+02, v8  }
0x2ab: {  	s1 =	sadd.s32 s0, s25;
	v9 =	vadd.f32 $-5.000000000e-01, v7  }
0x2ac: {  	s3 =	sand.u32 $0x70, s0;
	s0 =	smov.u32 s6;
	s1 =	sand.u32 $0x1FF80, s1;
	v10 =	vadd.f32 $-5.000000000e-01, v8  }
0x2ad: {  	s1 =	sor.u32 s3, s1;
	v7 =	vadd.f32 $1.000000000e+00, v9  }
0x2ae: {  	v8 =	vadd.f32 $1.000000000e+00, v10;
	v11 =	vld [tilespmem:s1+$0x0];
	s1 =	spop (v2sf)  }
0x2af: {  	v7 =	vtrunc.f32 v7;
	s26 =	sadd.s32 s26, s1  }
0x2b0: {  	v8 =	vtrunc.f32 v8;
	v7 =	vcvt.f32.s32 v7  }
0x2b1: {  	v8 =	vcvt.f32.s32 v8  }
0x2b2: {  	v12 =	vadd.s32 $0xFFFFFFFF, v7  }
0x2b3: {  	v14 =	vadd.s32 $0xFFFFFFFF, v8;
	vm1 =	vgt.s32 v12, $0x0;
	v13 =	vand.u32 $0x7FFFFFFF, v11  }
0x2b4: {  	v15 =	vnsel vm1, $0x0, v12;
	vm1 =	vgt.s32 v14, $0x0;
	vm0 =	veq.s32 v5, v13  }
0x2b5: {  	v15 =	vmin.u32 v15, $0xFF;
	v17 =	vnsel vm1, $0x0, v14;
	v16 =	vsel vm0, $0x1, v4  }
0x2b6: {  	vm1 =	vgt.s32 v8, $0x0;
	v15 =	vshll.u32 v15, $0x8;
	v17 =	vmin.u32 v17, $0xFF  }
0x2b7: {  	v19 =	vnsel vm1, $0x0, v8;
	vm1 =	vgt.s32 v7, $0x0;
	v18 =	vor.u32 v17, v15;
	(xrf0) =	vadd.scan.msk.s32 $0xffff, v16  }
0x2b8: {  	v19 =	vmin.u32 v19, $0xFF;
	v20 =	vnsel vm1, $0x0, v7;
	v16 =	vsel vm0, $0xFFFFFFFF, v4  }
0x2b9: {  	vm1 =	vgt.u32 v5, v13;
	v13 =	vor.u32 v19, v15;
	v15 =	vmin.u32 v20, $0xFF  }
0x2ba: {  	v21 =	vcvt.s32.f32 v12;
	v20 =	vcvt.s32.f32 v14;
	v15 =	vshll.u32 v15, $0x8  }
0x2bb: {  	v17 =	vor.u32 v17, v15  }
0x2bc: {  	v21 =	vsub.f32 v9, v21;
	v20 =	vsub.f32 v10, v20;
	v10 =	vld.idx.msk [tilespmem:v18+s18+$0x0], $0xffff  }
0x2bd: {  	v9 =	vadd.s32 s29, v16;
	v15 =	vor.u32 v19, v15;
	v16, _, _ =	vpop (xrf0)  }
0x2be: {  	v19 =	vsub.f32 $1.000000000e+00, v21;
	v18 =	vsub.f32 $1.000000000e+00, v20;
	v9 =	vadd.s32 v16, v9;
	v13 =	vld.idx.msk [tilespmem:v13+s18+$0x0], $0xffff  }
0x2bf: {  	vm2 =	vlt.s32 v9, v6;
	(v2sf) =	vpush v16, $0xF  }
0x2c0: {  	v9 =	vmov s6;
	v16 =	vmul.f32 v19, v18;
	vm0 =	vmand vm0, vm2;
	v17 =	vld.idx.msk [tilespmem:v17+s18+$0x0], $0xffff  }
0x2c1: {  	v9 =	vshll.u32 v9, $0x1;
	vm0 =	vmor vm1, vm0  }
.Ltmp32:
0x2c2: {  	v19 =	vmul.f32 v19, v20;
	v16 =	vmul.f32 v16, v10;
	v10 =	vld.idx.msk [tilespmem:v15+s18+$0x0], $0xffff;
	[tilespmem:s26+$0x0] =	vst.msk vm0, v11;
	v15 =	vsel vm0, $0x1, v4;
	(pc) =	sbr.rel @p1 .LBB2_59-.Ltmp32, $4  }
0x2c3: {  	v22 =	vor.u32 v14, v12;
	v12 =	vor.u32 v8, v12;
	v11 =	vor.u32 v7, v14;
	(xrf0) =	vadd.scan.msk.s32 $0xffff, v15  }
0x2c4: {  	v14 =	vadd.f32 $0.0e+00, v16;
	v13 =	vmul.f32 v19, v13;
	v16 =	vmul.f32 v18, v21  }
0x2c5: {  	vm2 =	vlt.u32 v12, $0x100;
	v12 =	vmul.f32 v21, v20;
	vm1 =	vlt.u32 v22, $0x100  }
0x2c6: {  	s6 =	sadd.s32 $0x10, s6;
	v14 =	vnsel vm1, $0x0, v14;
	v15 =	vnsel vm2, $0x0, v13;
	v13 =	vmul.f32 v16, v17  }
0x2c7: {  	v14 =	vadd.f32 v14, v15;
	vm1 =	vlt.u32 v11, $0x100  }
0x2c8: {  	v7 =	vor.u32 v8, v7;
	v8 =	vmul.f32 v12, v10;
	v11 =	vnsel vm1, $0x0, v13  }
0x2c9: {  	vm5 =	vlt.u32 v7, $0x100;
	v46 =	vadd.f32 v14, v11  }
0x2ca: {  	v7 =	vnsel vm5, $0x0, v8  }
0x2cb: {  	s1 =	sadd.s32 s0, s25;
	v8 =	vor.u32 v1, v9;
	v7 =	vadd.f32 v46, v7  }
0x2cc: {  	s21 =	sand.u32 $0x70, s0;
	s1 =	sand.u32 $0x1FF80, s1;
	v9 =	vor.u32 $0x1, v8  }
0x2cd: {  	s0 =	sor.u32 s21, s1;
	[tilespmem:s26+$0x9300] =	vst.msk vm0, v7  }
0x2ce: {  	v7 =	vld [tilespmem:s0+$0x0];
	_ =	sdelay $0x2  }
0x2cf: {  	v9 =	vld.idx.msk [tilespmem:v9+s17+$0x0], $0xffff  }
0x2d0: {  	v8 =	vld.idx.msk [tilespmem:v8+s17+$0x0], $0xffff  }
0x2d1: {  	v47 =	vand.u32 $0x7FFFFFFF, v7  }
0x2d2: {  	vm6 =	veq.s32 v5, v47  }
0x2d3: {  	v48 =	vsel vm6, $0x1, v4  }
0x2d4: {  	v9 =	vmul.f32 $2.560000000e+02, v9;
	(xrf0) =	vadd.scan.msk.s32 $0xffff, v48  }
0x2d5: {  	v8 =	vmul.f32 $2.560000000e+02, v8  }
0x2d6: {  	v9 =	vadd.f32 $-5.000000000e-01, v9  }
0x2d7: {  	v8 =	vadd.f32 $-5.000000000e-01, v8  }
0x2d8: {  	s30 =	spop (v2sf);
	v49 =	vadd.f32 $1.000000000e+00, v9  }
0x2d9: {  	v50, _, _ =	vpop (xrf0);
	s0 =	sadd.s32 s29, s30;
	v52 =	vsel vm6, $0xFFFFFFFF, v4;
	v51 =	vadd.f32 $1.000000000e+00, v8  }
0x2da: {  	v14 =	vadd.s32 s0, v52;
	v11 =	vtrunc.f32 v49;
	v53, _, _ =	vpop (xrf0)  }
0x2db: {  	v13 =	vtrunc.f32 v51;
	v11 =	vcvt.f32.s32 v11;
	v14 =	vadd.s32 v53, v14  }
0x2dc: {  	v13 =	vcvt.f32.s32 v13;
	vm7 =	vlt.s32 v14, v6  }
0x2dd: {  	vm2 =	vgt.u32 v5, v47;
	v54 =	vadd.s32 $0xFFFFFFFF, v11;
	vm0 =	vmand vm6, vm7  }
0x2de: {  	v55 =	vadd.s32 $0xFFFFFFFF, v13;
	vm8 =	vgt.s32 v54, $0x0;
	vm0 =	vmor vm2, vm0  }
0x2df: {  	vm9 =	vgt.s32 v55, $0x0;
	v16 =	vnsel vm8, $0x0, v54;
	v17 =	vsel vm0, $0x1, v4  }
0x2e0: {  	(v2sf) =	vpush v50, $0xF;
	v18 =	vnsel vm9, $0x0, v55;
	v16 =	vmin.u32 v16, $0xFF;
	(xrf0) =	vadd.scan.msk.s32 $0xffff, v17  }
0x2e1: {  	vm10 =	vgt.s32 v13, $0x0;
	v56 =	vmin.u32 v18, $0xFF;
	v16 =	vshll.u32 v16, $0x8  }
0x2e2: {  	v19 =	vnsel vm10, $0x0, v13;
	vm11 =	vgt.s32 v11, $0x0;
	v18 =	vor.u32 v56, v16  }
0x2e3: {  	v21 =	vcvt.s32.f32 v55;
	v19 =	vmin.u32 v19, $0xFF;
	v20 =	vnsel vm11, $0x0, v11  }
0x2e4: {  	v22 =	vcvt.s32.f32 v54;
	v20 =	vmin.u32 v20, $0xFF;
	v16 =	vor.u32 v19, v16  }
0x2e5: {  	(v2sf) =	vpush v53, $0xF;
	v57 =	vshll.u32 v20, $0x8  }
0x2e6: {  	v8 =	vsub.f32 v8, v21;
	v9 =	vsub.f32 v9, v22;
	v17 =	vor.u32 v56, v57;
	v58, _, _ =	vpop (xrf0)  }
0x2e7: {  	v18 =	vld.idx.msk [tilespmem:v18+s18+$0x0], $0xffff;
	(v2sf) =	vpush v58, $0xF  }
0x2e8: {  	v12 =	vor.u32 v19, v57;
	v59 =	vsub.f32 $1.000000000e+00, v8;
	v60 =	vsub.f32 $1.000000000e+00, v9  }
0x2e9: {  	v16 =	vld.idx.msk [tilespmem:v16+s18+$0x0], $0xffff  }
0x2ea: {  	v61 =	vmul.f32 v60, v59  }
0x2eb: {  	v17 =	vld.idx.msk [tilespmem:v17+s18+$0x0], $0xffff  }
0x2ec: {  	v19 =	vmul.f32 v60, v8;
	v18 =	vmul.f32 v61, v18  }
0x2ed: {  	v10 =	vor.u32 v11, v55;
	v62 =	vor.u32 v55, v54;
	v14 =	vor.u32 v13, v54;
	v12 =	vld.idx.msk [tilespmem:v12+s18+$0x0], $0xffff  }
0x2ee: {  	v15 =	vmul.f32 v59, v9;
	v16 =	vmul.f32 v19, v16;
	v18 =	vadd.f32 $0.0e+00, v18  }
0x2ef: {  	vm12 =	vlt.u32 v62, $0x100;
	vm13 =	vlt.u32 v14, $0x100;
	v8 =	vmul.f32 v9, v8  }
0x2f0: {  	v15 =	vmul.f32 v15, v17;
	v14 =	vnsel vm13, $0x0, v16;
	v63 =	vnsel vm12, $0x0, v18  }
0x2f1: {  	s24 =	sadd.s32 $0x1, s24;
	vm14 =	vlt.u32 v10, $0x100;
	v9 =	vadd.f32 v63, v14  }
0x2f2: {  	p0 =	sne.s32 s24, $0x6;
	v11 =	vor.u32 v13, v11;
	v8 =	vmul.f32 v8, v12;
	v10 =	vnsel vm14, $0x0, v15  }
.Ltmp33:
0x2f3: {  	vm15 =	vlt.u32 v11, $0x100;
	v9 =	vadd.f32 v9, v10;
	(pc) =	sbr.rel @p0 .LBB2_58-.Ltmp33, $4  }
0x2f4: {  	s31 =	spop (v2sf);
	v8 =	vnsel vm15, $0x0, v8  }
0x2f5: {  	s1 =	sadd.s32 s26, s31;
	s3 =	spop (v2sf);
	v8 =	vadd.f32 v9, v8  }
0x2f6: {  	[tilespmem:s1+$0x0] =	vst.msk vm0, v7;
	s4 =	spop (v2sf)  }
0x2f7: {  	s25 =	sadd.s32 $0x1880, s25;
	s29 =	sadd.s32 s0, s3;
	[tilespmem:s1+$0x9300] =	vst.msk vm0, v8;
	s26 =	sadd.s32 s1, s4  }
0x2f8: {  	s0 =	sadd.s32 s9, s23;
	s1 =	simm.s32 $0x0  }
0x2f9: {  	[hbm4b:s0+s1] =	stream.linear.scatter [tilespmem:s1], [sflag:$0x2], $0x24C0, $0x38;
	[tilespmem:$0x1F580] =	vst v63  }
0x2fa: {  	_ =	swait.ge [sflag:s16], $0x24C0  }
0x2fb: {  	[sflag:s16] =	ssyncset.done $0x0  }
0x2fc: {  	s30 =	sadd.s32 s10, s23;
	[sflag:s16] =	ssyncadd.s32 $0xFFFFDB40  }
0x2fd: {  	[hbm4b:s30+s1] =	stream.linear.scatter [tilespmem:s15], [sflag:$0x1], $0x24C0, $0x38;
	[tilespmem:$0x1F580] =	vst v63  }
.Ltmp34:
0x2fe: {  	_ =	swait.ge [sflag:s14], $0x24C0;
	(pc) =	sbr.rel .LBB2_62-.Ltmp34, $3  }
0x2ff: {  	s31 =	sld [smem:$0x7FD];
	_ =	sdelay $0x1  }
0x300: {  	[sflag:s14] =	ssyncset.done $0x0  }
0x301: {  	s2 =	simm.s32 $0x0;
	[sflag:s14] =	ssyncadd.s32 $0xFFFFDB40;
	p0 =	seq.s32 s31, $0x1  }
.LBB2_18:
.Ltmp35:
0x302: {  	(pc) =	sbr.rel .LBB2_31-.Ltmp35, $3  }
0x303: {  	_ =	sdelay $0x1  }
0x304: {  	s30 =	simm.s32 $0x0  }
0x305: {  	s20 =	simm.s32 $0x0;
	s21 =	simm.s32 $0x0;
	s19 =	simm.s32 $0x0  }
.LBB2_36:
.Ltmp36:
0x306: {  	(pc) =	sbr.rel .LBB2_49-.Ltmp36, $3  }
0x307: {  	_ =	sdelay $0x1  }
0x308: {  	s30 =	simm.s32 $0x0  }
0x309: {  	s28 =	simm.s32 $0x0;
	s21 =	simm.s32 $0x0;
	s19 =	simm.s32 $0x0  }
.LBB2_20:
.Ltmp37:
0x30a: {  	(pc) =	sbr.rel .LBB2_31-.Ltmp37, $3  }
0x30b: {  	_ =	sdelay $0x1  }
0x30c: {  	s30 =	simm.s32 $0x0;
	s31 =	simm.s32 $0x0  }
0x30d: {  	s20 =	simm.s32 $0x1;
	s21 =	simm.s32 $0x0;
	s19 =	simm.s32 $0x0  }
.LBB2_38:
.Ltmp38:
0x30e: {  	(pc) =	sbr.rel .LBB2_49-.Ltmp38, $3  }
0x30f: {  	_ =	sdelay $0x1  }
0x310: {  	s30 =	simm.s32 $0x0;
	s31 =	simm.s32 $0x0  }
0x311: {  	s28 =	simm.s32 $0x1;
	s21 =	simm.s32 $0x0;
	s19 =	simm.s32 $0x0  }
.LBB2_22:
.Ltmp39:
0x312: {  	(pc) =	sbr.rel .LBB2_31-.Ltmp39, $3  }
0x313: {  	_ =	sdelay $0x1  }
0x314: {  	s30 =	simm.s32 $0x0;
	s5 =	simm.s32 $0x0;
	s31 =	simm.s32 $0x1  }
0x315: {  	s20 =	simm.s32 $0x2;
	s21 =	simm.s32 $0x0;
	s19 =	simm.s32 $0x0  }
.LBB2_40:
.Ltmp40:
0x316: {  	(pc) =	sbr.rel .LBB2_49-.Ltmp40, $3  }
0x317: {  	_ =	sdelay $0x1  }
0x318: {  	s30 =	simm.s32 $0x0;
	s20 =	simm.s32 $0x0;
	s31 =	simm.s32 $0x1  }
0x319: {  	s28 =	simm.s32 $0x2;
	s21 =	simm.s32 $0x0;
	s19 =	simm.s32 $0x0  }
.LBB2_24:
.Ltmp41:
0x31a: {  	(pc) =	sbr.rel .LBB2_31-.Ltmp41, $3  }
0x31b: {  	_ =	sdelay $0x1  }
0x31c: {  	s30 =	simm.s32 $0x0;
	s5 =	simm.s32 $0x1;
	s31 =	simm.s32 $0x2  }
0x31d: {  	s21 =	simm.s32 $0x0;
	s19 =	simm.s32 $0x0;
	s4 =	simm.s32 $0x0  }
.LBB2_42:
.Ltmp42:
0x31e: {  	(pc) =	sbr.rel .LBB2_49-.Ltmp42, $3  }
0x31f: {  	_ =	sdelay $0x1  }
0x320: {  	s30 =	simm.s32 $0x0;
	s20 =	simm.s32 $0x1;
	s31 =	simm.s32 $0x2  }
0x321: {  	s21 =	simm.s32 $0x0;
	s19 =	simm.s32 $0x0;
	s13 =	simm.s32 $0x0  }
.LBB2_26:
.Ltmp43:
0x322: {  	(pc) =	sbr.rel .LBB2_31-.Ltmp43, $4  }
0x323: {  	_ = 	snop  }
0x324: {  	s30 =	simm.s32 $0x0;
	s5 =	simm.s32 $0x2  }
0x325: {  	s31 =	simm.s32 $0x3;
	s20 =	simm.s32 $0x4;
	s21 =	simm.s32 $0x0  }
0x326: {  	s19 =	simm.s32 $0x0;
	s13 =	simm.s32 $0x0;
	s4 =	simm.s32 $0x1  }
.LBB2_44:
.Ltmp44:
0x327: {  	(pc) =	sbr.rel .LBB2_49-.Ltmp44, $4  }
0x328: {  	_ = 	snop  }
0x329: {  	s30 =	simm.s32 $0x0;
	s20 =	simm.s32 $0x2  }
0x32a: {  	s31 =	simm.s32 $0x3;
	s28 =	simm.s32 $0x4;
	s21 =	simm.s32 $0x0  }
0x32b: {  	s19 =	simm.s32 $0x0;
	s4 =	simm.s32 $0x0;
	s13 =	simm.s32 $0x1  }
.LBB2_28:
.Ltmp45:
0x32c: {  	(pc) =	sbr.rel .LBB2_31-.Ltmp45, $4  }
0x32d: {  	_ = 	snop  }
0x32e: {  	s1 =	simm.s32 $0x0;
	s5 =	simm.s32 $0x3;
	s20 =	simm.s32 $0x5  }
0x32f: {  	s21 =	simm.s32 $0x0;
	s12 =	simm.s32 $0x0;
	s19 =	simm.s32 $0x0  }
0x330: {  	s13 =	simm.s32 $0x1;
	s4 =	simm.s32 $0x2;
	p5 =	por $0x1, $0x1  }
.LBB2_46:
.Ltmp46:
0x331: {  	(pc) =	sbr.rel .LBB2_49-.Ltmp46, $4  }
0x332: {  	_ = 	snop  }
0x333: {  	s1 =	simm.s32 $0x0;
	s20 =	simm.s32 $0x3;
	s28 =	simm.s32 $0x5  }
0x334: {  	s21 =	simm.s32 $0x0;
	s12 =	simm.s32 $0x0;
	s19 =	simm.s32 $0x0  }
0x335: {  	s4 =	simm.s32 $0x1;
	s13 =	simm.s32 $0x2;
	p6 =	por $0x1, $0x1  }
.LBB2_64:
0x336: {  	_ =	sfence.sel $0x180000  }
0x337: {  	[bflag:$0x0] =	sbarrier.arrive $0xFFFF  }
0x338: {  	_ =	strace $0x90000047  }
0x339: {  	s0 =	stileid.u32;
	[bflag:$0x2] =	sbarrier.arrive $0xFFFF  }
0x33a: {  	p0 =	sne.s32 s0, $0x0;
	s0 =	rddreg [dreg:$0x2]  }
0x33b: {  	s0 =	sadd.s32 @!p0 $0x100000, s0  }
0x33c: {  	[sflag:s0] =	ssyncadd.tile.s32 @!p0 $0x1;
	_ =	shalt  }
.Lfunc_end2:
_tile_overlayer_lowered:
.L_overlay_start_2:
0x33d: {  	(tag) =	ssettag $0x2  }
0x33e: {  	s0 =	rddreg [dreg:$0x0];
	s2 =	stileid.u32  }
0x33f: {  	s1 =	rddreg [dreg:$0x1];
	p0 =	sne.s32 s2, $0x0  }
0x340: {  	s3 =	rddreg [dreg:$0x2];
	[bflag:$0x3] =	sbarrier.arrive $0xFFFF;
	s2 =	simm.s32 @!p0 $0x1C01  }
0x341: {  	[timem:s3], [sflag:s2] =	dma.local @!p0 [hbm:s0], s1  }
0x342: {  	s0 =	simm.s32 @!p0 $0x1  }
0x343: {  	_ =	swait.ge @!p0 [sflag:s0], s1  }
0x344: {  	s1 =	ssub.s32 @!p0 $0x0, s1;
	[sflag:s0] =	ssyncset.done @!p0 $0x0  }
0x345: {  	[sflag:s0] =	ssyncadd.s32 @!p0 s1  }
0x346: {  	[bflag:$0x3] =	sbarrier.arrive $0xFFFF  }
0x347: {  	_ =	shalt  }

</sc_bundles>
